<compile_context>
chip_gen: v7x
topology: tpu7x:2x2x1
jax: 0.10.2.dev20260603
libtpu: 0.0.44.dev20260713+nightly
codegen_flags: <defaults>
</compile_context>

<pallas_src>
import functools

import jax
import jax.numpy as jnp
from jax import lax
from jax.experimental import pallas as pl
from jax.experimental.pallas import tpu as pltpu
from jax.experimental.pallas import tpu_sc as plsc

B = 64
V = 100000
K = 50
NS = 4
NB = 512
CAP = 256
L = 16
NVR = V // L
ROWS_PER_W = 2

U = 10
NCH = NVR // U
MAGIC = 2.0 ** 23


def _sc_body(logits_hbm, cand_x_hbm, cand_i_hbm, meta_hbm,
             row_v, bins_v, cmax_v, cx_v, ci_v, meta_v, dsem):
    wid = lax.axis_index("s") * 2 + lax.axis_index("c")
    lane = lax.iota(jnp.int32, L)
    lane_base = lane * NB
    magic_base = lane_base - jnp.int32(0x4B000000)
    for r in range(ROWS_PER_W):
        row = wid * ROWS_PER_W + r
        pltpu.async_copy(logits_hbm.at[row], row_v, dsem).wait()

        def p1(ci, carry):
            mxg = carry[0]
            mns = list(carry[1:])
            base = ci * (U * L)
            vs = [row_v[pl.ds(base + u * L, L)] for u in range(U)]
            t01 = jnp.maximum(vs[0], vs[1])
            t23 = jnp.maximum(vs[2], vs[3])
            t45 = jnp.maximum(vs[4], vs[5])
            t67 = jnp.maximum(vs[6], vs[7])
            t89 = jnp.maximum(vs[8], vs[9])
            lmax = jnp.maximum(
                jnp.maximum(jnp.maximum(t01, t23), jnp.maximum(t45, t67)),
                t89)
            cmax_v[pl.ds(ci * L, L)] = lmax
            for u in range(U):
                mns[u % 4] = jnp.minimum(mns[u % 4], vs[u])
            return (jnp.maximum(mxg, lmax),) + tuple(mns)
        st = lax.fori_loop(
            0, NCH, p1,
            tuple([jnp.full((L,), -jnp.inf, jnp.float32)]
                  + [jnp.full((L,), jnp.inf, jnp.float32)] * 4))
        m_hi = jnp.max(st[0])
        m_lo = jnp.min(jnp.minimum(jnp.minimum(st[1], st[2]),
                                   jnp.minimum(st[3], st[4])))
        scale = jnp.full((L,), jnp.float32(NB - 2)) / jnp.maximum(
            jnp.full((L,), m_hi - m_lo), jnp.float32(1e-30))

        def zbins(j, c):
            for u in range(16):
                bins_v[pl.ds((j * 16 + u) * L, L)] = jnp.zeros((L,), jnp.int32)
            return c
        lax.fori_loop(0, NB // 16, zbins, 0)

        def to_idx(v):
            t = (v - m_lo) * scale + jnp.float32(MAGIC)
            return plsc.bitcast(t, jnp.int32) + magic_base

        def find_thr():
            def t_body(j, carry):
                jj = (NB // 16 - 1) - j
                cum_above, t_best = carry
                tot = bins_v[pl.ds(jj * 16, 16)]
                for l in range(1, L):
                    tot = tot + bins_v[pl.ds(l * NB + jj * 16, 16)]
                suf = lax.rev(plsc.cumsum(lax.rev(tot, (0,))), (0,))
                r_cnt = suf + cum_above
                binidx = jj * 16 + lane
                cand = jnp.max(jnp.where(r_cnt >= K, binidx, -1))
                t_best = jnp.maximum(t_best, cand)
                return cum_above + jnp.sum(tot), t_best
            _, t = lax.fori_loop(
                0, NB // 16, t_body, (jnp.int32(0), jnp.int32(-1)))
            return jnp.maximum(t, 0)

        ones = jnp.ones((L,), jnp.int32)
        def p2(ci, carry):
            acc_a, acc_b = carry
            base = ci * (U * L)
            vs = [row_v[pl.ds(base + u * L, L)] for u in range(U)]
            idxs = [to_idx(v) for v in vs]
            for u in range(U):
                e = jnp.exp(vs[u] - m_hi)
                if u % 2 == 0:
                    acc_a = acc_a + e
                else:
                    acc_b = acc_b + e
            for u in range(U):
                plsc.addupdate_scatter(bins_v, [idxs[u]], ones)
            return acc_a, acc_b
        acc_a, acc_b = lax.fori_loop(
            0, NCH, p2,
            (jnp.zeros((L,), jnp.float32), jnp.zeros((L,), jnp.float32)))
        s_sum = jnp.sum(acc_a + acc_b)

        thr = find_thr()

        def zc(i, c):
            cx_v[pl.ds(i * L, L)] = jnp.zeros((L,), jnp.float32)
            ci_v[pl.ds(i * L, L)] = jnp.zeros((L,), jnp.int32)
            return c
        lax.fori_loop(0, CAP // L, zc, 0)

        thr_vec = thr + lane_base
        def p3(ci, off):
            cm = cmax_v[pl.ds(ci * L, L)]
            nhit = plsc.all_reduce_population_count(to_idx(cm) >= thr_vec)
            def hit(off):
                base = ci * (U * L)
                vs = [row_v[pl.ds(base + u * L, L)] for u in range(U)]
                msks = [to_idx(v) >= thr_vec for v in vs]
                for u in range(U):
                    offc = jnp.minimum(off, CAP - L)
                    plsc.store_compressed(
                        cx_v.at[pl.ds(offc, L)], vs[u], mask=msks[u])
                    plsc.store_compressed(
                        ci_v.at[pl.ds(offc, L)], base + u * L + lane,
                        mask=msks[u])
                    off = off + jnp.sum(msks[u].astype(jnp.int32))
                return off
            return lax.cond(nhit[0] > 0, hit, lambda o: o, off)
        off = lax.fori_loop(0, NCH, p3, jnp.int32(0))
        cnt = jnp.minimum(off, CAP)

        meta_v[...] = jnp.where(
            lane == 0, m_hi,
            jnp.where(lane == 1, s_sum,
                      jnp.where(lane == 2, cnt.astype(jnp.float32),
                                jnp.float32(0))))
        pltpu.sync_copy(cx_v, cand_x_hbm.at[row])
        pltpu.sync_copy(ci_v, cand_i_hbm.at[row])
        pltpu.sync_copy(meta_v, meta_hbm.at[row])


_sc_select = functools.partial(
    pl.kernel,
    out_type=(jax.ShapeDtypeStruct((B, CAP), jnp.float32),
              jax.ShapeDtypeStruct((B, CAP), jnp.int32),
              jax.ShapeDtypeStruct((B, L), jnp.float32)),
    mesh=plsc.VectorSubcoreMesh(core_axis_name="c", subcore_axis_name="s"),
    compiler_params=pltpu.CompilerParams(needs_layout_passes=False),
    scratch_types=[
        pltpu.VMEM((V,), jnp.float32),
        pltpu.VMEM((NB * L,), jnp.int32),
        pltpu.VMEM((NCH * L,), jnp.float32),
        pltpu.VMEM((CAP,), jnp.float32),
        pltpu.VMEM((CAP,), jnp.int32),
        pltpu.VMEM((L,), jnp.float32),
        pltpu.SemaphoreType.DMA,
    ],
)(_sc_body)


def _tc_body(cx_ref, ci_ref, meta_ref, g_ref, probs_ref, tok_ref):
    m_hi = meta_ref[:, 0:1]
    s_sum = meta_ref[:, 1:2]
    cnt = meta_ref[:, 2:3].astype(jnp.int32)
    cx = cx_ref[...]
    ci = ci_ref[...]
    col = lax.broadcasted_iota(jnp.int32, (B, CAP), 1)
    e0 = jnp.where(col < cnt, jnp.exp(cx - m_hi), -1.0)
    kcol = lax.broadcasted_iota(jnp.int32, (B, K), 1)
    big = jnp.int32(1 << 30)

    def sel(k, carry):
        e, te, ti = carry
        vm = jnp.max(e, axis=1, keepdims=True)
        pos = jnp.min(jnp.where(e == vm, col, big), axis=1, keepdims=True)
        hit = col == pos
        tok = jnp.sum(jnp.where(hit, ci, 0), axis=1, keepdims=True)
        onek = kcol == k
        te = te + jnp.where(onek, vm, jnp.float32(0))
        ti = ti + jnp.where(onek, tok, 0)
        return jnp.where(hit, -1.0, e), te, ti

    _, te, ti = lax.fori_loop(
        0, K, sel,
        (e0, jnp.zeros((B, K), jnp.float32), jnp.zeros((B, K), jnp.int32)))

    tv = te / s_sum
    fp = tv / jnp.sum(tv)
    probs_ref[...] = fp

    lfp = jnp.log(fp + 1e-20)
    rowi = lax.broadcasted_iota(jnp.int32, (B, K), 0)
    flatid = rowi * K + kcol
    s4 = lax.broadcasted_iota(jnp.int32, (NS,), 0)
    tk = jnp.zeros((NS,), jnp.int32)
    for s in range(NS):
        sc = lfp + g_ref[s]
        mxv = jnp.max(sc)
        f = jnp.min(jnp.where(sc == mxv, flatid, big))
        tok_s = jnp.sum(jnp.where(flatid == f, ti, 0))
        tk = tk + jnp.where(s4 == s, tok_s, 0)
    tok_ref[...] = tk


def kernel(logits):
    cand_x, cand_i, meta = _sc_select(logits)
    g = jax.random.gumbel(
        jax.random.key(42), (NS, B * K), jnp.float32).reshape(NS, B, K)
    fp, tk = pl.pallas_call(
        _tc_body,
        out_shape=(jax.ShapeDtypeStruct((B, K), jnp.float32),
                   jax.ShapeDtypeStruct((NS,), jnp.int32)),
    )(cand_x, cand_i, meta, g)
    return tk, fp.reshape(-1)

# --- scband reference (transcript-rebuilt; emitter-appended) ---
"""Pipeline reference for scband-caption-sampler-67010079752573 (READ-ONLY COPY).

The authoritative reference and input builder live on the scoring server;
editing this copy changes nothing except your own understanding.
"""

import jax, jax.numpy as jnp
import numpy as np

TOP_K = 50
NUM_SAMPLES = 4

def setup_inputs(seed: int = 0) -> dict:
    key = jax.random.key(seed)
    logits = jax.random.normal(key, (64, 100000), dtype=jnp.float32)
    return {"logits": logits}

def reference(logits):
    # CaptionSampler.sample_token core: softmax over vocab, truncate via top-k
    # (the `sampler`/`truncate` callable), renormalize the gathered truncated
    # probs globally (probs is flat after fancy-indexing in torch, so the
    # sum is over all B*k entries), then multinomial-sample num_samples ids.
    probs = jax.nn.softmax(logits, axis=-1)            # [B, V]
    top_vals, top_idx = jax.lax.top_k(probs, TOP_K)    # [B, k], [B, k]
    flat_vals = top_vals.reshape(-1)                   # [B*k] == probs[idx[:,0], idx[:,1]]
    flat_probs = flat_vals / jnp.sum(flat_vals)        # probs / probs.sum(-1, keepdim)
    skey = jax.random.key(42)
    sample = jax.random.categorical(skey, jnp.log(flat_probs + 1e-20), shape=(NUM_SAMPLES,))
    rows = sample // TOP_K                             # idx[sample][:, 0] -> hypo rows
    cols = sample % TOP_K
    tokens = top_idx[rows, cols]                       # idx[sample][:, 1]
    return (tokens, flat_probs)

if __name__ == "__main__":
    import jax
    _d = setup_inputs()
    print(jax.jit(kernel)(*tuple(_d.values())))

</pallas_src>

<mosaic_0001>
#map = affine_map<(d0, d1) -> (0, 0)>
module attributes {stable_mosaic.version = 14 : i64} {
  func.func @_sc_body(%arg0: i32, %arg1: i32, %arg2: memref<64x100000xf32, #tpu.memory_space<hbm>>, %arg3: memref<64x256xf32, #tpu.memory_space<hbm>>, %arg4: memref<64x256xi32, #tpu.memory_space<hbm>>, %arg5: memref<64x16xf32, #tpu.memory_space<hbm>>, %arg6: memref<100000xf32, #tpu.memory_space<vmem>>, %arg7: memref<8192xi32, #tpu.memory_space<vmem>>, %arg8: memref<10000xf32, #tpu.memory_space<vmem>>, %arg9: memref<256xf32, #tpu.memory_space<vmem>>, %arg10: memref<256xi32, #tpu.memory_space<vmem>>, %arg11: memref<16xf32, #tpu.memory_space<vmem>>, %arg12: memref<!tpu.dma_semaphore, #tpu.memory_space<semaphore_mem>>) attributes {dimension_semantics = [#tpu.dimension_semantics<core_parallel>, #tpu.dimension_semantics<subcore_parallel>], iteration_bounds = array<i64: 2, 16>, scalar_prefetch = 0 : i64, scratch_operands = 7 : i64, tpu.core_type = #tpu.core_type<sc_vector_subcore>, window_params = [{transform_indices = #map}, {transform_indices = #map}, {transform_indices = #map}, {transform_indices = #map}]} {
    %mul3A = arith.constant 2 : i32
    %mul3A_0 = arith.muli %arg1, %mul3A : i32
    %add3A = arith.addi %mul3A_0, %arg0 : i32
    %iota3A = tpu.iota {dimensions = array<i32: 0>} : vector<16xi32>
    %mul3A_1 = arith.constant 512 : i32
    %mul3A_2 = vector.broadcast %mul3A_1 : i32 to vector<16xi32>
    %mul3A_3 = arith.muli %iota3A, %mul3A_2 : vector<16xi32>
    %sub3A = arith.constant 1258291200 : i32
    %sub3A_4 = vector.broadcast %sub3A : i32 to vector<16xi32>
    %sub3A_5 = arith.subi %mul3A_3, %sub3A_4 : vector<16xi32>
    %mul3A_6 = arith.constant 2 : i32
    %mul3A_7 = arith.muli %add3A, %mul3A_6 : i32
    %add3A_8 = arith.constant 0 : i32
    %add3A_9 = arith.addi %mul3A_7, %add3A_8 : i32
    %dma_start3A = arith.constant 0 : i32
    %dma_start3A_10 = tpu.memref_slice %arg2[%add3A_9, %dma_start3A] : memref<64x100000xf32, #tpu.memory_space<hbm>> -> memref<1x100000xf32, #tpu.memory_space<hbm>>
    %dma_start3A_11 = tpu.memref_squeeze %dma_start3A_10 : memref<1x100000xf32, #tpu.memory_space<hbm>> -> memref<100000xf32, #tpu.memory_space<hbm>>
    %dma_start3A_12 = arith.constant 0 : i32
    %dma_start3A_13 = tpu.memref_slice %arg2[%add3A_9, %dma_start3A_12] : memref<64x100000xf32, #tpu.memory_space<hbm>> -> memref<1x100000xf32, #tpu.memory_space<hbm>>
    %dma_start3A_14 = tpu.memref_squeeze %dma_start3A_13 : memref<1x100000xf32, #tpu.memory_space<hbm>> -> memref<100000xf32, #tpu.memory_space<hbm>>
    tpu.enqueue_dma source(%dma_start3A_14 : memref<100000xf32, #tpu.memory_space<hbm>>) target(%arg6 : memref<100000xf32, #tpu.memory_space<vmem>>) target_semaphore(%arg12 : memref<!tpu.dma_semaphore, #tpu.memory_space<semaphore_mem>>)
    %dma_wait3A = arith.constant 0 : i32
    %dma_wait3A_15 = tpu.memref_slice %arg2[%add3A_9, %dma_wait3A] : memref<64x100000xf32, #tpu.memory_space<hbm>> -> memref<1x100000xf32, #tpu.memory_space<hbm>>
    %dma_wait3A_16 = tpu.memref_squeeze %dma_wait3A_15 : memref<1x100000xf32, #tpu.memory_space<hbm>> -> memref<100000xf32, #tpu.memory_space<hbm>>
    %dma_wait3A_17 = arith.constant 0 : i32
    %dma_wait3A_18 = tpu.memref_slice %arg2[%add3A_9, %dma_wait3A_17] : memref<64x100000xf32, #tpu.memory_space<hbm>> -> memref<1x100000xf32, #tpu.memory_space<hbm>>
    %dma_wait3A_19 = tpu.memref_squeeze %dma_wait3A_18 : memref<1x100000xf32, #tpu.memory_space<hbm>> -> memref<100000xf32, #tpu.memory_space<hbm>>
    tpu.wait_dma2 semaphore(%arg12 : memref<!tpu.dma_semaphore, #tpu.memory_space<semaphore_mem>>) src(%dma_wait3A_19 : memref<100000xf32, #tpu.memory_space<hbm>>) dst(%arg6 : memref<100000xf32, #tpu.memory_space<vmem>>)
    %broadcast_in_dim3A = arith.constant 0xFF800000 : f32
    %broadcast_in_dim3A_20 = vector.broadcast %broadcast_in_dim3A : f32 to vector<16xf32>
    %broadcast_in_dim3A_21 = arith.constant 0x7F800000 : f32
    %broadcast_in_dim3A_22 = vector.broadcast %broadcast_in_dim3A_21 : f32 to vector<16xf32>
    %scan3A = arith.constant 0 : i32
    %scan3A_23 = arith.constant 625 : i32
    %scan3A_24 = arith.addi %scan3A, %scan3A_23 : i32
    %scan3A_25 = arith.constant 1 : i32
    %scan3A_26:5 = scf.for %scan3A_221 = %scan3A to %scan3A_24 step %scan3A_25 iter_args(%scan3A_222 = %broadcast_in_dim3A_20, %scan3A_223 = %broadcast_in_dim3A_22, %scan3A_224 = %broadcast_in_dim3A_22, %scan3A_225 = %broadcast_in_dim3A_22, %scan3A_226 = %broadcast_in_dim3A_22) -> (vector<16xf32>, vector<16xf32>, vector<16xf32>, vector<16xf32>, vector<16xf32>)  : i32 {
      %mul3A_227 = arith.constant 160 : i32
      %mul3A_228 = arith.muli %scan3A_221, %mul3A_227 : i32
      %add3A_229 = arith.constant 0 : i32
      %add3A_230 = arith.addi %mul3A_228, %add3A_229 : i32
      %get3A = arith.index_cast %add3A_230 : i32 to index
      %get3A_231 = tpu.vector_load %arg6[%get3A] {strides = array<i32>} : memref<100000xf32, #tpu.memory_space<vmem>>, vector<16xf32>,
      %add3A_232 = arith.constant 16 : i32
      %add3A_233 = arith.addi %mul3A_228, %add3A_232 : i32
      %get3A_234 = arith.index_cast %add3A_233 : i32 to index
      %get3A_235 = tpu.vector_load %arg6[%get3A_234] {strides = array<i32>} : memref<100000xf32, #tpu.memory_space<vmem>>, vector<16xf32>,
      %add3A_236 = arith.constant 32 : i32
      %add3A_237 = arith.addi %mul3A_228, %add3A_236 : i32
      %get3A_238 = arith.index_cast %add3A_237 : i32 to index
      %get3A_239 = tpu.vector_load %arg6[%get3A_238] {strides = array<i32>} : memref<100000xf32, #tpu.memory_space<vmem>>, vector<16xf32>,
      %add3A_240 = arith.constant 48 : i32
      %add3A_241 = arith.addi %mul3A_228, %add3A_240 : i32
      %get3A_242 = arith.index_cast %add3A_241 : i32 to index
      %get3A_243 = tpu.vector_load %arg6[%get3A_242] {strides = array<i32>} : memref<100000xf32, #tpu.memory_space<vmem>>, vector<16xf32>,
      %add3A_244 = arith.constant 64 : i32
      %add3A_245 = arith.addi %mul3A_228, %add3A_244 : i32
      %get3A_246 = arith.index_cast %add3A_245 : i32 to index
      %get3A_247 = tpu.vector_load %arg6[%get3A_246] {strides = array<i32>} : memref<100000xf32, #tpu.memory_space<vmem>>, vector<16xf32>,
      %add3A_248 = arith.constant 80 : i32
      %add3A_249 = arith.addi %mul3A_228, %add3A_248 : i32
      %get3A_250 = arith.index_cast %add3A_249 : i32 to index
      %get3A_251 = tpu.vector_load %arg6[%get3A_250] {strides = array<i32>} : memref<100000xf32, #tpu.memory_space<vmem>>, vector<16xf32>,
      %add3A_252 = arith.constant 96 : i32
      %add3A_253 = arith.addi %mul3A_228, %add3A_252 : i32
      %get3A_254 = arith.index_cast %add3A_253 : i32 to index
      %get3A_255 = tpu.vector_load %arg6[%get3A_254] {strides = array<i32>} : memref<100000xf32, #tpu.memory_space<vmem>>, vector<16xf32>,
      %add3A_256 = arith.constant 112 : i32
      %add3A_257 = arith.addi %mul3A_228, %add3A_256 : i32
      %get3A_258 = arith.index_cast %add3A_257 : i32 to index
      %get3A_259 = tpu.vector_load %arg6[%get3A_258] {strides = array<i32>} : memref<100000xf32, #tpu.memory_space<vmem>>, vector<16xf32>,
      %add3A_260 = arith.constant 128 : i32
      %add3A_261 = arith.addi %mul3A_228, %add3A_260 : i32
      %get3A_262 = arith.index_cast %add3A_261 : i32 to index
      %get3A_263 = tpu.vector_load %arg6[%get3A_262] {strides = array<i32>} : memref<100000xf32, #tpu.memory_space<vmem>>, vector<16xf32>,
      %add3A_264 = arith.constant 144 : i32
      %add3A_265 = arith.addi %mul3A_228, %add3A_264 : i32
      %get3A_266 = arith.index_cast %add3A_265 : i32 to index
      %get3A_267 = tpu.vector_load %arg6[%get3A_266] {strides = array<i32>} : memref<100000xf32, #tpu.memory_space<vmem>>, vector<16xf32>,
      %max3A_268 = arith.maximumf %get3A_231, %get3A_235 : vector<16xf32>
      %max3A_269 = arith.maximumf %get3A_239, %get3A_243 : vector<16xf32>
      %max3A_270 = arith.maximumf %get3A_247, %get3A_251 : vector<16xf32>
      %max3A_271 = arith.maximumf %get3A_255, %get3A_259 : vector<16xf32>
      %max3A_272 = arith.maximumf %get3A_263, %get3A_267 : vector<16xf32>
      %max3A_273 = arith.maximumf %max3A_268, %max3A_269 : vector<16xf32>
      %max3A_274 = arith.maximumf %max3A_270, %max3A_271 : vector<16xf32>
      %max3A_275 = arith.maximumf %max3A_273, %max3A_274 : vector<16xf32>
      %max3A_276 = arith.maximumf %max3A_275, %max3A_272 : vector<16xf32>
      %mul3A_277 = arith.constant 16 : i32
      %mul3A_278 = arith.muli %scan3A_221, %mul3A_277 : i32
      %swap3A_279 = arith.index_cast %mul3A_278 : i32 to index
      %swap3A_280 = tpu.vector_load %arg8[%swap3A_279] {strides = array<i32>} : memref<10000xf32, #tpu.memory_space<vmem>>, vector<16xf32>,
      tpu.vector_store %arg8[%swap3A_279], %max3A_276 {strides = array<i32>} : memref<10000xf32, #tpu.memory_space<vmem>>, vector<16xf32>,
      %min3A_281 = arith.minimumf %scan3A_223, %get3A_231 : vector<16xf32>
      %min3A_282 = arith.minimumf %scan3A_224, %get3A_235 : vector<16xf32>
      %min3A_283 = arith.minimumf %scan3A_225, %get3A_239 : vector<16xf32>
      %min3A_284 = arith.minimumf %scan3A_226, %get3A_243 : vector<16xf32>
      %min3A_285 = arith.minimumf %min3A_281, %get3A_247 : vector<16xf32>
      %min3A_286 = arith.minimumf %min3A_282, %get3A_251 : vector<16xf32>
      %min3A_287 = arith.minimumf %min3A_283, %get3A_255 : vector<16xf32>
      %min3A_288 = arith.minimumf %min3A_284, %get3A_259 : vector<16xf32>
      %min3A_289 = arith.minimumf %min3A_285, %get3A_263 : vector<16xf32>
      %min3A_290 = arith.minimumf %min3A_286, %get3A_267 : vector<16xf32>
      %max3A_291 = arith.maximumf %scan3A_222, %max3A_276 : vector<16xf32>
      scf.yield %max3A_291, %min3A_289, %min3A_290, %min3A_287, %min3A_288 : vector<16xf32>, vector<16xf32>, vector<16xf32>, vector<16xf32>, vector<16xf32>
    }
    %scan3A_27 = arith.constant 625 : i32
    %reduce_max3A = arith.constant true
    %reduce_max3A_28 = vector.broadcast %reduce_max3A : i1 to vector<16xi1>
    %reduce_max3A_29 = tpu.scan <max>, %scan3A_26#0 masked %reduce_max3A_28 : vector<16xf32>, vector<16xi1> -> vector<16xf32>
    %reduce_max3A_30 = vector.extract %reduce_max3A_29[15] : f32 from vector<16xf32>
    %min3A = arith.minimumf %scan3A_26#1, %scan3A_26#2 : vector<16xf32>
    %min3A_31 = arith.minimumf %scan3A_26#3, %scan3A_26#4 : vector<16xf32>
    %min3A_32 = arith.minimumf %min3A, %min3A_31 : vector<16xf32>
    %reduce_min3A = arith.constant true
    %reduce_min3A_33 = vector.broadcast %reduce_min3A : i1 to vector<16xi1>
    %reduce_min3A_34 = tpu.scan <min>, %min3A_32 masked %reduce_min3A_33 : vector<16xf32>, vector<16xi1> -> vector<16xf32>
    %reduce_min3A_35 = vector.extract %reduce_min3A_34[15] : f32 from vector<16xf32>
    %broadcast_in_dim3A_36 = arith.constant 5.100000e+02 : f32
    %broadcast_in_dim3A_37 = vector.broadcast %broadcast_in_dim3A_36 : f32 to vector<16xf32>
    %sub3A_38 = arith.subf %reduce_max3A_30, %reduce_min3A_35 : f32
    %broadcast_in_dim3A_39 = vector.broadcast %sub3A_38 : f32 to vector<16xf32>
    %max3A = arith.constant 1.000000e-30 : f32
    %max3A_40 = vector.broadcast %max3A : f32 to vector<16xf32>
    %max3A_41 = arith.maximumf %broadcast_in_dim3A_39, %max3A_40 : vector<16xf32>
    %div3A = arith.divf %broadcast_in_dim3A_37, %max3A_41 : vector<16xf32>
    %scan3A_42 = arith.constant 0 : i32
    %scan3A_43 = arith.constant 0 : i32
    %scan3A_44 = arith.constant 32 : i32
    %scan3A_45 = arith.addi %scan3A_43, %scan3A_44 : i32
    %scan3A_46 = arith.constant 1 : i32
    scf.for %scan3A_221 = %scan3A_43 to %scan3A_45 step %scan3A_46  : i32 {
      %broadcast_in_dim3A_222 = arith.constant 0 : i32
      %broadcast_in_dim3A_223 = vector.broadcast %broadcast_in_dim3A_222 : i32 to vector<16xi32>
      %mul3A_224 = arith.constant 16 : i32
      %mul3A_225 = arith.muli %scan3A_221, %mul3A_224 : i32
      %add3A_226 = arith.constant 0 : i32
      %add3A_227 = arith.addi %mul3A_225, %add3A_226 : i32
      %mul3A_228 = arith.constant 16 : i32
      %mul3A_229 = arith.muli %add3A_227, %mul3A_228 : i32
      %swap3A_230 = arith.index_cast %mul3A_229 : i32 to index
      %swap3A_231 = tpu.vector_load %arg7[%swap3A_230] {strides = array<i32>} : memref<8192xi32, #tpu.memory_space<vmem>>, vector<16xi32>,
      tpu.vector_store %arg7[%swap3A_230], %broadcast_in_dim3A_223 {strides = array<i32>} : memref<8192xi32, #tpu.memory_space<vmem>>, vector<16xi32>,
      %broadcast_in_dim3A_232 = arith.constant 0 : i32
      %broadcast_in_dim3A_233 = vector.broadcast %broadcast_in_dim3A_232 : i32 to vector<16xi32>
      %mul3A_234 = arith.constant 16 : i32
      %mul3A_235 = arith.muli %scan3A_221, %mul3A_234 : i32
      %add3A_236 = arith.constant 1 : i32
      %add3A_237 = arith.addi %mul3A_235, %add3A_236 : i32
      %mul3A_238 = arith.constant 16 : i32
      %mul3A_239 = arith.muli %add3A_237, %mul3A_238 : i32
      %swap3A_240 = arith.index_cast %mul3A_239 : i32 to index
      %swap3A_241 = tpu.vector_load %arg7[%swap3A_240] {strides = array<i32>} : memref<8192xi32, #tpu.memory_space<vmem>>, vector<16xi32>,
      tpu.vector_store %arg7[%swap3A_240], %broadcast_in_dim3A_233 {strides = array<i32>} : memref<8192xi32, #tpu.memory_space<vmem>>, vector<16xi32>,
      %broadcast_in_dim3A_242 = arith.constant 0 : i32
      %broadcast_in_dim3A_243 = vector.broadcast %broadcast_in_dim3A_242 : i32 to vector<16xi32>
      %mul3A_244 = arith.constant 16 : i32
      %mul3A_245 = arith.muli %scan3A_221, %mul3A_244 : i32
      %add3A_246 = arith.constant 2 : i32
      %add3A_247 = arith.addi %mul3A_245, %add3A_246 : i32
      %mul3A_248 = arith.constant 16 : i32
      %mul3A_249 = arith.muli %add3A_247, %mul3A_248 : i32
      %swap3A_250 = arith.index_cast %mul3A_249 : i32 to index
      %swap3A_251 = tpu.vector_load %arg7[%swap3A_250] {strides = array<i32>} : memref<8192xi32, #tpu.memory_space<vmem>>, vector<16xi32>,
      tpu.vector_store %arg7[%swap3A_250], %broadcast_in_dim3A_243 {strides = array<i32>} : memref<8192xi32, #tpu.memory_space<vmem>>, vector<16xi32>,
      %broadcast_in_dim3A_252 = arith.constant 0 : i32
      %broadcast_in_dim3A_253 = vector.broadcast %broadcast_in_dim3A_252 : i32 to vector<16xi32>
      %mul3A_254 = arith.constant 16 : i32
      %mul3A_255 = arith.muli %scan3A_221, %mul3A_254 : i32
      %add3A_256 = arith.constant 3 : i32
      %add3A_257 = arith.addi %mul3A_255, %add3A_256 : i32
      %mul3A_258 = arith.constant 16 : i32
      %mul3A_259 = arith.muli %add3A_257, %mul3A_258 : i32
      %swap3A_260 = arith.index_cast %mul3A_259 : i32 to index
      %swap3A_261 = tpu.vector_load %arg7[%swap3A_260] {strides = array<i32>} : memref<8192xi32, #tpu.memory_space<vmem>>, vector<16xi32>,
      tpu.vector_store %arg7[%swap3A_260], %broadcast_in_dim3A_253 {strides = array<i32>} : memref<8192xi32, #tpu.memory_space<vmem>>, vector<16xi32>,
      %broadcast_in_dim3A_262 = arith.constant 0 : i32
      %broadcast_in_dim3A_263 = vector.broadcast %broadcast_in_dim3A_262 : i32 to vector<16xi32>
      %mul3A_264 = arith.constant 16 : i32
      %mul3A_265 = arith.muli %scan3A_221, %mul3A_264 : i32
      %add3A_266 = arith.constant 4 : i32
      %add3A_267 = arith.addi %mul3A_265, %add3A_266 : i32
      %mul3A_268 = arith.constant 16 : i32
      %mul3A_269 = arith.muli %add3A_267, %mul3A_268 : i32
      %swap3A_270 = arith.index_cast %mul3A_269 : i32 to index
      %swap3A_271 = tpu.vector_load %arg7[%swap3A_270] {strides = array<i32>} : memref<8192xi32, #tpu.memory_space<vmem>>, vector<16xi32>,
      tpu.vector_store %arg7[%swap3A_270], %broadcast_in_dim3A_263 {strides = array<i32>} : memref<8192xi32, #tpu.memory_space<vmem>>, vector<16xi32>,
      %broadcast_in_dim3A_272 = arith.constant 0 : i32
      %broadcast_in_dim3A_273 = vector.broadcast %broadcast_in_dim3A_272 : i32 to vector<16xi32>
      %mul3A_274 = arith.constant 16 : i32
      %mul3A_275 = arith.muli %scan3A_221, %mul3A_274 : i32
      %add3A_276 = arith.constant 5 : i32
      %add3A_277 = arith.addi %mul3A_275, %add3A_276 : i32
      %mul3A_278 = arith.constant 16 : i32
      %mul3A_279 = arith.muli %add3A_277, %mul3A_278 : i32
      %swap3A_280 = arith.index_cast %mul3A_279 : i32 to index
      %swap3A_281 = tpu.vector_load %arg7[%swap3A_280] {strides = array<i32>} : memref<8192xi32, #tpu.memory_space<vmem>>, vector<16xi32>,
      tpu.vector_store %arg7[%swap3A_280], %broadcast_in_dim3A_273 {strides = array<i32>} : memref<8192xi32, #tpu.memory_space<vmem>>, vector<16xi32>,
      %broadcast_in_dim3A_282 = arith.constant 0 : i32
      %broadcast_in_dim3A_283 = vector.broadcast %broadcast_in_dim3A_282 : i32 to vector<16xi32>
      %mul3A_284 = arith.constant 16 : i32
      %mul3A_285 = arith.muli %scan3A_221, %mul3A_284 : i32
      %add3A_286 = arith.constant 6 : i32
      %add3A_287 = arith.addi %mul3A_285, %add3A_286 : i32
      %mul3A_288 = arith.constant 16 : i32
      %mul3A_289 = arith.muli %add3A_287, %mul3A_288 : i32
      %swap3A_290 = arith.index_cast %mul3A_289 : i32 to index
      %swap3A_291 = tpu.vector_load %arg7[%swap3A_290] {strides = array<i32>} : memref<8192xi32, #tpu.memory_space<vmem>>, vector<16xi32>,
      tpu.vector_store %arg7[%swap3A_290], %broadcast_in_dim3A_283 {strides = array<i32>} : memref<8192xi32, #tpu.memory_space<vmem>>, vector<16xi32>,
      %broadcast_in_dim3A_292 = arith.constant 0 : i32
      %broadcast_in_dim3A_293 = vector.broadcast %broadcast_in_dim3A_292 : i32 to vector<16xi32>
      %mul3A_294 = arith.constant 16 : i32
      %mul3A_295 = arith.muli %scan3A_221, %mul3A_294 : i32
      %add3A_296 = arith.constant 7 : i32
      %add3A_297 = arith.addi %mul3A_295, %add3A_296 : i32
      %mul3A_298 = arith.constant 16 : i32
      %mul3A_299 = arith.muli %add3A_297, %mul3A_298 : i32
      %swap3A_300 = arith.index_cast %mul3A_299 : i32 to index
      %swap3A_301 = tpu.vector_load %arg7[%swap3A_300] {strides = array<i32>} : memref<8192xi32, #tpu.memory_space<vmem>>, vector<16xi32>,
      tpu.vector_store %arg7[%swap3A_300], %broadcast_in_dim3A_293 {strides = array<i32>} : memref<8192xi32, #tpu.memory_space<vmem>>, vector<16xi32>,
      %broadcast_in_dim3A_302 = arith.constant 0 : i32
      %broadcast_in_dim3A_303 = vector.broadcast %broadcast_in_dim3A_302 : i32 to vector<16xi32>
      %mul3A_304 = arith.constant 16 : i32
      %mul3A_305 = arith.muli %scan3A_221, %mul3A_304 : i32
      %add3A_306 = arith.constant 8 : i32
      %add3A_307 = arith.addi %mul3A_305, %add3A_306 : i32
      %mul3A_308 = arith.constant 16 : i32
      %mul3A_309 = arith.muli %add3A_307, %mul3A_308 : i32
      %swap3A_310 = arith.index_cast %mul3A_309 : i32 to index
      %swap3A_311 = tpu.vector_load %arg7[%swap3A_310] {strides = array<i32>} : memref<8192xi32, #tpu.memory_space<vmem>>, vector<16xi32>,
      tpu.vector_store %arg7[%swap3A_310], %broadcast_in_dim3A_303 {strides = array<i32>} : memref<8192xi32, #tpu.memory_space<vmem>>, vector<16xi32>,
      %broadcast_in_dim3A_312 = arith.constant 0 : i32
      %broadcast_in_dim3A_313 = vector.broadcast %broadcast_in_dim3A_312 : i32 to vector<16xi32>
      %mul3A_314 = arith.constant 16 : i32
      %mul3A_315 = arith.muli %scan3A_221, %mul3A_314 : i32
      %add3A_316 = arith.constant 9 : i32
      %add3A_317 = arith.addi %mul3A_315, %add3A_316 : i32
      %mul3A_318 = arith.constant 16 : i32
      %mul3A_319 = arith.muli %add3A_317, %mul3A_318 : i32
      %swap3A_320 = arith.index_cast %mul3A_319 : i32 to index
      %swap3A_321 = tpu.vector_load %arg7[%swap3A_320] {strides = array<i32>} : memref<8192xi32, #tpu.memory_space<vmem>>, vector<16xi32>,
      tpu.vector_store %arg7[%swap3A_320], %broadcast_in_dim3A_313 {strides = array<i32>} : memref<8192xi32, #tpu.memory_space<vmem>>, vector<16xi32>,
      %broadcast_in_dim3A_322 = arith.constant 0 : i32
      %broadcast_in_dim3A_323 = vector.broadcast %broadcast_in_dim3A_322 : i32 to vector<16xi32>
      %mul3A_324 = arith.constant 16 : i32
      %mul3A_325 = arith.muli %scan3A_221, %mul3A_324 : i32
      %add3A_326 = arith.constant 10 : i32
      %add3A_327 = arith.addi %mul3A_325, %add3A_326 : i32
      %mul3A_328 = arith.constant 16 : i32
      %mul3A_329 = arith.muli %add3A_327, %mul3A_328 : i32
      %swap3A_330 = arith.index_cast %mul3A_329 : i32 to index
      %swap3A_331 = tpu.vector_load %arg7[%swap3A_330] {strides = array<i32>} : memref<8192xi32, #tpu.memory_space<vmem>>, vector<16xi32>,
      tpu.vector_store %arg7[%swap3A_330], %broadcast_in_dim3A_323 {strides = array<i32>} : memref<8192xi32, #tpu.memory_space<vmem>>, vector<16xi32>,
      %broadcast_in_dim3A_332 = arith.constant 0 : i32
      %broadcast_in_dim3A_333 = vector.broadcast %broadcast_in_dim3A_332 : i32 to vector<16xi32>
      %mul3A_334 = arith.constant 16 : i32
      %mul3A_335 = arith.muli %scan3A_221, %mul3A_334 : i32
      %add3A_336 = arith.constant 11 : i32
      %add3A_337 = arith.addi %mul3A_335, %add3A_336 : i32
      %mul3A_338 = arith.constant 16 : i32
      %mul3A_339 = arith.muli %add3A_337, %mul3A_338 : i32
      %swap3A_340 = arith.index_cast %mul3A_339 : i32 to index
      %swap3A_341 = tpu.vector_load %arg7[%swap3A_340] {strides = array<i32>} : memref<8192xi32, #tpu.memory_space<vmem>>, vector<16xi32>,
      tpu.vector_store %arg7[%swap3A_340], %broadcast_in_dim3A_333 {strides = array<i32>} : memref<8192xi32, #tpu.memory_space<vmem>>, vector<16xi32>,
      %broadcast_in_dim3A_342 = arith.constant 0 : i32
      %broadcast_in_dim3A_343 = vector.broadcast %broadcast_in_dim3A_342 : i32 to vector<16xi32>
      %mul3A_344 = arith.constant 16 : i32
      %mul3A_345 = arith.muli %scan3A_221, %mul3A_344 : i32
      %add3A_346 = arith.constant 12 : i32
      %add3A_347 = arith.addi %mul3A_345, %add3A_346 : i32
      %mul3A_348 = arith.constant 16 : i32
      %mul3A_349 = arith.muli %add3A_347, %mul3A_348 : i32
      %swap3A_350 = arith.index_cast %mul3A_349 : i32 to index
      %swap3A_351 = tpu.vector_load %arg7[%swap3A_350] {strides = array<i32>} : memref<8192xi32, #tpu.memory_space<vmem>>, vector<16xi32>,
      tpu.vector_store %arg7[%swap3A_350], %broadcast_in_dim3A_343 {strides = array<i32>} : memref<8192xi32, #tpu.memory_space<vmem>>, vector<16xi32>,
      %broadcast_in_dim3A_352 = arith.constant 0 : i32
      %broadcast_in_dim3A_353 = vector.broadcast %broadcast_in_dim3A_352 : i32 to vector<16xi32>
      %mul3A_354 = arith.constant 16 : i32
      %mul3A_355 = arith.muli %scan3A_221, %mul3A_354 : i32
      %add3A_356 = arith.constant 13 : i32
      %add3A_357 = arith.addi %mul3A_355, %add3A_356 : i32
      %mul3A_358 = arith.constant 16 : i32
      %mul3A_359 = arith.muli %add3A_357, %mul3A_358 : i32
      %swap3A_360 = arith.index_cast %mul3A_359 : i32 to index
      %swap3A_361 = tpu.vector_load %arg7[%swap3A_360] {strides = array<i32>} : memref<8192xi32, #tpu.memory_space<vmem>>, vector<16xi32>,
      tpu.vector_store %arg7[%swap3A_360], %broadcast_in_dim3A_353 {strides = array<i32>} : memref<8192xi32, #tpu.memory_space<vmem>>, vector<16xi32>,
      %broadcast_in_dim3A_362 = arith.constant 0 : i32
      %broadcast_in_dim3A_363 = vector.broadcast %broadcast_in_dim3A_362 : i32 to vector<16xi32>
      %mul3A_364 = arith.constant 16 : i32
      %mul3A_365 = arith.muli %scan3A_221, %mul3A_364 : i32
      %add3A_366 = arith.constant 14 : i32
      %add3A_367 = arith.addi %mul3A_365, %add3A_366 : i32
      %mul3A_368 = arith.constant 16 : i32
      %mul3A_369 = arith.muli %add3A_367, %mul3A_368 : i32
      %swap3A_370 = arith.index_cast %mul3A_369 : i32 to index
      %swap3A_371 = tpu.vector_load %arg7[%swap3A_370] {strides = array<i32>} : memref<8192xi32, #tpu.memory_space<vmem>>, vector<16xi32>,
      tpu.vector_store %arg7[%swap3A_370], %broadcast_in_dim3A_363 {strides = array<i32>} : memref<8192xi32, #tpu.memory_space<vmem>>, vector<16xi32>,
      %broadcast_in_dim3A_372 = arith.constant 0 : i32
      %broadcast_in_dim3A_373 = vector.broadcast %broadcast_in_dim3A_372 : i32 to vector<16xi32>
      %mul3A_374 = arith.constant 16 : i32
      %mul3A_375 = arith.muli %scan3A_221, %mul3A_374 : i32
      %add3A_376 = arith.constant 15 : i32
      %add3A_377 = arith.addi %mul3A_375, %add3A_376 : i32
      %mul3A_378 = arith.constant 16 : i32
      %mul3A_379 = arith.muli %add3A_377, %mul3A_378 : i32
      %swap3A_380 = arith.index_cast %mul3A_379 : i32 to index
      %swap3A_381 = tpu.vector_load %arg7[%swap3A_380] {strides = array<i32>} : memref<8192xi32, #tpu.memory_space<vmem>>, vector<16xi32>,
      tpu.vector_store %arg7[%swap3A_380], %broadcast_in_dim3A_373 {strides = array<i32>} : memref<8192xi32, #tpu.memory_space<vmem>>, vector<16xi32>,
    }
    %scan3A_47 = arith.constant 32 : i32
    %broadcast_in_dim3A_48 = arith.constant 1 : i32
    %broadcast_in_dim3A_49 = vector.broadcast %broadcast_in_dim3A_48 : i32 to vector<16xi32>
    %broadcast_in_dim3A_50 = arith.constant 0.000000e+00 : f32
    %broadcast_in_dim3A_51 = vector.broadcast %broadcast_in_dim3A_50 : f32 to vector<16xf32>
    %broadcast_in_dim3A_52 = arith.constant 0.000000e+00 : f32
    %broadcast_in_dim3A_53 = vector.broadcast %broadcast_in_dim3A_52 : f32 to vector<16xf32>
    %scan3A_54 = arith.constant 0 : i32
    %scan3A_55 = arith.constant 625 : i32
    %scan3A_56 = arith.addi %scan3A_54, %scan3A_55 : i32
    %scan3A_57 = arith.constant 1 : i32
    %scan3A_58:2 = scf.for %scan3A_221 = %scan3A_54 to %scan3A_56 step %scan3A_57 iter_args(%scan3A_222 = %broadcast_in_dim3A_51, %scan3A_223 = %broadcast_in_dim3A_53) -> (vector<16xf32>, vector<16xf32>)  : i32 {
      %mul3A_224 = arith.constant 160 : i32
      %mul3A_225 = arith.muli %scan3A_221, %mul3A_224 : i32
      %add3A_226 = arith.constant 0 : i32
      %add3A_227 = arith.addi %mul3A_225, %add3A_226 : i32
      %get3A = arith.index_cast %add3A_227 : i32 to index
      %get3A_228 = tpu.vector_load %arg6[%get3A] {strides = array<i32>} : memref<100000xf32, #tpu.memory_space<vmem>>, vector<16xf32>,
      %add3A_229 = arith.constant 16 : i32
      %add3A_230 = arith.addi %mul3A_225, %add3A_229 : i32
      %get3A_231 = arith.index_cast %add3A_230 : i32 to index
      %get3A_232 = tpu.vector_load %arg6[%get3A_231] {strides = array<i32>} : memref<100000xf32, #tpu.memory_space<vmem>>, vector<16xf32>,
      %add3A_233 = arith.constant 32 : i32
      %add3A_234 = arith.addi %mul3A_225, %add3A_233 : i32
      %get3A_235 = arith.index_cast %add3A_234 : i32 to index
      %get3A_236 = tpu.vector_load %arg6[%get3A_235] {strides = array<i32>} : memref<100000xf32, #tpu.memory_space<vmem>>, vector<16xf32>,
      %add3A_237 = arith.constant 48 : i32
      %add3A_238 = arith.addi %mul3A_225, %add3A_237 : i32
      %get3A_239 = arith.index_cast %add3A_238 : i32 to index
      %get3A_240 = tpu.vector_load %arg6[%get3A_239] {strides = array<i32>} : memref<100000xf32, #tpu.memory_space<vmem>>, vector<16xf32>,
      %add3A_241 = arith.constant 64 : i32
      %add3A_242 = arith.addi %mul3A_225, %add3A_241 : i32
      %get3A_243 = arith.index_cast %add3A_242 : i32 to index
      %get3A_244 = tpu.vector_load %arg6[%get3A_243] {strides = array<i32>} : memref<100000xf32, #tpu.memory_space<vmem>>, vector<16xf32>,
      %add3A_245 = arith.constant 80 : i32
      %add3A_246 = arith.addi %mul3A_225, %add3A_245 : i32
      %get3A_247 = arith.index_cast %add3A_246 : i32 to index
      %get3A_248 = tpu.vector_load %arg6[%get3A_247] {strides = array<i32>} : memref<100000xf32, #tpu.memory_space<vmem>>, vector<16xf32>,
      %add3A_249 = arith.constant 96 : i32
      %add3A_250 = arith.addi %mul3A_225, %add3A_249 : i32
      %get3A_251 = arith.index_cast %add3A_250 : i32 to index
      %get3A_252 = tpu.vector_load %arg6[%get3A_251] {strides = array<i32>} : memref<100000xf32, #tpu.memory_space<vmem>>, vector<16xf32>,
      %add3A_253 = arith.constant 112 : i32
      %add3A_254 = arith.addi %mul3A_225, %add3A_253 : i32
      %get3A_255 = arith.index_cast %add3A_254 : i32 to index
      %get3A_256 = tpu.vector_load %arg6[%get3A_255] {strides = array<i32>} : memref<100000xf32, #tpu.memory_space<vmem>>, vector<16xf32>,
      %add3A_257 = arith.constant 128 : i32
      %add3A_258 = arith.addi %mul3A_225, %add3A_257 : i32
      %get3A_259 = arith.index_cast %add3A_258 : i32 to index
      %get3A_260 = tpu.vector_load %arg6[%get3A_259] {strides = array<i32>} : memref<100000xf32, #tpu.memory_space<vmem>>, vector<16xf32>,
      %add3A_261 = arith.constant 144 : i32
      %add3A_262 = arith.addi %mul3A_225, %add3A_261 : i32
      %get3A_263 = arith.index_cast %add3A_262 : i32 to index
      %get3A_264 = tpu.vector_load %arg6[%get3A_263] {strides = array<i32>} : memref<100000xf32, #tpu.memory_space<vmem>>, vector<16xf32>,
      %sub3A_265 = vector.broadcast %reduce_min3A_35 : f32 to vector<16xf32>
      %sub3A_266 = arith.subf %get3A_228, %sub3A_265 : vector<16xf32>
      %mul3A_267 = arith.mulf %sub3A_266, %div3A : vector<16xf32>
      %add3A_268 = arith.constant 0x4B000000 : f32
      %add3A_269 = vector.broadcast %add3A_268 : f32 to vector<16xf32>
      %add3A_270 = arith.addf %mul3A_267, %add3A_269 : vector<16xf32>
      %bitcast3A = vector.bitcast %add3A_270 : vector<16xf32> to vector<16xi32>
      %add3A_271 = arith.addi %bitcast3A, %sub3A_5 : vector<16xi32>
      %sub3A_272 = vector.broadcast %reduce_min3A_35 : f32 to vector<16xf32>
      %sub3A_273 = arith.subf %get3A_232, %sub3A_272 : vector<16xf32>
      %mul3A_274 = arith.mulf %sub3A_273, %div3A : vector<16xf32>
      %add3A_275 = arith.constant 0x4B000000 : f32
      %add3A_276 = vector.broadcast %add3A_275 : f32 to vector<16xf32>
      %add3A_277 = arith.addf %mul3A_274, %add3A_276 : vector<16xf32>
      %bitcast3A_278 = vector.bitcast %add3A_277 : vector<16xf32> to vector<16xi32>
      %add3A_279 = arith.addi %bitcast3A_278, %sub3A_5 : vector<16xi32>
      %sub3A_280 = vector.broadcast %reduce_min3A_35 : f32 to vector<16xf32>
      %sub3A_281 = arith.subf %get3A_236, %sub3A_280 : vector<16xf32>
      %mul3A_282 = arith.mulf %sub3A_281, %div3A : vector<16xf32>
      %add3A_283 = arith.constant 0x4B000000 : f32
      %add3A_284 = vector.broadcast %add3A_283 : f32 to vector<16xf32>
      %add3A_285 = arith.addf %mul3A_282, %add3A_284 : vector<16xf32>
      %bitcast3A_286 = vector.bitcast %add3A_285 : vector<16xf32> to vector<16xi32>
      %add3A_287 = arith.addi %bitcast3A_286, %sub3A_5 : vector<16xi32>
      %sub3A_288 = vector.broadcast %reduce_min3A_35 : f32 to vector<16xf32>
      %sub3A_289 = arith.subf %get3A_240, %sub3A_288 : vector<16xf32>
      %mul3A_290 = arith.mulf %sub3A_289, %div3A : vector<16xf32>
      %add3A_291 = arith.constant 0x4B000000 : f32
      %add3A_292 = vector.broadcast %add3A_291 : f32 to vector<16xf32>
      %add3A_293 = arith.addf %mul3A_290, %add3A_292 : vector<16xf32>
      %bitcast3A_294 = vector.bitcast %add3A_293 : vector<16xf32> to vector<16xi32>
      %add3A_295 = arith.addi %bitcast3A_294, %sub3A_5 : vector<16xi32>
      %sub3A_296 = vector.broadcast %reduce_min3A_35 : f32 to vector<16xf32>
      %sub3A_297 = arith.subf %get3A_244, %sub3A_296 : vector<16xf32>
      %mul3A_298 = arith.mulf %sub3A_297, %div3A : vector<16xf32>
      %add3A_299 = arith.constant 0x4B000000 : f32
      %add3A_300 = vector.broadcast %add3A_299 : f32 to vector<16xf32>
      %add3A_301 = arith.addf %mul3A_298, %add3A_300 : vector<16xf32>
      %bitcast3A_302 = vector.bitcast %add3A_301 : vector<16xf32> to vector<16xi32>
      %add3A_303 = arith.addi %bitcast3A_302, %sub3A_5 : vector<16xi32>
      %sub3A_304 = vector.broadcast %reduce_min3A_35 : f32 to vector<16xf32>
      %sub3A_305 = arith.subf %get3A_248, %sub3A_304 : vector<16xf32>
      %mul3A_306 = arith.mulf %sub3A_305, %div3A : vector<16xf32>
      %add3A_307 = arith.constant 0x4B000000 : f32
      %add3A_308 = vector.broadcast %add3A_307 : f32 to vector<16xf32>
      %add3A_309 = arith.addf %mul3A_306, %add3A_308 : vector<16xf32>
      %bitcast3A_310 = vector.bitcast %add3A_309 : vector<16xf32> to vector<16xi32>
      %add3A_311 = arith.addi %bitcast3A_310, %sub3A_5 : vector<16xi32>
      %sub3A_312 = vector.broadcast %reduce_min3A_35 : f32 to vector<16xf32>
      %sub3A_313 = arith.subf %get3A_252, %sub3A_312 : vector<16xf32>
      %mul3A_314 = arith.mulf %sub3A_313, %div3A : vector<16xf32>
      %add3A_315 = arith.constant 0x4B000000 : f32
      %add3A_316 = vector.broadcast %add3A_315 : f32 to vector<16xf32>
      %add3A_317 = arith.addf %mul3A_314, %add3A_316 : vector<16xf32>
      %bitcast3A_318 = vector.bitcast %add3A_317 : vector<16xf32> to vector<16xi32>
      %add3A_319 = arith.addi %bitcast3A_318, %sub3A_5 : vector<16xi32>
      %sub3A_320 = vector.broadcast %reduce_min3A_35 : f32 to vector<16xf32>
      %sub3A_321 = arith.subf %get3A_256, %sub3A_320 : vector<16xf32>
      %mul3A_322 = arith.mulf %sub3A_321, %div3A : vector<16xf32>
      %add3A_323 = arith.constant 0x4B000000 : f32
      %add3A_324 = vector.broadcast %add3A_323 : f32 to vector<16xf32>
      %add3A_325 = arith.addf %mul3A_322, %add3A_324 : vector<16xf32>
      %bitcast3A_326 = vector.bitcast %add3A_325 : vector<16xf32> to vector<16xi32>
      %add3A_327 = arith.addi %bitcast3A_326, %sub3A_5 : vector<16xi32>
      %sub3A_328 = vector.broadcast %reduce_min3A_35 : f32 to vector<16xf32>
      %sub3A_329 = arith.subf %get3A_260, %sub3A_328 : vector<16xf32>
      %mul3A_330 = arith.mulf %sub3A_329, %div3A : vector<16xf32>
      %add3A_331 = arith.constant 0x4B000000 : f32
      %add3A_332 = vector.broadcast %add3A_331 : f32 to vector<16xf32>
      %add3A_333 = arith.addf %mul3A_330, %add3A_332 : vector<16xf32>
      %bitcast3A_334 = vector.bitcast %add3A_333 : vector<16xf32> to vector<16xi32>
      %add3A_335 = arith.addi %bitcast3A_334, %sub3A_5 : vector<16xi32>
      %sub3A_336 = vector.broadcast %reduce_min3A_35 : f32 to vector<16xf32>
      %sub3A_337 = arith.subf %get3A_264, %sub3A_336 : vector<16xf32>
      %mul3A_338 = arith.mulf %sub3A_337, %div3A : vector<16xf32>
      %add3A_339 = arith.constant 0x4B000000 : f32
      %add3A_340 = vector.broadcast %add3A_339 : f32 to vector<16xf32>
      %add3A_341 = arith.addf %mul3A_338, %add3A_340 : vector<16xf32>
      %bitcast3A_342 = vector.bitcast %add3A_341 : vector<16xf32> to vector<16xi32>
      %add3A_343 = arith.addi %bitcast3A_342, %sub3A_5 : vector<16xi32>
      %sub3A_344 = vector.broadcast %reduce_max3A_30 : f32 to vector<16xf32>
      %sub3A_345 = arith.subf %get3A_228, %sub3A_344 : vector<16xf32>
      %exp3A = math.exp %sub3A_345 : vector<16xf32>
      %add3A_346 = arith.addf %scan3A_222, %exp3A : vector<16xf32>
      %sub3A_347 = vector.broadcast %reduce_max3A_30 : f32 to vector<16xf32>
      %sub3A_348 = arith.subf %get3A_232, %sub3A_347 : vector<16xf32>
      %exp3A_349 = math.exp %sub3A_348 : vector<16xf32>
      %add3A_350 = arith.addf %scan3A_223, %exp3A_349 : vector<16xf32>
      %sub3A_351 = vector.broadcast %reduce_max3A_30 : f32 to vector<16xf32>
      %sub3A_352 = arith.subf %get3A_236, %sub3A_351 : vector<16xf32>
      %exp3A_353 = math.exp %sub3A_352 : vector<16xf32>
      %add3A_354 = arith.addf %add3A_346, %exp3A_353 : vector<16xf32>
      %sub3A_355 = vector.broadcast %reduce_max3A_30 : f32 to vector<16xf32>
      %sub3A_356 = arith.subf %get3A_240, %sub3A_355 : vector<16xf32>
      %exp3A_357 = math.exp %sub3A_356 : vector<16xf32>
      %add3A_358 = arith.addf %add3A_350, %exp3A_357 : vector<16xf32>
      %sub3A_359 = vector.broadcast %reduce_max3A_30 : f32 to vector<16xf32>
      %sub3A_360 = arith.subf %get3A_244, %sub3A_359 : vector<16xf32>
      %exp3A_361 = math.exp %sub3A_360 : vector<16xf32>
      %add3A_362 = arith.addf %add3A_354, %exp3A_361 : vector<16xf32>
      %sub3A_363 = vector.broadcast %reduce_max3A_30 : f32 to vector<16xf32>
      %sub3A_364 = arith.subf %get3A_248, %sub3A_363 : vector<16xf32>
      %exp3A_365 = math.exp %sub3A_364 : vector<16xf32>
      %add3A_366 = arith.addf %add3A_358, %exp3A_365 : vector<16xf32>
      %sub3A_367 = vector.broadcast %reduce_max3A_30 : f32 to vector<16xf32>
      %sub3A_368 = arith.subf %get3A_252, %sub3A_367 : vector<16xf32>
      %exp3A_369 = math.exp %sub3A_368 : vector<16xf32>
      %add3A_370 = arith.addf %add3A_362, %exp3A_369 : vector<16xf32>
      %sub3A_371 = vector.broadcast %reduce_max3A_30 : f32 to vector<16xf32>
      %sub3A_372 = arith.subf %get3A_256, %sub3A_371 : vector<16xf32>
      %exp3A_373 = math.exp %sub3A_372 : vector<16xf32>
      %add3A_374 = arith.addf %add3A_366, %exp3A_373 : vector<16xf32>
      %sub3A_375 = vector.broadcast %reduce_max3A_30 : f32 to vector<16xf32>
      %sub3A_376 = arith.subf %get3A_260, %sub3A_375 : vector<16xf32>
      %exp3A_377 = math.exp %sub3A_376 : vector<16xf32>
      %add3A_378 = arith.addf %add3A_370, %exp3A_377 : vector<16xf32>
      %sub3A_379 = vector.broadcast %reduce_max3A_30 : f32 to vector<16xf32>
      %sub3A_380 = arith.subf %get3A_264, %sub3A_379 : vector<16xf32>
      %exp3A_381 = math.exp %sub3A_380 : vector<16xf32>
      %add3A_382 = arith.addf %add3A_374, %exp3A_381 : vector<16xf32>
      tpu.vector_store_idx %arg7[%add3A_271], %broadcast_in_dim3A_49 {add = true} : memref<8192xi32, #tpu.memory_space<vmem>>[vector<16xi32>], vector<16xi32>,
      tpu.vector_store_idx %arg7[%add3A_279], %broadcast_in_dim3A_49 {add = true} : memref<8192xi32, #tpu.memory_space<vmem>>[vector<16xi32>], vector<16xi32>,
      tpu.vector_store_idx %arg7[%add3A_287], %broadcast_in_dim3A_49 {add = true} : memref<8192xi32, #tpu.memory_space<vmem>>[vector<16xi32>], vector<16xi32>,
      tpu.vector_store_idx %arg7[%add3A_295], %broadcast_in_dim3A_49 {add = true} : memref<8192xi32, #tpu.memory_space<vmem>>[vector<16xi32>], vector<16xi32>,
      tpu.vector_store_idx %arg7[%add3A_303], %broadcast_in_dim3A_49 {add = true} : memref<8192xi32, #tpu.memory_space<vmem>>[vector<16xi32>], vector<16xi32>,
      tpu.vector_store_idx %arg7[%add3A_311], %broadcast_in_dim3A_49 {add = true} : memref<8192xi32, #tpu.memory_space<vmem>>[vector<16xi32>], vector<16xi32>,
      tpu.vector_store_idx %arg7[%add3A_319], %broadcast_in_dim3A_49 {add = true} : memref<8192xi32, #tpu.memory_space<vmem>>[vector<16xi32>], vector<16xi32>,
      tpu.vector_store_idx %arg7[%add3A_327], %broadcast_in_dim3A_49 {add = true} : memref<8192xi32, #tpu.memory_space<vmem>>[vector<16xi32>], vector<16xi32>,
      tpu.vector_store_idx %arg7[%add3A_335], %broadcast_in_dim3A_49 {add = true} : memref<8192xi32, #tpu.memory_space<vmem>>[vector<16xi32>], vector<16xi32>,
      tpu.vector_store_idx %arg7[%add3A_343], %broadcast_in_dim3A_49 {add = true} : memref<8192xi32, #tpu.memory_space<vmem>>[vector<16xi32>], vector<16xi32>,
      scf.yield %add3A_378, %add3A_382 : vector<16xf32>, vector<16xf32>
    }
    %scan3A_59 = arith.constant 625 : i32
    %add3A_60 = arith.addf %scan3A_58#0, %scan3A_58#1 : vector<16xf32>
    %reduce_sum3A = arith.constant true
    %reduce_sum3A_61 = vector.broadcast %reduce_sum3A : i1 to vector<16xi1>
    %reduce_sum3A_62 = tpu.scan <sum>, %add3A_60 masked %reduce_sum3A_61 : vector<16xf32>, vector<16xi1> -> vector<16xf32>
    %reduce_sum3A_63 = vector.extract %reduce_sum3A_62[15] : f32 from vector<16xf32>
    %scan3A_64 = arith.constant 0 : i32
    %scan3A_65 = arith.constant -1 : i32
    %scan3A_66 = arith.constant 0 : i32
    %scan3A_67 = arith.constant 32 : i32
    %scan3A_68 = arith.addi %scan3A_66, %scan3A_67 : i32
    %scan3A_69 = arith.constant 1 : i32
    %scan3A_70:2 = scf.for %scan3A_221 = %scan3A_66 to %scan3A_68 step %scan3A_69 iter_args(%scan3A_222 = %scan3A_64, %scan3A_223 = %scan3A_65) -> (i32, i32)  : i32 {
      %sub3A_224 = arith.constant 31 : i32
      %sub3A_225 = arith.subi %sub3A_224, %scan3A_221 : i32
      %mul3A_226 = arith.constant 16 : i32
      %mul3A_227 = arith.muli %sub3A_225, %mul3A_226 : i32
      %get3A = arith.index_cast %mul3A_227 : i32 to index
      %get3A_228 = tpu.vector_load %arg7[%get3A] {strides = array<i32>} : memref<8192xi32, #tpu.memory_space<vmem>>, vector<16xi32>,
      %mul3A_229 = arith.constant 16 : i32
      %mul3A_230 = arith.muli %sub3A_225, %mul3A_229 : i32
      %add3A_231 = arith.constant 512 : i32
      %add3A_232 = arith.addi %add3A_231, %mul3A_230 : i32
      %get3A_233 = arith.index_cast %add3A_232 : i32 to index
      %get3A_234 = tpu.vector_load %arg7[%get3A_233] {strides = array<i32>} : memref<8192xi32, #tpu.memory_space<vmem>>, vector<16xi32>,
      %add3A_235 = arith.addi %get3A_228, %get3A_234 : vector<16xi32>
      %mul3A_236 = arith.constant 16 : i32
      %mul3A_237 = arith.muli %sub3A_225, %mul3A_236 : i32
      %add3A_238 = arith.constant 1024 : i32
      %add3A_239 = arith.addi %add3A_238, %mul3A_237 : i32
      %get3A_240 = arith.index_cast %add3A_239 : i32 to index
      %get3A_241 = tpu.vector_load %arg7[%get3A_240] {strides = array<i32>} : memref<8192xi32, #tpu.memory_space<vmem>>, vector<16xi32>,
      %add3A_242 = arith.addi %add3A_235, %get3A_241 : vector<16xi32>
      %mul3A_243 = arith.constant 16 : i32
      %mul3A_244 = arith.muli %sub3A_225, %mul3A_243 : i32
      %add3A_245 = arith.constant 1536 : i32
      %add3A_246 = arith.addi %add3A_245, %mul3A_244 : i32
      %get3A_247 = arith.index_cast %add3A_246 : i32 to index
      %get3A_248 = tpu.vector_load %arg7[%get3A_247] {strides = array<i32>} : memref<8192xi32, #tpu.memory_space<vmem>>, vector<16xi32>,
      %add3A_249 = arith.addi %add3A_242, %get3A_248 : vector<16xi32>
      %mul3A_250 = arith.constant 16 : i32
      %mul3A_251 = arith.muli %sub3A_225, %mul3A_250 : i32
      %add3A_252 = arith.constant 2048 : i32
      %add3A_253 = arith.addi %add3A_252, %mul3A_251 : i32
      %get3A_254 = arith.index_cast %add3A_253 : i32 to index
      %get3A_255 = tpu.vector_load %arg7[%get3A_254] {strides = array<i32>} : memref<8192xi32, #tpu.memory_space<vmem>>, vector<16xi32>,
      %add3A_256 = arith.addi %add3A_249, %get3A_255 : vector<16xi32>
      %mul3A_257 = arith.constant 16 : i32
      %mul3A_258 = arith.muli %sub3A_225, %mul3A_257 : i32
      %add3A_259 = arith.constant 2560 : i32
      %add3A_260 = arith.addi %add3A_259, %mul3A_258 : i32
      %get3A_261 = arith.index_cast %add3A_260 : i32 to index
      %get3A_262 = tpu.vector_load %arg7[%get3A_261] {strides = array<i32>} : memref<8192xi32, #tpu.memory_space<vmem>>, vector<16xi32>,
      %add3A_263 = arith.addi %add3A_256, %get3A_262 : vector<16xi32>
      %mul3A_264 = arith.constant 16 : i32
      %mul3A_265 = arith.muli %sub3A_225, %mul3A_264 : i32
      %add3A_266 = arith.constant 3072 : i32
      %add3A_267 = arith.addi %add3A_266, %mul3A_265 : i32
      %get3A_268 = arith.index_cast %add3A_267 : i32 to index
      %get3A_269 = tpu.vector_load %arg7[%get3A_268] {strides = array<i32>} : memref<8192xi32, #tpu.memory_space<vmem>>, vector<16xi32>,
      %add3A_270 = arith.addi %add3A_263, %get3A_269 : vector<16xi32>
      %mul3A_271 = arith.constant 16 : i32
      %mul3A_272 = arith.muli %sub3A_225, %mul3A_271 : i32
      %add3A_273 = arith.constant 3584 : i32
      %add3A_274 = arith.addi %add3A_273, %mul3A_272 : i32
      %get3A_275 = arith.index_cast %add3A_274 : i32 to index
      %get3A_276 = tpu.vector_load %arg7[%get3A_275] {strides = array<i32>} : memref<8192xi32, #tpu.memory_space<vmem>>, vector<16xi32>,
      %add3A_277 = arith.addi %add3A_270, %get3A_276 : vector<16xi32>
      %mul3A_278 = arith.constant 16 : i32
      %mul3A_279 = arith.muli %sub3A_225, %mul3A_278 : i32
      %add3A_280 = arith.constant 4096 : i32
      %add3A_281 = arith.addi %add3A_280, %mul3A_279 : i32
      %get3A_282 = arith.index_cast %add3A_281 : i32 to index
      %get3A_283 = tpu.vector_load %arg7[%get3A_282] {strides = array<i32>} : memref<8192xi32, #tpu.memory_space<vmem>>, vector<16xi32>,
      %add3A_284 = arith.addi %add3A_277, %get3A_283 : vector<16xi32>
      %mul3A_285 = arith.constant 16 : i32
      %mul3A_286 = arith.muli %sub3A_225, %mul3A_285 : i32
      %add3A_287 = arith.constant 4608 : i32
      %add3A_288 = arith.addi %add3A_287, %mul3A_286 : i32
      %get3A_289 = arith.index_cast %add3A_288 : i32 to index
      %get3A_290 = tpu.vector_load %arg7[%get3A_289] {strides = array<i32>} : memref<8192xi32, #tpu.memory_space<vmem>>, vector<16xi32>,
      %add3A_291 = arith.addi %add3A_284, %get3A_290 : vector<16xi32>
      %mul3A_292 = arith.constant 16 : i32
      %mul3A_293 = arith.muli %sub3A_225, %mul3A_292 : i32
      %add3A_294 = arith.constant 5120 : i32
      %add3A_295 = arith.addi %add3A_294, %mul3A_293 : i32
      %get3A_296 = arith.index_cast %add3A_295 : i32 to index
      %get3A_297 = tpu.vector_load %arg7[%get3A_296] {strides = array<i32>} : memref<8192xi32, #tpu.memory_space<vmem>>, vector<16xi32>,
      %add3A_298 = arith.addi %add3A_291, %get3A_297 : vector<16xi32>
      %mul3A_299 = arith.constant 16 : i32
      %mul3A_300 = arith.muli %sub3A_225, %mul3A_299 : i32
      %add3A_301 = arith.constant 5632 : i32
      %add3A_302 = arith.addi %add3A_301, %mul3A_300 : i32
      %get3A_303 = arith.index_cast %add3A_302 : i32 to index
      %get3A_304 = tpu.vector_load %arg7[%get3A_303] {strides = array<i32>} : memref<8192xi32, #tpu.memory_space<vmem>>, vector<16xi32>,
      %add3A_305 = arith.addi %add3A_298, %get3A_304 : vector<16xi32>
      %mul3A_306 = arith.constant 16 : i32
      %mul3A_307 = arith.muli %sub3A_225, %mul3A_306 : i32
      %add3A_308 = arith.constant 6144 : i32
      %add3A_309 = arith.addi %add3A_308, %mul3A_307 : i32
      %get3A_310 = arith.index_cast %add3A_309 : i32 to index
      %get3A_311 = tpu.vector_load %arg7[%get3A_310] {strides = array<i32>} : memref<8192xi32, #tpu.memory_space<vmem>>, vector<16xi32>,
      %add3A_312 = arith.addi %add3A_305, %get3A_311 : vector<16xi32>
      %mul3A_313 = arith.constant 16 : i32
      %mul3A_314 = arith.muli %sub3A_225, %mul3A_313 : i32
      %add3A_315 = arith.constant 6656 : i32
      %add3A_316 = arith.addi %add3A_315, %mul3A_314 : i32
      %get3A_317 = arith.index_cast %add3A_316 : i32 to index
      %get3A_318 = tpu.vector_load %arg7[%get3A_317] {strides = array<i32>} : memref<8192xi32, #tpu.memory_space<vmem>>, vector<16xi32>,
      %add3A_319 = arith.addi %add3A_312, %get3A_318 : vector<16xi32>
      %mul3A_320 = arith.constant 16 : i32
      %mul3A_321 = arith.muli %sub3A_225, %mul3A_320 : i32
      %add3A_322 = arith.constant 7168 : i32
      %add3A_323 = arith.addi %add3A_322, %mul3A_321 : i32
      %get3A_324 = arith.index_cast %add3A_323 : i32 to index
      %get3A_325 = tpu.vector_load %arg7[%get3A_324] {strides = array<i32>} : memref<8192xi32, #tpu.memory_space<vmem>>, vector<16xi32>,
      %add3A_326 = arith.addi %add3A_319, %get3A_325 : vector<16xi32>
      %mul3A_327 = arith.constant 16 : i32
      %mul3A_328 = arith.muli %sub3A_225, %mul3A_327 : i32
      %add3A_329 = arith.constant 7680 : i32
      %add3A_330 = arith.addi %add3A_329, %mul3A_328 : i32
      %get3A_331 = arith.index_cast %add3A_330 : i32 to index
      %get3A_332 = tpu.vector_load %arg7[%get3A_331] {strides = array<i32>} : memref<8192xi32, #tpu.memory_space<vmem>>, vector<16xi32>,
      %add3A_333 = arith.addi %add3A_326, %get3A_332 : vector<16xi32>
      %rev3A = arith.constant 15 : i32
      %rev3A_334 = vector.broadcast %rev3A : i32 to vector<16xi32>
      %rev3A_335 = tpu.iota {dimensions = array<i32: 0>} : vector<16xi32>
      %rev3A_336 = arith.subi %rev3A_334, %rev3A_335 : vector<16xi32>
      %rev3A_337 = tpu.dynamic_gather %add3A_333[%rev3A_336] in [0] : vector<16xi32>, vector<16xi32> -> vector<16xi32>
      %broadcast_in_dim3A_338 = arith.constant true
      %broadcast_in_dim3A_339 = vector.broadcast %broadcast_in_dim3A_338 : i1 to vector<16xi1>
      %masked_cumsum3A = tpu.scan <sum>, %rev3A_337 masked %broadcast_in_dim3A_339 : vector<16xi32>, vector<16xi1> -> vector<16xi32>
      %rev3A_340 = arith.constant 15 : i32
      %rev3A_341 = vector.broadcast %rev3A_340 : i32 to vector<16xi32>
      %rev3A_342 = tpu.iota {dimensions = array<i32: 0>} : vector<16xi32>
      %rev3A_343 = arith.subi %rev3A_341, %rev3A_342 : vector<16xi32>
      %rev3A_344 = tpu.dynamic_gather %masked_cumsum3A[%rev3A_343] in [0] : vector<16xi32>, vector<16xi32> -> vector<16xi32>
      %add3A_345 = vector.broadcast %scan3A_222 : i32 to vector<16xi32>
      %add3A_346 = arith.addi %rev3A_344, %add3A_345 : vector<16xi32>
      %mul3A_347 = arith.constant 16 : i32
      %mul3A_348 = arith.muli %sub3A_225, %mul3A_347 : i32
      %add3A_349 = vector.broadcast %mul3A_348 : i32 to vector<16xi32>
      %add3A_350 = arith.addi %add3A_349, %iota3A : vector<16xi32>
      %ge3A = arith.constant 50 : i32
      %ge3A_351 = vector.broadcast %ge3A : i32 to vector<16xi32>
      %ge3A_352 = arith.cmpi sge, %add3A_346, %ge3A_351 : vector<16xi32>
      %jit3A_353 = arith.constant -1 : i32
      %broadcast_in_dim3A_354 = vector.broadcast %jit3A_353 : i32 to vector<16xi32>
      %select_n3A_355 = arith.select %ge3A_352, %add3A_350, %broadcast_in_dim3A_354 : vector<16xi1>, vector<16xi32>
      %reduce_max3A_356 = arith.constant true
      %reduce_max3A_357 = vector.broadcast %reduce_max3A_356 : i1 to vector<16xi1>
      %reduce_max3A_358 = arith.constant -2147483648 : i32
      %reduce_max3A_359 = vector.broadcast %reduce_max3A_358 : i32 to vector<16xi32>
      %reduce_max3A_360 = arith.xori %select_n3A_355, %reduce_max3A_359 : vector<16xi32>
      %reduce_max3A_361 = tpu.scan <max>, %reduce_max3A_360 masked %reduce_max3A_357 : vector<16xi32>, vector<16xi1> -> vector<16xi32>
      %reduce_max3A_362 = arith.xori %reduce_max3A_361, %reduce_max3A_359 : vector<16xi32>
      %reduce_max3A_363 = vector.extract %reduce_max3A_362[15] : i32 from vector<16xi32>
      %max3A_364 = arith.maxsi %scan3A_223, %reduce_max3A_363 : i32
      %reduce_sum3A_365 = arith.constant true
      %reduce_sum3A_366 = vector.broadcast %reduce_sum3A_365 : i1 to vector<16xi1>
      %reduce_sum3A_367 = tpu.scan <sum>, %add3A_333 masked %reduce_sum3A_366 : vector<16xi32>, vector<16xi1> -> vector<16xi32>
      %reduce_sum3A_368 = vector.extract %reduce_sum3A_367[15] : i32 from vector<16xi32>
      %add3A_369 = arith.addi %scan3A_222, %reduce_sum3A_368 : i32
      scf.yield %add3A_369, %max3A_364 : i32, i32
    }
    %scan3A_71 = arith.constant 32 : i32
    %max3A_72 = arith.constant 0 : i32
    %max3A_73 = arith.maxsi %scan3A_70#1, %max3A_72 : i32
    %scan3A_74 = arith.constant 0 : i32
    %scan3A_75 = arith.constant 0 : i32
    %scan3A_76 = arith.constant 16 : i32
    %scan3A_77 = arith.addi %scan3A_75, %scan3A_76 : i32
    %scan3A_78 = arith.constant 1 : i32
    scf.for %scan3A_221 = %scan3A_75 to %scan3A_77 step %scan3A_78  : i32 {
      %broadcast_in_dim3A_222 = arith.constant 0.000000e+00 : f32
      %broadcast_in_dim3A_223 = vector.broadcast %broadcast_in_dim3A_222 : f32 to vector<16xf32>
      %mul3A_224 = arith.constant 16 : i32
      %mul3A_225 = arith.muli %scan3A_221, %mul3A_224 : i32
      %swap3A_226 = arith.index_cast %mul3A_225 : i32 to index
      %swap3A_227 = tpu.vector_load %arg9[%swap3A_226] {strides = array<i32>} : memref<256xf32, #tpu.memory_space<vmem>>, vector<16xf32>,
      tpu.vector_store %arg9[%swap3A_226], %broadcast_in_dim3A_223 {strides = array<i32>} : memref<256xf32, #tpu.memory_space<vmem>>, vector<16xf32>,
      %broadcast_in_dim3A_228 = arith.constant 0 : i32
      %broadcast_in_dim3A_229 = vector.broadcast %broadcast_in_dim3A_228 : i32 to vector<16xi32>
      %mul3A_230 = arith.constant 16 : i32
      %mul3A_231 = arith.muli %scan3A_221, %mul3A_230 : i32
      %swap3A_232 = arith.index_cast %mul3A_231 : i32 to index
      %swap3A_233 = tpu.vector_load %arg10[%swap3A_232] {strides = array<i32>} : memref<256xi32, #tpu.memory_space<vmem>>, vector<16xi32>,
      tpu.vector_store %arg10[%swap3A_232], %broadcast_in_dim3A_229 {strides = array<i32>} : memref<256xi32, #tpu.memory_space<vmem>>, vector<16xi32>,
    }
    %scan3A_79 = arith.constant 16 : i32
    %add3A_80 = vector.broadcast %max3A_73 : i32 to vector<16xi32>
    %add3A_81 = arith.addi %add3A_80, %mul3A_3 : vector<16xi32>
    %scan3A_82 = arith.constant 0 : i32
    %scan3A_83 = arith.constant 0 : i32
    %scan3A_84 = arith.constant 625 : i32
    %scan3A_85 = arith.addi %scan3A_83, %scan3A_84 : i32
    %scan3A_86 = arith.constant 1 : i32
    %scan3A_87 = scf.for %scan3A_221 = %scan3A_83 to %scan3A_85 step %scan3A_86 iter_args(%scan3A_222 = %scan3A_82) -> (i32)  : i32 {
      %mul3A_223 = arith.constant 16 : i32
      %mul3A_224 = arith.muli %scan3A_221, %mul3A_223 : i32
      %get3A = arith.index_cast %mul3A_224 : i32 to index
      %get3A_225 = tpu.vector_load %arg8[%get3A] {strides = array<i32>} : memref<10000xf32, #tpu.memory_space<vmem>>, vector<16xf32>,
      %sub3A_226 = vector.broadcast %reduce_min3A_35 : f32 to vector<16xf32>
      %sub3A_227 = arith.subf %get3A_225, %sub3A_226 : vector<16xf32>
      %mul3A_228 = arith.mulf %sub3A_227, %div3A : vector<16xf32>
      %add3A_229 = arith.constant 0x4B000000 : f32
      %add3A_230 = vector.broadcast %add3A_229 : f32 to vector<16xf32>
      %add3A_231 = arith.addf %mul3A_228, %add3A_230 : vector<16xf32>
      %bitcast3A = vector.bitcast %add3A_231 : vector<16xf32> to vector<16xi32>
      %add3A_232 = arith.addi %bitcast3A, %sub3A_5 : vector<16xi32>
      %ge3A = arith.cmpi sge, %add3A_232, %add3A_81 : vector<16xi32>
      %all_reduce_population_count3A = tpu.all_reduce %ge3A {dim = 0 : i64, kind = #tpu.reduction_kind<sum>} : vector<16xi1> -> vector<16xi32>
      %slice3A = vector.extract_strided_slice %all_reduce_population_count3A {offsets = [0], sizes = [1], strides = [1]} : vector<16xi32> to vector<1xi32>
      %squeeze3A = vector.extract %slice3A[0] : i32 from vector<1xi32>
      %gt3A = arith.constant 0 : i32
      %gt3A_233 = arith.cmpi sgt, %squeeze3A, %gt3A : i32
      %convert_element_type3A_234 = arith.extui %gt3A_233 : i1 to i32
      %cond3A = arith.constant 0 : i32
      %cond3A_235 = arith.cmpi ne, %convert_element_type3A_234, %cond3A : i32
      %cond3A_236 = scf.if %cond3A_235 -> (i32) {
        %mul3A_237 = arith.constant 160 : i32
        %mul3A_238 = arith.muli %scan3A_221, %mul3A_237 : i32
        %add3A_239 = arith.constant 0 : i32
        %add3A_240 = arith.addi %mul3A_238, %add3A_239 : i32
        %get3A_241 = arith.index_cast %add3A_240 : i32 to index
        %get3A_242 = tpu.vector_load %arg6[%get3A_241] {strides = array<i32>} : memref<100000xf32, #tpu.memory_space<vmem>>, vector<16xf32>,
        %add3A_243 = arith.constant 16 : i32
        %add3A_244 = arith.addi %mul3A_238, %add3A_243 : i32
        %get3A_245 = arith.index_cast %add3A_244 : i32 to index
        %get3A_246 = tpu.vector_load %arg6[%get3A_245] {strides = array<i32>} : memref<100000xf32, #tpu.memory_space<vmem>>, vector<16xf32>,
        %add3A_247 = arith.constant 32 : i32
        %add3A_248 = arith.addi %mul3A_238, %add3A_247 : i32
        %get3A_249 = arith.index_cast %add3A_248 : i32 to index
        %get3A_250 = tpu.vector_load %arg6[%get3A_249] {strides = array<i32>} : memref<100000xf32, #tpu.memory_space<vmem>>, vector<16xf32>,
        %add3A_251 = arith.constant 48 : i32
        %add3A_252 = arith.addi %mul3A_238, %add3A_251 : i32
        %get3A_253 = arith.index_cast %add3A_252 : i32 to index
        %get3A_254 = tpu.vector_load %arg6[%get3A_253] {strides = array<i32>} : memref<100000xf32, #tpu.memory_space<vmem>>, vector<16xf32>,
        %add3A_255 = arith.constant 64 : i32
        %add3A_256 = arith.addi %mul3A_238, %add3A_255 : i32
        %get3A_257 = arith.index_cast %add3A_256 : i32 to index
        %get3A_258 = tpu.vector_load %arg6[%get3A_257] {strides = array<i32>} : memref<100000xf32, #tpu.memory_space<vmem>>, vector<16xf32>,
        %add3A_259 = arith.constant 80 : i32
        %add3A_260 = arith.addi %mul3A_238, %add3A_259 : i32
        %get3A_261 = arith.index_cast %add3A_260 : i32 to index
        %get3A_262 = tpu.vector_load %arg6[%get3A_261] {strides = array<i32>} : memref<100000xf32, #tpu.memory_space<vmem>>, vector<16xf32>,
        %add3A_263 = arith.constant 96 : i32
        %add3A_264 = arith.addi %mul3A_238, %add3A_263 : i32
        %get3A_265 = arith.index_cast %add3A_264 : i32 to index
        %get3A_266 = tpu.vector_load %arg6[%get3A_265] {strides = array<i32>} : memref<100000xf32, #tpu.memory_space<vmem>>, vector<16xf32>,
        %add3A_267 = arith.constant 112 : i32
        %add3A_268 = arith.addi %mul3A_238, %add3A_267 : i32
        %get3A_269 = arith.index_cast %add3A_268 : i32 to index
        %get3A_270 = tpu.vector_load %arg6[%get3A_269] {strides = array<i32>} : memref<100000xf32, #tpu.memory_space<vmem>>, vector<16xf32>,
        %add3A_271 = arith.constant 128 : i32
        %add3A_272 = arith.addi %mul3A_238, %add3A_271 : i32
        %get3A_273 = arith.index_cast %add3A_272 : i32 to index
        %get3A_274 = tpu.vector_load %arg6[%get3A_273] {strides = array<i32>} : memref<100000xf32, #tpu.memory_space<vmem>>, vector<16xf32>,
        %add3A_275 = arith.constant 144 : i32
        %add3A_276 = arith.addi %mul3A_238, %add3A_275 : i32
        %get3A_277 = arith.index_cast %add3A_276 : i32 to index
        %get3A_278 = tpu.vector_load %arg6[%get3A_277] {strides = array<i32>} : memref<100000xf32, #tpu.memory_space<vmem>>, vector<16xf32>,
        %sub3A_279 = vector.broadcast %reduce_min3A_35 : f32 to vector<16xf32>
        %sub3A_280 = arith.subf %get3A_242, %sub3A_279 : vector<16xf32>
        %mul3A_281 = arith.mulf %sub3A_280, %div3A : vector<16xf32>
        %add3A_282 = arith.constant 0x4B000000 : f32
        %add3A_283 = vector.broadcast %add3A_282 : f32 to vector<16xf32>
        %add3A_284 = arith.addf %mul3A_281, %add3A_283 : vector<16xf32>
        %bitcast3A_285 = vector.bitcast %add3A_284 : vector<16xf32> to vector<16xi32>
        %add3A_286 = arith.addi %bitcast3A_285, %sub3A_5 : vector<16xi32>
        %ge3A_287 = arith.cmpi sge, %add3A_286, %add3A_81 : vector<16xi32>
        %sub3A_288 = vector.broadcast %reduce_min3A_35 : f32 to vector<16xf32>
        %sub3A_289 = arith.subf %get3A_246, %sub3A_288 : vector<16xf32>
        %mul3A_290 = arith.mulf %sub3A_289, %div3A : vector<16xf32>
        %add3A_291 = arith.constant 0x4B000000 : f32
        %add3A_292 = vector.broadcast %add3A_291 : f32 to vector<16xf32>
        %add3A_293 = arith.addf %mul3A_290, %add3A_292 : vector<16xf32>
        %bitcast3A_294 = vector.bitcast %add3A_293 : vector<16xf32> to vector<16xi32>
        %add3A_295 = arith.addi %bitcast3A_294, %sub3A_5 : vector<16xi32>
        %ge3A_296 = arith.cmpi sge, %add3A_295, %add3A_81 : vector<16xi32>
        %sub3A_297 = vector.broadcast %reduce_min3A_35 : f32 to vector<16xf32>
        %sub3A_298 = arith.subf %get3A_250, %sub3A_297 : vector<16xf32>
        %mul3A_299 = arith.mulf %sub3A_298, %div3A : vector<16xf32>
        %add3A_300 = arith.constant 0x4B000000 : f32
        %add3A_301 = vector.broadcast %add3A_300 : f32 to vector<16xf32>
        %add3A_302 = arith.addf %mul3A_299, %add3A_301 : vector<16xf32>
        %bitcast3A_303 = vector.bitcast %add3A_302 : vector<16xf32> to vector<16xi32>
        %add3A_304 = arith.addi %bitcast3A_303, %sub3A_5 : vector<16xi32>
        %ge3A_305 = arith.cmpi sge, %add3A_304, %add3A_81 : vector<16xi32>
        %sub3A_306 = vector.broadcast %reduce_min3A_35 : f32 to vector<16xf32>
        %sub3A_307 = arith.subf %get3A_254, %sub3A_306 : vector<16xf32>
        %mul3A_308 = arith.mulf %sub3A_307, %div3A : vector<16xf32>
        %add3A_309 = arith.constant 0x4B000000 : f32
        %add3A_310 = vector.broadcast %add3A_309 : f32 to vector<16xf32>
        %add3A_311 = arith.addf %mul3A_308, %add3A_310 : vector<16xf32>
        %bitcast3A_312 = vector.bitcast %add3A_311 : vector<16xf32> to vector<16xi32>
        %add3A_313 = arith.addi %bitcast3A_312, %sub3A_5 : vector<16xi32>
        %ge3A_314 = arith.cmpi sge, %add3A_313, %add3A_81 : vector<16xi32>
        %sub3A_315 = vector.broadcast %reduce_min3A_35 : f32 to vector<16xf32>
        %sub3A_316 = arith.subf %get3A_258, %sub3A_315 : vector<16xf32>
        %mul3A_317 = arith.mulf %sub3A_316, %div3A : vector<16xf32>
        %add3A_318 = arith.constant 0x4B000000 : f32
        %add3A_319 = vector.broadcast %add3A_318 : f32 to vector<16xf32>
        %add3A_320 = arith.addf %mul3A_317, %add3A_319 : vector<16xf32>
        %bitcast3A_321 = vector.bitcast %add3A_320 : vector<16xf32> to vector<16xi32>
        %add3A_322 = arith.addi %bitcast3A_321, %sub3A_5 : vector<16xi32>
        %ge3A_323 = arith.cmpi sge, %add3A_322, %add3A_81 : vector<16xi32>
        %sub3A_324 = vector.broadcast %reduce_min3A_35 : f32 to vector<16xf32>
        %sub3A_325 = arith.subf %get3A_262, %sub3A_324 : vector<16xf32>
        %mul3A_326 = arith.mulf %sub3A_325, %div3A : vector<16xf32>
        %add3A_327 = arith.constant 0x4B000000 : f32
        %add3A_328 = vector.broadcast %add3A_327 : f32 to vector<16xf32>
        %add3A_329 = arith.addf %mul3A_326, %add3A_328 : vector<16xf32>
        %bitcast3A_330 = vector.bitcast %add3A_329 : vector<16xf32> to vector<16xi32>
        %add3A_331 = arith.addi %bitcast3A_330, %sub3A_5 : vector<16xi32>
        %ge3A_332 = arith.cmpi sge, %add3A_331, %add3A_81 : vector<16xi32>
        %sub3A_333 = vector.broadcast %reduce_min3A_35 : f32 to vector<16xf32>
        %sub3A_334 = arith.subf %get3A_266, %sub3A_333 : vector<16xf32>
        %mul3A_335 = arith.mulf %sub3A_334, %div3A : vector<16xf32>
        %add3A_336 = arith.constant 0x4B000000 : f32
        %add3A_337 = vector.broadcast %add3A_336 : f32 to vector<16xf32>
        %add3A_338 = arith.addf %mul3A_335, %add3A_337 : vector<16xf32>
        %bitcast3A_339 = vector.bitcast %add3A_338 : vector<16xf32> to vector<16xi32>
        %add3A_340 = arith.addi %bitcast3A_339, %sub3A_5 : vector<16xi32>
        %ge3A_341 = arith.cmpi sge, %add3A_340, %add3A_81 : vector<16xi32>
        %sub3A_342 = vector.broadcast %reduce_min3A_35 : f32 to vector<16xf32>
        %sub3A_343 = arith.subf %get3A_270, %sub3A_342 : vector<16xf32>
        %mul3A_344 = arith.mulf %sub3A_343, %div3A : vector<16xf32>
        %add3A_345 = arith.constant 0x4B000000 : f32
        %add3A_346 = vector.broadcast %add3A_345 : f32 to vector<16xf32>
        %add3A_347 = arith.addf %mul3A_344, %add3A_346 : vector<16xf32>
        %bitcast3A_348 = vector.bitcast %add3A_347 : vector<16xf32> to vector<16xi32>
        %add3A_349 = arith.addi %bitcast3A_348, %sub3A_5 : vector<16xi32>
        %ge3A_350 = arith.cmpi sge, %add3A_349, %add3A_81 : vector<16xi32>
        %sub3A_351 = vector.broadcast %reduce_min3A_35 : f32 to vector<16xf32>
        %sub3A_352 = arith.subf %get3A_274, %sub3A_351 : vector<16xf32>
        %mul3A_353 = arith.mulf %sub3A_352, %div3A : vector<16xf32>
        %add3A_354 = arith.constant 0x4B000000 : f32
        %add3A_355 = vector.broadcast %add3A_354 : f32 to vector<16xf32>
        %add3A_356 = arith.addf %mul3A_353, %add3A_355 : vector<16xf32>
        %bitcast3A_357 = vector.bitcast %add3A_356 : vector<16xf32> to vector<16xi32>
        %add3A_358 = arith.addi %bitcast3A_357, %sub3A_5 : vector<16xi32>
        %ge3A_359 = arith.cmpi sge, %add3A_358, %add3A_81 : vector<16xi32>
        %sub3A_360 = vector.broadcast %reduce_min3A_35 : f32 to vector<16xf32>
        %sub3A_361 = arith.subf %get3A_278, %sub3A_360 : vector<16xf32>
        %mul3A_362 = arith.mulf %sub3A_361, %div3A : vector<16xf32>
        %add3A_363 = arith.constant 0x4B000000 : f32
        %add3A_364 = vector.broadcast %add3A_363 : f32 to vector<16xf32>
        %add3A_365 = arith.addf %mul3A_362, %add3A_364 : vector<16xf32>
        %bitcast3A_366 = vector.bitcast %add3A_365 : vector<16xf32> to vector<16xi32>
        %add3A_367 = arith.addi %bitcast3A_366, %sub3A_5 : vector<16xi32>
        %ge3A_368 = arith.cmpi sge, %add3A_367, %add3A_81 : vector<16xi32>
        %min3A_369 = arith.constant 240 : i32
        %min3A_370 = arith.minsi %scan3A_222, %min3A_369 : i32
        %swap3A_371 = arith.index_cast %min3A_370 : i32 to index
        %swap3A_372 = tpu.vector_load %arg9[%swap3A_371] masked %ge3A_287 {strides = array<i32>} : memref<256xf32, #tpu.memory_space<vmem>>, vector<16xf32>, vector<16xi1>
        tpu.vector_store %arg9[%swap3A_371], %get3A_242 masked %ge3A_287 {strides = array<i32>} : memref<256xf32, #tpu.memory_space<vmem>>, vector<16xf32>, vector<16xi1>
        %add3A_373 = arith.constant 0 : i32
        %add3A_374 = arith.addi %mul3A_238, %add3A_373 : i32
        %add3A_375 = vector.broadcast %add3A_374 : i32 to vector<16xi32>
        %add3A_376 = arith.addi %add3A_375, %iota3A : vector<16xi32>
        %swap3A_377 = arith.index_cast %min3A_370 : i32 to index
        %swap3A_378 = tpu.vector_load %arg10[%swap3A_377] masked %ge3A_287 {strides = array<i32>} : memref<256xi32, #tpu.memory_space<vmem>>, vector<16xi32>, vector<16xi1>
        tpu.vector_store %arg10[%swap3A_377], %add3A_376 masked %ge3A_287 {strides = array<i32>} : memref<256xi32, #tpu.memory_space<vmem>>, vector<16xi32>, vector<16xi1>
        %convert_element_type3A_379 = arith.extui %ge3A_287 : vector<16xi1> to vector<16xi32>
        %reduce_sum3A_380 = arith.constant true
        %reduce_sum3A_381 = vector.broadcast %reduce_sum3A_380 : i1 to vector<16xi1>
        %reduce_sum3A_382 = tpu.scan <sum>, %convert_element_type3A_379 masked %reduce_sum3A_381 : vector<16xi32>, vector<16xi1> -> vector<16xi32>
        %reduce_sum3A_383 = vector.extract %reduce_sum3A_382[15] : i32 from vector<16xi32>
        %add3A_384 = arith.addi %scan3A_222, %reduce_sum3A_383 : i32
        %min3A_385 = arith.constant 240 : i32
        %min3A_386 = arith.minsi %add3A_384, %min3A_385 : i32
        %swap3A_387 = arith.index_cast %min3A_386 : i32 to index
        %swap3A_388 = tpu.vector_load %arg9[%swap3A_387] masked %ge3A_296 {strides = array<i32>} : memref<256xf32, #tpu.memory_space<vmem>>, vector<16xf32>, vector<16xi1>
        tpu.vector_store %arg9[%swap3A_387], %get3A_246 masked %ge3A_296 {strides = array<i32>} : memref<256xf32, #tpu.memory_space<vmem>>, vector<16xf32>, vector<16xi1>
        %add3A_389 = arith.constant 16 : i32
        %add3A_390 = arith.addi %mul3A_238, %add3A_389 : i32
        %add3A_391 = vector.broadcast %add3A_390 : i32 to vector<16xi32>
        %add3A_392 = arith.addi %add3A_391, %iota3A : vector<16xi32>
        %swap3A_393 = arith.index_cast %min3A_386 : i32 to index
        %swap3A_394 = tpu.vector_load %arg10[%swap3A_393] masked %ge3A_296 {strides = array<i32>} : memref<256xi32, #tpu.memory_space<vmem>>, vector<16xi32>, vector<16xi1>
        tpu.vector_store %arg10[%swap3A_393], %add3A_392 masked %ge3A_296 {strides = array<i32>} : memref<256xi32, #tpu.memory_space<vmem>>, vector<16xi32>, vector<16xi1>
        %convert_element_type3A_395 = arith.extui %ge3A_296 : vector<16xi1> to vector<16xi32>
        %reduce_sum3A_396 = arith.constant true
        %reduce_sum3A_397 = vector.broadcast %reduce_sum3A_396 : i1 to vector<16xi1>
        %reduce_sum3A_398 = tpu.scan <sum>, %convert_element_type3A_395 masked %reduce_sum3A_397 : vector<16xi32>, vector<16xi1> -> vector<16xi32>
        %reduce_sum3A_399 = vector.extract %reduce_sum3A_398[15] : i32 from vector<16xi32>
        %add3A_400 = arith.addi %add3A_384, %reduce_sum3A_399 : i32
        %min3A_401 = arith.constant 240 : i32
        %min3A_402 = arith.minsi %add3A_400, %min3A_401 : i32
        %swap3A_403 = arith.index_cast %min3A_402 : i32 to index
        %swap3A_404 = tpu.vector_load %arg9[%swap3A_403] masked %ge3A_305 {strides = array<i32>} : memref<256xf32, #tpu.memory_space<vmem>>, vector<16xf32>, vector<16xi1>
        tpu.vector_store %arg9[%swap3A_403], %get3A_250 masked %ge3A_305 {strides = array<i32>} : memref<256xf32, #tpu.memory_space<vmem>>, vector<16xf32>, vector<16xi1>
        %add3A_405 = arith.constant 32 : i32
        %add3A_406 = arith.addi %mul3A_238, %add3A_405 : i32
        %add3A_407 = vector.broadcast %add3A_406 : i32 to vector<16xi32>
        %add3A_408 = arith.addi %add3A_407, %iota3A : vector<16xi32>
        %swap3A_409 = arith.index_cast %min3A_402 : i32 to index
        %swap3A_410 = tpu.vector_load %arg10[%swap3A_409] masked %ge3A_305 {strides = array<i32>} : memref<256xi32, #tpu.memory_space<vmem>>, vector<16xi32>, vector<16xi1>
        tpu.vector_store %arg10[%swap3A_409], %add3A_408 masked %ge3A_305 {strides = array<i32>} : memref<256xi32, #tpu.memory_space<vmem>>, vector<16xi32>, vector<16xi1>
        %convert_element_type3A_411 = arith.extui %ge3A_305 : vector<16xi1> to vector<16xi32>
        %reduce_sum3A_412 = arith.constant true
        %reduce_sum3A_413 = vector.broadcast %reduce_sum3A_412 : i1 to vector<16xi1>
        %reduce_sum3A_414 = tpu.scan <sum>, %convert_element_type3A_411 masked %reduce_sum3A_413 : vector<16xi32>, vector<16xi1> -> vector<16xi32>
        %reduce_sum3A_415 = vector.extract %reduce_sum3A_414[15] : i32 from vector<16xi32>
        %add3A_416 = arith.addi %add3A_400, %reduce_sum3A_415 : i32
        %min3A_417 = arith.constant 240 : i32
        %min3A_418 = arith.minsi %add3A_416, %min3A_417 : i32
        %swap3A_419 = arith.index_cast %min3A_418 : i32 to index
        %swap3A_420 = tpu.vector_load %arg9[%swap3A_419] masked %ge3A_314 {strides = array<i32>} : memref<256xf32, #tpu.memory_space<vmem>>, vector<16xf32>, vector<16xi1>
        tpu.vector_store %arg9[%swap3A_419], %get3A_254 masked %ge3A_314 {strides = array<i32>} : memref<256xf32, #tpu.memory_space<vmem>>, vector<16xf32>, vector<16xi1>
        %add3A_421 = arith.constant 48 : i32
        %add3A_422 = arith.addi %mul3A_238, %add3A_421 : i32
        %add3A_423 = vector.broadcast %add3A_422 : i32 to vector<16xi32>
        %add3A_424 = arith.addi %add3A_423, %iota3A : vector<16xi32>
        %swap3A_425 = arith.index_cast %min3A_418 : i32 to index
        %swap3A_426 = tpu.vector_load %arg10[%swap3A_425] masked %ge3A_314 {strides = array<i32>} : memref<256xi32, #tpu.memory_space<vmem>>, vector<16xi32>, vector<16xi1>
        tpu.vector_store %arg10[%swap3A_425], %add3A_424 masked %ge3A_314 {strides = array<i32>} : memref<256xi32, #tpu.memory_space<vmem>>, vector<16xi32>, vector<16xi1>
        %convert_element_type3A_427 = arith.extui %ge3A_314 : vector<16xi1> to vector<16xi32>
        %reduce_sum3A_428 = arith.constant true
        %reduce_sum3A_429 = vector.broadcast %reduce_sum3A_428 : i1 to vector<16xi1>
        %reduce_sum3A_430 = tpu.scan <sum>, %convert_element_type3A_427 masked %reduce_sum3A_429 : vector<16xi32>, vector<16xi1> -> vector<16xi32>
        %reduce_sum3A_431 = vector.extract %reduce_sum3A_430[15] : i32 from vector<16xi32>
        %add3A_432 = arith.addi %add3A_416, %reduce_sum3A_431 : i32
        %min3A_433 = arith.constant 240 : i32
        %min3A_434 = arith.minsi %add3A_432, %min3A_433 : i32
        %swap3A_435 = arith.index_cast %min3A_434 : i32 to index
        %swap3A_436 = tpu.vector_load %arg9[%swap3A_435] masked %ge3A_323 {strides = array<i32>} : memref<256xf32, #tpu.memory_space<vmem>>, vector<16xf32>, vector<16xi1>
        tpu.vector_store %arg9[%swap3A_435], %get3A_258 masked %ge3A_323 {strides = array<i32>} : memref<256xf32, #tpu.memory_space<vmem>>, vector<16xf32>, vector<16xi1>
        %add3A_437 = arith.constant 64 : i32
        %add3A_438 = arith.addi %mul3A_238, %add3A_437 : i32
        %add3A_439 = vector.broadcast %add3A_438 : i32 to vector<16xi32>
        %add3A_440 = arith.addi %add3A_439, %iota3A : vector<16xi32>
        %swap3A_441 = arith.index_cast %min3A_434 : i32 to index
        %swap3A_442 = tpu.vector_load %arg10[%swap3A_441] masked %ge3A_323 {strides = array<i32>} : memref<256xi32, #tpu.memory_space<vmem>>, vector<16xi32>, vector<16xi1>
        tpu.vector_store %arg10[%swap3A_441], %add3A_440 masked %ge3A_323 {strides = array<i32>} : memref<256xi32, #tpu.memory_space<vmem>>, vector<16xi32>, vector<16xi1>
        %convert_element_type3A_443 = arith.extui %ge3A_323 : vector<16xi1> to vector<16xi32>
        %reduce_sum3A_444 = arith.constant true
        %reduce_sum3A_445 = vector.broadcast %reduce_sum3A_444 : i1 to vector<16xi1>
        %reduce_sum3A_446 = tpu.scan <sum>, %convert_element_type3A_443 masked %reduce_sum3A_445 : vector<16xi32>, vector<16xi1> -> vector<16xi32>
        %reduce_sum3A_447 = vector.extract %reduce_sum3A_446[15] : i32 from vector<16xi32>
        %add3A_448 = arith.addi %add3A_432, %reduce_sum3A_447 : i32
        %min3A_449 = arith.constant 240 : i32
        %min3A_450 = arith.minsi %add3A_448, %min3A_449 : i32
        %swap3A_451 = arith.index_cast %min3A_450 : i32 to index
        %swap3A_452 = tpu.vector_load %arg9[%swap3A_451] masked %ge3A_332 {strides = array<i32>} : memref<256xf32, #tpu.memory_space<vmem>>, vector<16xf32>, vector<16xi1>
        tpu.vector_store %arg9[%swap3A_451], %get3A_262 masked %ge3A_332 {strides = array<i32>} : memref<256xf32, #tpu.memory_space<vmem>>, vector<16xf32>, vector<16xi1>
        %add3A_453 = arith.constant 80 : i32
        %add3A_454 = arith.addi %mul3A_238, %add3A_453 : i32
        %add3A_455 = vector.broadcast %add3A_454 : i32 to vector<16xi32>
        %add3A_456 = arith.addi %add3A_455, %iota3A : vector<16xi32>
        %swap3A_457 = arith.index_cast %min3A_450 : i32 to index
        %swap3A_458 = tpu.vector_load %arg10[%swap3A_457] masked %ge3A_332 {strides = array<i32>} : memref<256xi32, #tpu.memory_space<vmem>>, vector<16xi32>, vector<16xi1>
        tpu.vector_store %arg10[%swap3A_457], %add3A_456 masked %ge3A_332 {strides = array<i32>} : memref<256xi32, #tpu.memory_space<vmem>>, vector<16xi32>, vector<16xi1>
        %convert_element_type3A_459 = arith.extui %ge3A_332 : vector<16xi1> to vector<16xi32>
        %reduce_sum3A_460 = arith.constant true
        %reduce_sum3A_461 = vector.broadcast %reduce_sum3A_460 : i1 to vector<16xi1>
        %reduce_sum3A_462 = tpu.scan <sum>, %convert_element_type3A_459 masked %reduce_sum3A_461 : vector<16xi32>, vector<16xi1> -> vector<16xi32>
        %reduce_sum3A_463 = vector.extract %reduce_sum3A_462[15] : i32 from vector<16xi32>
        %add3A_464 = arith.addi %add3A_448, %reduce_sum3A_463 : i32
        %min3A_465 = arith.constant 240 : i32
        %min3A_466 = arith.minsi %add3A_464, %min3A_465 : i32
        %swap3A_467 = arith.index_cast %min3A_466 : i32 to index
        %swap3A_468 = tpu.vector_load %arg9[%swap3A_467] masked %ge3A_341 {strides = array<i32>} : memref<256xf32, #tpu.memory_space<vmem>>, vector<16xf32>, vector<16xi1>
        tpu.vector_store %arg9[%swap3A_467], %get3A_266 masked %ge3A_341 {strides = array<i32>} : memref<256xf32, #tpu.memory_space<vmem>>, vector<16xf32>, vector<16xi1>
        %add3A_469 = arith.constant 96 : i32
        %add3A_470 = arith.addi %mul3A_238, %add3A_469 : i32
        %add3A_471 = vector.broadcast %add3A_470 : i32 to vector<16xi32>
        %add3A_472 = arith.addi %add3A_471, %iota3A : vector<16xi32>
        %swap3A_473 = arith.index_cast %min3A_466 : i32 to index
        %swap3A_474 = tpu.vector_load %arg10[%swap3A_473] masked %ge3A_341 {strides = array<i32>} : memref<256xi32, #tpu.memory_space<vmem>>, vector<16xi32>, vector<16xi1>
        tpu.vector_store %arg10[%swap3A_473], %add3A_472 masked %ge3A_341 {strides = array<i32>} : memref<256xi32, #tpu.memory_space<vmem>>, vector<16xi32>, vector<16xi1>
        %convert_element_type3A_475 = arith.extui %ge3A_341 : vector<16xi1> to vector<16xi32>
        %reduce_sum3A_476 = arith.constant true
        %reduce_sum3A_477 = vector.broadcast %reduce_sum3A_476 : i1 to vector<16xi1>
        %reduce_sum3A_478 = tpu.scan <sum>, %convert_element_type3A_475 masked %reduce_sum3A_477 : vector<16xi32>, vector<16xi1> -> vector<16xi32>
        %reduce_sum3A_479 = vector.extract %reduce_sum3A_478[15] : i32 from vector<16xi32>
        %add3A_480 = arith.addi %add3A_464, %reduce_sum3A_479 : i32
        %min3A_481 = arith.constant 240 : i32
        %min3A_482 = arith.minsi %add3A_480, %min3A_481 : i32
        %swap3A_483 = arith.index_cast %min3A_482 : i32 to index
        %swap3A_484 = tpu.vector_load %arg9[%swap3A_483] masked %ge3A_350 {strides = array<i32>} : memref<256xf32, #tpu.memory_space<vmem>>, vector<16xf32>, vector<16xi1>
        tpu.vector_store %arg9[%swap3A_483], %get3A_270 masked %ge3A_350 {strides = array<i32>} : memref<256xf32, #tpu.memory_space<vmem>>, vector<16xf32>, vector<16xi1>
        %add3A_485 = arith.constant 112 : i32
        %add3A_486 = arith.addi %mul3A_238, %add3A_485 : i32
        %add3A_487 = vector.broadcast %add3A_486 : i32 to vector<16xi32>
        %add3A_488 = arith.addi %add3A_487, %iota3A : vector<16xi32>
        %swap3A_489 = arith.index_cast %min3A_482 : i32 to index
        %swap3A_490 = tpu.vector_load %arg10[%swap3A_489] masked %ge3A_350 {strides = array<i32>} : memref<256xi32, #tpu.memory_space<vmem>>, vector<16xi32>, vector<16xi1>
        tpu.vector_store %arg10[%swap3A_489], %add3A_488 masked %ge3A_350 {strides = array<i32>} : memref<256xi32, #tpu.memory_space<vmem>>, vector<16xi32>, vector<16xi1>
        %convert_element_type3A_491 = arith.extui %ge3A_350 : vector<16xi1> to vector<16xi32>
        %reduce_sum3A_492 = arith.constant true
        %reduce_sum3A_493 = vector.broadcast %reduce_sum3A_492 : i1 to vector<16xi1>
        %reduce_sum3A_494 = tpu.scan <sum>, %convert_element_type3A_491 masked %reduce_sum3A_493 : vector<16xi32>, vector<16xi1> -> vector<16xi32>
        %reduce_sum3A_495 = vector.extract %reduce_sum3A_494[15] : i32 from vector<16xi32>
        %add3A_496 = arith.addi %add3A_480, %reduce_sum3A_495 : i32
        %min3A_497 = arith.constant 240 : i32
        %min3A_498 = arith.minsi %add3A_496, %min3A_497 : i32
        %swap3A_499 = arith.index_cast %min3A_498 : i32 to index
        %swap3A_500 = tpu.vector_load %arg9[%swap3A_499] masked %ge3A_359 {strides = array<i32>} : memref<256xf32, #tpu.memory_space<vmem>>, vector<16xf32>, vector<16xi1>
        tpu.vector_store %arg9[%swap3A_499], %get3A_274 masked %ge3A_359 {strides = array<i32>} : memref<256xf32, #tpu.memory_space<vmem>>, vector<16xf32>, vector<16xi1>
        %add3A_501 = arith.constant 128 : i32
        %add3A_502 = arith.addi %mul3A_238, %add3A_501 : i32
        %add3A_503 = vector.broadcast %add3A_502 : i32 to vector<16xi32>
        %add3A_504 = arith.addi %add3A_503, %iota3A : vector<16xi32>
        %swap3A_505 = arith.index_cast %min3A_498 : i32 to index
        %swap3A_506 = tpu.vector_load %arg10[%swap3A_505] masked %ge3A_359 {strides = array<i32>} : memref<256xi32, #tpu.memory_space<vmem>>, vector<16xi32>, vector<16xi1>
        tpu.vector_store %arg10[%swap3A_505], %add3A_504 masked %ge3A_359 {strides = array<i32>} : memref<256xi32, #tpu.memory_space<vmem>>, vector<16xi32>, vector<16xi1>
        %convert_element_type3A_507 = arith.extui %ge3A_359 : vector<16xi1> to vector<16xi32>
        %reduce_sum3A_508 = arith.constant true
        %reduce_sum3A_509 = vector.broadcast %reduce_sum3A_508 : i1 to vector<16xi1>
        %reduce_sum3A_510 = tpu.scan <sum>, %convert_element_type3A_507 masked %reduce_sum3A_509 : vector<16xi32>, vector<16xi1> -> vector<16xi32>
        %reduce_sum3A_511 = vector.extract %reduce_sum3A_510[15] : i32 from vector<16xi32>
        %add3A_512 = arith.addi %add3A_496, %reduce_sum3A_511 : i32
        %min3A_513 = arith.constant 240 : i32
        %min3A_514 = arith.minsi %add3A_512, %min3A_513 : i32
        %swap3A_515 = arith.index_cast %min3A_514 : i32 to index
        %swap3A_516 = tpu.vector_load %arg9[%swap3A_515] masked %ge3A_368 {strides = array<i32>} : memref<256xf32, #tpu.memory_space<vmem>>, vector<16xf32>, vector<16xi1>
        tpu.vector_store %arg9[%swap3A_515], %get3A_278 masked %ge3A_368 {strides = array<i32>} : memref<256xf32, #tpu.memory_space<vmem>>, vector<16xf32>, vector<16xi1>
        %add3A_517 = arith.constant 144 : i32
        %add3A_518 = arith.addi %mul3A_238, %add3A_517 : i32
        %add3A_519 = vector.broadcast %add3A_518 : i32 to vector<16xi32>
        %add3A_520 = arith.addi %add3A_519, %iota3A : vector<16xi32>
        %swap3A_521 = arith.index_cast %min3A_514 : i32 to index
        %swap3A_522 = tpu.vector_load %arg10[%swap3A_521] masked %ge3A_368 {strides = array<i32>} : memref<256xi32, #tpu.memory_space<vmem>>, vector<16xi32>, vector<16xi1>
        tpu.vector_store %arg10[%swap3A_521], %add3A_520 masked %ge3A_368 {strides = array<i32>} : memref<256xi32, #tpu.memory_space<vmem>>, vector<16xi32>, vector<16xi1>
        %convert_element_type3A_523 = arith.extui %ge3A_368 : vector<16xi1> to vector<16xi32>
        %reduce_sum3A_524 = arith.constant true
        %reduce_sum3A_525 = vector.broadcast %reduce_sum3A_524 : i1 to vector<16xi1>
        %reduce_sum3A_526 = tpu.scan <sum>, %convert_element_type3A_523 masked %reduce_sum3A_525 : vector<16xi32>, vector<16xi1> -> vector<16xi32>
        %reduce_sum3A_527 = vector.extract %reduce_sum3A_526[15] : i32 from vector<16xi32>
        %add3A_528 = arith.addi %add3A_512, %reduce_sum3A_527 : i32
        scf.yield %add3A_528 : i32
      } else {
        scf.yield %scan3A_222 : i32
      }
      scf.yield %cond3A_236 : i32
    }
    %scan3A_88 = arith.constant 625 : i32
    %min3A_89 = arith.constant 256 : i32
    %min3A_90 = arith.minsi %scan3A_87, %min3A_89 : i32
    %eq3A = arith.constant 0 : i32
    %eq3A_91 = vector.broadcast %eq3A : i32 to vector<16xi32>
    %eq3A_92 = arith.cmpi eq, %iota3A, %eq3A_91 : vector<16xi32>
    %eq3A_93 = arith.constant 1 : i32
    %eq3A_94 = vector.broadcast %eq3A_93 : i32 to vector<16xi32>
    %eq3A_95 = arith.cmpi eq, %iota3A, %eq3A_94 : vector<16xi32>
    %eq3A_96 = arith.constant 2 : i32
    %eq3A_97 = vector.broadcast %eq3A_96 : i32 to vector<16xi32>
    %eq3A_98 = arith.cmpi eq, %iota3A, %eq3A_97 : vector<16xi32>
    %convert_element_type3A = arith.sitofp %min3A_90 : i32 to f32
    %jit3A = arith.constant 0.000000e+00 : f32
    %broadcast_in_dim3A_99 = vector.broadcast %convert_element_type3A : f32 to vector<16xf32>
    %broadcast_in_dim3A_100 = vector.broadcast %jit3A : f32 to vector<16xf32>
    %select_n3A = arith.select %eq3A_98, %broadcast_in_dim3A_99, %broadcast_in_dim3A_100 : vector<16xi1>, vector<16xf32>
    %broadcast_in_dim3A_101 = vector.broadcast %reduce_sum3A_63 : f32 to vector<16xf32>
    %select_n3A_102 = arith.select %eq3A_95, %broadcast_in_dim3A_101, %select_n3A : vector<16xi1>, vector<16xf32>
    %broadcast_in_dim3A_103 = vector.broadcast %reduce_max3A_30 : f32 to vector<16xf32>
    %select_n3A_104 = arith.select %eq3A_92, %broadcast_in_dim3A_103, %select_n3A_102 : vector<16xi1>, vector<16xf32>
    %swap3A = arith.constant 0 : index
    %swap3A_105 = tpu.vector_load %arg11[%swap3A] {strides = array<i32>} : memref<16xf32, #tpu.memory_space<vmem>>, vector<16xf32>,
    tpu.vector_store %arg11[%swap3A], %select_n3A_104 {strides = array<i32>} : memref<16xf32, #tpu.memory_space<vmem>>, vector<16xf32>,
    "tpu.region"() ({
      %run_scoped3A = tpu.sem_alloc : memref<!tpu.dma_semaphore, #tpu.memory_space<semaphore_mem>>
      %dma_start3A_221 = arith.constant 0 : i32
      %dma_start3A_222 = tpu.memref_slice %arg3[%add3A_9, %dma_start3A_221] : memref<64x256xf32, #tpu.memory_space<hbm>> -> memref<1x256xf32, #tpu.memory_space<hbm>>
      %dma_start3A_223 = tpu.memref_squeeze %dma_start3A_222 : memref<1x256xf32, #tpu.memory_space<hbm>> -> memref<256xf32, #tpu.memory_space<hbm>>
      %dma_start3A_224 = arith.constant 0 : i32
      %dma_start3A_225 = tpu.memref_slice %arg3[%add3A_9, %dma_start3A_224] : memref<64x256xf32, #tpu.memory_space<hbm>> -> memref<1x256xf32, #tpu.memory_space<hbm>>
      %dma_start3A_226 = tpu.memref_squeeze %dma_start3A_225 : memref<1x256xf32, #tpu.memory_space<hbm>> -> memref<256xf32, #tpu.memory_space<hbm>>
      tpu.enqueue_dma source(%arg9 : memref<256xf32, #tpu.memory_space<vmem>>) target(%dma_start3A_226 : memref<256xf32, #tpu.memory_space<hbm>>) target_semaphore(%run_scoped3A : memref<!tpu.dma_semaphore, #tpu.memory_space<semaphore_mem>>)
      %dma_wait3A_227 = arith.constant 0 : i32
      %dma_wait3A_228 = tpu.memref_slice %arg3[%add3A_9, %dma_wait3A_227] : memref<64x256xf32, #tpu.memory_space<hbm>> -> memref<1x256xf32, #tpu.memory_space<hbm>>
      %dma_wait3A_229 = tpu.memref_squeeze %dma_wait3A_228 : memref<1x256xf32, #tpu.memory_space<hbm>> -> memref<256xf32, #tpu.memory_space<hbm>>
      %dma_wait3A_230 = arith.constant 0 : i32
      %dma_wait3A_231 = tpu.memref_slice %arg3[%add3A_9, %dma_wait3A_230] : memref<64x256xf32, #tpu.memory_space<hbm>> -> memref<1x256xf32, #tpu.memory_space<hbm>>
      %dma_wait3A_232 = tpu.memref_squeeze %dma_wait3A_231 : memref<1x256xf32, #tpu.memory_space<hbm>> -> memref<256xf32, #tpu.memory_space<hbm>>
      tpu.wait_dma2 semaphore(%run_scoped3A : memref<!tpu.dma_semaphore, #tpu.memory_space<semaphore_mem>>) src(%arg9 : memref<256xf32, #tpu.memory_space<vmem>>) dst(%dma_wait3A_232 : memref<256xf32, #tpu.memory_space<hbm>>)
      tpu.yield
    }) : () -> ()
    "tpu.region"() ({
      %run_scoped3A = tpu.sem_alloc : memref<!tpu.dma_semaphore, #tpu.memory_space<semaphore_mem>>
      %dma_start3A_221 = arith.constant 0 : i32
      %dma_start3A_222 = tpu.memref_slice %arg4[%add3A_9, %dma_start3A_221] : memref<64x256xi32, #tpu.memory_space<hbm>> -> memref<1x256xi32, #tpu.memory_space<hbm>>
      %dma_start3A_223 = tpu.memref_squeeze %dma_start3A_222 : memref<1x256xi32, #tpu.memory_space<hbm>> -> memref<256xi32, #tpu.memory_space<hbm>>
      %dma_start3A_224 = arith.constant 0 : i32
      %dma_start3A_225 = tpu.memref_slice %arg4[%add3A_9, %dma_start3A_224] : memref<64x256xi32, #tpu.memory_space<hbm>> -> memref<1x256xi32, #tpu.memory_space<hbm>>
      %dma_start3A_226 = tpu.memref_squeeze %dma_start3A_225 : memref<1x256xi32, #tpu.memory_space<hbm>> -> memref<256xi32, #tpu.memory_space<hbm>>
      tpu.enqueue_dma source(%arg10 : memref<256xi32, #tpu.memory_space<vmem>>) target(%dma_start3A_226 : memref<256xi32, #tpu.memory_space<hbm>>) target_semaphore(%run_scoped3A : memref<!tpu.dma_semaphore, #tpu.memory_space<semaphore_mem>>)
      %dma_wait3A_227 = arith.constant 0 : i32
      %dma_wait3A_228 = tpu.memref_slice %arg4[%add3A_9, %dma_wait3A_227] : memref<64x256xi32, #tpu.memory_space<hbm>> -> memref<1x256xi32, #tpu.memory_space<hbm>>
      %dma_wait3A_229 = tpu.memref_squeeze %dma_wait3A_228 : memref<1x256xi32, #tpu.memory_space<hbm>> -> memref<256xi32, #tpu.memory_space<hbm>>
      %dma_wait3A_230 = arith.constant 0 : i32
      %dma_wait3A_231 = tpu.memref_slice %arg4[%add3A_9, %dma_wait3A_230] : memref<64x256xi32, #tpu.memory_space<hbm>> -> memref<1x256xi32, #tpu.memory_space<hbm>>
      %dma_wait3A_232 = tpu.memref_squeeze %dma_wait3A_231 : memref<1x256xi32, #tpu.memory_space<hbm>> -> memref<256xi32, #tpu.memory_space<hbm>>
      tpu.wait_dma2 semaphore(%run_scoped3A : memref<!tpu.dma_semaphore, #tpu.memory_space<semaphore_mem>>) src(%arg10 : memref<256xi32, #tpu.memory_space<vmem>>) dst(%dma_wait3A_232 : memref<256xi32, #tpu.memory_space<hbm>>)
      tpu.yield
    }) : () -> ()
    "tpu.region"() ({
      %run_scoped3A = tpu.sem_alloc : memref<!tpu.dma_semaphore, #tpu.memory_space<semaphore_mem>>
      %dma_start3A_221 = arith.constant 0 : i32
      %dma_start3A_222 = tpu.memref_slice %arg5[%add3A_9, %dma_start3A_221] : memref<64x16xf32, #tpu.memory_space<hbm>> -> memref<1x16xf32, #tpu.memory_space<hbm>>
      %dma_start3A_223 = tpu.memref_squeeze %dma_start3A_222 : memref<1x16xf32, #tpu.memory_space<hbm>> -> memref<16xf32, #tpu.memory_space<hbm>>
      %dma_start3A_224 = arith.constant 0 : i32
      %dma_start3A_225 = tpu.memref_slice %arg5[%add3A_9, %dma_start3A_224] : memref<64x16xf32, #tpu.memory_space<hbm>> -> memref<1x16xf32, #tpu.memory_space<hbm>>
      %dma_start3A_226 = tpu.memref_squeeze %dma_start3A_225 : memref<1x16xf32, #tpu.memory_space<hbm>> -> memref<16xf32, #tpu.memory_space<hbm>>
      tpu.enqueue_dma source(%arg11 : memref<16xf32, #tpu.memory_space<vmem>>) target(%dma_start3A_226 : memref<16xf32, #tpu.memory_space<hbm>>) target_semaphore(%run_scoped3A : memref<!tpu.dma_semaphore, #tpu.memory_space<semaphore_mem>>)
      %dma_wait3A_227 = arith.constant 0 : i32
      %dma_wait3A_228 = tpu.memref_slice %arg5[%add3A_9, %dma_wait3A_227] : memref<64x16xf32, #tpu.memory_space<hbm>> -> memref<1x16xf32, #tpu.memory_space<hbm>>
      %dma_wait3A_229 = tpu.memref_squeeze %dma_wait3A_228 : memref<1x16xf32, #tpu.memory_space<hbm>> -> memref<16xf32, #tpu.memory_space<hbm>>
      %dma_wait3A_230 = arith.constant 0 : i32
      %dma_wait3A_231 = tpu.memref_slice %arg5[%add3A_9, %dma_wait3A_230] : memref<64x16xf32, #tpu.memory_space<hbm>> -> memref<1x16xf32, #tpu.memory_space<hbm>>
      %dma_wait3A_232 = tpu.memref_squeeze %dma_wait3A_231 : memref<1x16xf32, #tpu.memory_space<hbm>> -> memref<16xf32, #tpu.memory_space<hbm>>
      tpu.wait_dma2 semaphore(%run_scoped3A : memref<!tpu.dma_semaphore, #tpu.memory_space<semaphore_mem>>) src(%arg11 : memref<16xf32, #tpu.memory_space<vmem>>) dst(%dma_wait3A_232 : memref<16xf32, #tpu.memory_space<hbm>>)
      tpu.yield
    }) : () -> ()
    %mul3A_106 = arith.constant 2 : i32
    %mul3A_107 = arith.muli %add3A, %mul3A_106 : i32
    %add3A_108 = arith.constant 1 : i32
    %add3A_109 = arith.addi %mul3A_107, %add3A_108 : i32
    %dma_start3A_110 = arith.constant 0 : i32
    %dma_start3A_111 = tpu.memref_slice %arg2[%add3A_109, %dma_start3A_110] : memref<64x100000xf32, #tpu.memory_space<hbm>> -> memref<1x100000xf32, #tpu.memory_space<hbm>>
    %dma_start3A_112 = tpu.memref_squeeze %dma_start3A_111 : memref<1x100000xf32, #tpu.memory_space<hbm>> -> memref<100000xf32, #tpu.memory_space<hbm>>
    %dma_start3A_113 = arith.constant 0 : i32
    %dma_start3A_114 = tpu.memref_slice %arg2[%add3A_109, %dma_start3A_113] : memref<64x100000xf32, #tpu.memory_space<hbm>> -> memref<1x100000xf32, #tpu.memory_space<hbm>>
    %dma_start3A_115 = tpu.memref_squeeze %dma_start3A_114 : memref<1x100000xf32, #tpu.memory_space<hbm>> -> memref<100000xf32, #tpu.memory_space<hbm>>
    tpu.enqueue_dma source(%dma_start3A_115 : memref<100000xf32, #tpu.memory_space<hbm>>) target(%arg6 : memref<100000xf32, #tpu.memory_space<vmem>>) target_semaphore(%arg12 : memref<!tpu.dma_semaphore, #tpu.memory_space<semaphore_mem>>)
    %dma_wait3A_116 = arith.constant 0 : i32
    %dma_wait3A_117 = tpu.memref_slice %arg2[%add3A_109, %dma_wait3A_116] : memref<64x100000xf32, #tpu.memory_space<hbm>> -> memref<1x100000xf32, #tpu.memory_space<hbm>>
    %dma_wait3A_118 = tpu.memref_squeeze %dma_wait3A_117 : memref<1x100000xf32, #tpu.memory_space<hbm>> -> memref<100000xf32, #tpu.memory_space<hbm>>
    %dma_wait3A_119 = arith.constant 0 : i32
    %dma_wait3A_120 = tpu.memref_slice %arg2[%add3A_109, %dma_wait3A_119] : memref<64x100000xf32, #tpu.memory_space<hbm>> -> memref<1x100000xf32, #tpu.memory_space<hbm>>
    %dma_wait3A_121 = tpu.memref_squeeze %dma_wait3A_120 : memref<1x100000xf32, #tpu.memory_space<hbm>> -> memref<100000xf32, #tpu.memory_space<hbm>>
    tpu.wait_dma2 semaphore(%arg12 : memref<!tpu.dma_semaphore, #tpu.memory_space<semaphore_mem>>) src(%dma_wait3A_121 : memref<100000xf32, #tpu.memory_space<hbm>>) dst(%arg6 : memref<100000xf32, #tpu.memory_space<vmem>>)
    %broadcast_in_dim3A_122 = arith.constant 0xFF800000 : f32
    %broadcast_in_dim3A_123 = vector.broadcast %broadcast_in_dim3A_122 : f32 to vector<16xf32>
    %broadcast_in_dim3A_124 = arith.constant 0x7F800000 : f32
    %broadcast_in_dim3A_125 = vector.broadcast %broadcast_in_dim3A_124 : f32 to vector<16xf32>
    %scan3A_126 = arith.constant 0 : i32
    %scan3A_127 = arith.constant 625 : i32
    %scan3A_128 = arith.addi %scan3A_126, %scan3A_127 : i32
    %scan3A_129 = arith.constant 1 : i32
    %scan3A_130:5 = scf.for %scan3A_221 = %scan3A_126 to %scan3A_128 step %scan3A_129 iter_args(%scan3A_222 = %broadcast_in_dim3A_123, %scan3A_223 = %broadcast_in_dim3A_125, %scan3A_224 = %broadcast_in_dim3A_125, %scan3A_225 = %broadcast_in_dim3A_125, %scan3A_226 = %broadcast_in_dim3A_125) -> (vector<16xf32>, vector<16xf32>, vector<16xf32>, vector<16xf32>, vector<16xf32>)  : i32 {
      %mul3A_227 = arith.constant 160 : i32
      %mul3A_228 = arith.muli %scan3A_221, %mul3A_227 : i32
      %add3A_229 = arith.constant 0 : i32
      %add3A_230 = arith.addi %mul3A_228, %add3A_229 : i32
      %get3A = arith.index_cast %add3A_230 : i32 to index
      %get3A_231 = tpu.vector_load %arg6[%get3A] {strides = array<i32>} : memref<100000xf32, #tpu.memory_space<vmem>>, vector<16xf32>,
      %add3A_232 = arith.constant 16 : i32
      %add3A_233 = arith.addi %mul3A_228, %add3A_232 : i32
      %get3A_234 = arith.index_cast %add3A_233 : i32 to index
      %get3A_235 = tpu.vector_load %arg6[%get3A_234] {strides = array<i32>} : memref<100000xf32, #tpu.memory_space<vmem>>, vector<16xf32>,
      %add3A_236 = arith.constant 32 : i32
      %add3A_237 = arith.addi %mul3A_228, %add3A_236 : i32
      %get3A_238 = arith.index_cast %add3A_237 : i32 to index
      %get3A_239 = tpu.vector_load %arg6[%get3A_238] {strides = array<i32>} : memref<100000xf32, #tpu.memory_space<vmem>>, vector<16xf32>,
      %add3A_240 = arith.constant 48 : i32
      %add3A_241 = arith.addi %mul3A_228, %add3A_240 : i32
      %get3A_242 = arith.index_cast %add3A_241 : i32 to index
      %get3A_243 = tpu.vector_load %arg6[%get3A_242] {strides = array<i32>} : memref<100000xf32, #tpu.memory_space<vmem>>, vector<16xf32>,
      %add3A_244 = arith.constant 64 : i32
      %add3A_245 = arith.addi %mul3A_228, %add3A_244 : i32
      %get3A_246 = arith.index_cast %add3A_245 : i32 to index
      %get3A_247 = tpu.vector_load %arg6[%get3A_246] {strides = array<i32>} : memref<100000xf32, #tpu.memory_space<vmem>>, vector<16xf32>,
      %add3A_248 = arith.constant 80 : i32
      %add3A_249 = arith.addi %mul3A_228, %add3A_248 : i32
      %get3A_250 = arith.index_cast %add3A_249 : i32 to index
      %get3A_251 = tpu.vector_load %arg6[%get3A_250] {strides = array<i32>} : memref<100000xf32, #tpu.memory_space<vmem>>, vector<16xf32>,
      %add3A_252 = arith.constant 96 : i32
      %add3A_253 = arith.addi %mul3A_228, %add3A_252 : i32
      %get3A_254 = arith.index_cast %add3A_253 : i32 to index
      %get3A_255 = tpu.vector_load %arg6[%get3A_254] {strides = array<i32>} : memref<100000xf32, #tpu.memory_space<vmem>>, vector<16xf32>,
      %add3A_256 = arith.constant 112 : i32
      %add3A_257 = arith.addi %mul3A_228, %add3A_256 : i32
      %get3A_258 = arith.index_cast %add3A_257 : i32 to index
      %get3A_259 = tpu.vector_load %arg6[%get3A_258] {strides = array<i32>} : memref<100000xf32, #tpu.memory_space<vmem>>, vector<16xf32>,
      %add3A_260 = arith.constant 128 : i32
      %add3A_261 = arith.addi %mul3A_228, %add3A_260 : i32
      %get3A_262 = arith.index_cast %add3A_261 : i32 to index
      %get3A_263 = tpu.vector_load %arg6[%get3A_262] {strides = array<i32>} : memref<100000xf32, #tpu.memory_space<vmem>>, vector<16xf32>,
      %add3A_264 = arith.constant 144 : i32
      %add3A_265 = arith.addi %mul3A_228, %add3A_264 : i32
      %get3A_266 = arith.index_cast %add3A_265 : i32 to index
      %get3A_267 = tpu.vector_load %arg6[%get3A_266] {strides = array<i32>} : memref<100000xf32, #tpu.memory_space<vmem>>, vector<16xf32>,
      %max3A_268 = arith.maximumf %get3A_231, %get3A_235 : vector<16xf32>
      %max3A_269 = arith.maximumf %get3A_239, %get3A_243 : vector<16xf32>
      %max3A_270 = arith.maximumf %get3A_247, %get3A_251 : vector<16xf32>
      %max3A_271 = arith.maximumf %get3A_255, %get3A_259 : vector<16xf32>
      %max3A_272 = arith.maximumf %get3A_263, %get3A_267 : vector<16xf32>
      %max3A_273 = arith.maximumf %max3A_268, %max3A_269 : vector<16xf32>
      %max3A_274 = arith.maximumf %max3A_270, %max3A_271 : vector<16xf32>
      %max3A_275 = arith.maximumf %max3A_273, %max3A_274 : vector<16xf32>
      %max3A_276 = arith.maximumf %max3A_275, %max3A_272 : vector<16xf32>
      %mul3A_277 = arith.constant 16 : i32
      %mul3A_278 = arith.muli %scan3A_221, %mul3A_277 : i32
      %swap3A_279 = arith.index_cast %mul3A_278 : i32 to index
      %swap3A_280 = tpu.vector_load %arg8[%swap3A_279] {strides = array<i32>} : memref<10000xf32, #tpu.memory_space<vmem>>, vector<16xf32>,
      tpu.vector_store %arg8[%swap3A_279], %max3A_276 {strides = array<i32>} : memref<10000xf32, #tpu.memory_space<vmem>>, vector<16xf32>,
      %min3A_281 = arith.minimumf %scan3A_223, %get3A_231 : vector<16xf32>
      %min3A_282 = arith.minimumf %scan3A_224, %get3A_235 : vector<16xf32>
      %min3A_283 = arith.minimumf %scan3A_225, %get3A_239 : vector<16xf32>
      %min3A_284 = arith.minimumf %scan3A_226, %get3A_243 : vector<16xf32>
      %min3A_285 = arith.minimumf %min3A_281, %get3A_247 : vector<16xf32>
      %min3A_286 = arith.minimumf %min3A_282, %get3A_251 : vector<16xf32>
      %min3A_287 = arith.minimumf %min3A_283, %get3A_255 : vector<16xf32>
      %min3A_288 = arith.minimumf %min3A_284, %get3A_259 : vector<16xf32>
      %min3A_289 = arith.minimumf %min3A_285, %get3A_263 : vector<16xf32>
      %min3A_290 = arith.minimumf %min3A_286, %get3A_267 : vector<16xf32>
      %max3A_291 = arith.maximumf %scan3A_222, %max3A_276 : vector<16xf32>
      scf.yield %max3A_291, %min3A_289, %min3A_290, %min3A_287, %min3A_288 : vector<16xf32>, vector<16xf32>, vector<16xf32>, vector<16xf32>, vector<16xf32>
    }
    %scan3A_131 = arith.constant 625 : i32
    %reduce_max3A_132 = arith.constant true
    %reduce_max3A_133 = vector.broadcast %reduce_max3A_132 : i1 to vector<16xi1>
    %reduce_max3A_134 = tpu.scan <max>, %scan3A_130#0 masked %reduce_max3A_133 : vector<16xf32>, vector<16xi1> -> vector<16xf32>
    %reduce_max3A_135 = vector.extract %reduce_max3A_134[15] : f32 from vector<16xf32>
    %min3A_136 = arith.minimumf %scan3A_130#1, %scan3A_130#2 : vector<16xf32>
    %min3A_137 = arith.minimumf %scan3A_130#3, %scan3A_130#4 : vector<16xf32>
    %min3A_138 = arith.minimumf %min3A_136, %min3A_137 : vector<16xf32>
    %reduce_min3A_139 = arith.constant true
    %reduce_min3A_140 = vector.broadcast %reduce_min3A_139 : i1 to vector<16xi1>
    %reduce_min3A_141 = tpu.scan <min>, %min3A_138 masked %reduce_min3A_140 : vector<16xf32>, vector<16xi1> -> vector<16xf32>
    %reduce_min3A_142 = vector.extract %reduce_min3A_141[15] : f32 from vector<16xf32>
    %broadcast_in_dim3A_143 = arith.constant 5.100000e+02 : f32
    %broadcast_in_dim3A_144 = vector.broadcast %broadcast_in_dim3A_143 : f32 to vector<16xf32>
    %sub3A_145 = arith.subf %reduce_max3A_135, %reduce_min3A_142 : f32
    %broadcast_in_dim3A_146 = vector.broadcast %sub3A_145 : f32 to vector<16xf32>
    %max3A_147 = arith.constant 1.000000e-30 : f32
    %max3A_148 = vector.broadcast %max3A_147 : f32 to vector<16xf32>
    %max3A_149 = arith.maximumf %broadcast_in_dim3A_146, %max3A_148 : vector<16xf32>
    %div3A_150 = arith.divf %broadcast_in_dim3A_144, %max3A_149 : vector<16xf32>
    %scan3A_151 = arith.constant 0 : i32
    %scan3A_152 = arith.constant 0 : i32
    %scan3A_153 = arith.constant 32 : i32
    %scan3A_154 = arith.addi %scan3A_152, %scan3A_153 : i32
    %scan3A_155 = arith.constant 1 : i32
    scf.for %scan3A_221 = %scan3A_152 to %scan3A_154 step %scan3A_155  : i32 {
      %broadcast_in_dim3A_222 = arith.constant 0 : i32
      %broadcast_in_dim3A_223 = vector.broadcast %broadcast_in_dim3A_222 : i32 to vector<16xi32>
      %mul3A_224 = arith.constant 16 : i32
      %mul3A_225 = arith.muli %scan3A_221, %mul3A_224 : i32
      %add3A_226 = arith.constant 0 : i32
      %add3A_227 = arith.addi %mul3A_225, %add3A_226 : i32
      %mul3A_228 = arith.constant 16 : i32
      %mul3A_229 = arith.muli %add3A_227, %mul3A_228 : i32
      %swap3A_230 = arith.index_cast %mul3A_229 : i32 to index
      %swap3A_231 = tpu.vector_load %arg7[%swap3A_230] {strides = array<i32>} : memref<8192xi32, #tpu.memory_space<vmem>>, vector<16xi32>,
      tpu.vector_store %arg7[%swap3A_230], %broadcast_in_dim3A_223 {strides = array<i32>} : memref<8192xi32, #tpu.memory_space<vmem>>, vector<16xi32>,
      %broadcast_in_dim3A_232 = arith.constant 0 : i32
      %broadcast_in_dim3A_233 = vector.broadcast %broadcast_in_dim3A_232 : i32 to vector<16xi32>
      %mul3A_234 = arith.constant 16 : i32
      %mul3A_235 = arith.muli %scan3A_221, %mul3A_234 : i32
      %add3A_236 = arith.constant 1 : i32
      %add3A_237 = arith.addi %mul3A_235, %add3A_236 : i32
      %mul3A_238 = arith.constant 16 : i32
      %mul3A_239 = arith.muli %add3A_237, %mul3A_238 : i32
      %swap3A_240 = arith.index_cast %mul3A_239 : i32 to index
      %swap3A_241 = tpu.vector_load %arg7[%swap3A_240] {strides = array<i32>} : memref<8192xi32, #tpu.memory_space<vmem>>, vector<16xi32>,
      tpu.vector_store %arg7[%swap3A_240], %broadcast_in_dim3A_233 {strides = array<i32>} : memref<8192xi32, #tpu.memory_space<vmem>>, vector<16xi32>,
      %broadcast_in_dim3A_242 = arith.constant 0 : i32
      %broadcast_in_dim3A_243 = vector.broadcast %broadcast_in_dim3A_242 : i32 to vector<16xi32>
      %mul3A_244 = arith.constant 16 : i32
      %mul3A_245 = arith.muli %scan3A_221, %mul3A_244 : i32
      %add3A_246 = arith.constant 2 : i32
      %add3A_247 = arith.addi %mul3A_245, %add3A_246 : i32
      %mul3A_248 = arith.constant 16 : i32
      %mul3A_249 = arith.muli %add3A_247, %mul3A_248 : i32
      %swap3A_250 = arith.index_cast %mul3A_249 : i32 to index
      %swap3A_251 = tpu.vector_load %arg7[%swap3A_250] {strides = array<i32>} : memref<8192xi32, #tpu.memory_space<vmem>>, vector<16xi32>,
      tpu.vector_store %arg7[%swap3A_250], %broadcast_in_dim3A_243 {strides = array<i32>} : memref<8192xi32, #tpu.memory_space<vmem>>, vector<16xi32>,
      %broadcast_in_dim3A_252 = arith.constant 0 : i32
      %broadcast_in_dim3A_253 = vector.broadcast %broadcast_in_dim3A_252 : i32 to vector<16xi32>
      %mul3A_254 = arith.constant 16 : i32
      %mul3A_255 = arith.muli %scan3A_221, %mul3A_254 : i32
      %add3A_256 = arith.constant 3 : i32
      %add3A_257 = arith.addi %mul3A_255, %add3A_256 : i32
      %mul3A_258 = arith.constant 16 : i32
      %mul3A_259 = arith.muli %add3A_257, %mul3A_258 : i32
      %swap3A_260 = arith.index_cast %mul3A_259 : i32 to index
      %swap3A_261 = tpu.vector_load %arg7[%swap3A_260] {strides = array<i32>} : memref<8192xi32, #tpu.memory_space<vmem>>, vector<16xi32>,
      tpu.vector_store %arg7[%swap3A_260], %broadcast_in_dim3A_253 {strides = array<i32>} : memref<8192xi32, #tpu.memory_space<vmem>>, vector<16xi32>,
      %broadcast_in_dim3A_262 = arith.constant 0 : i32
      %broadcast_in_dim3A_263 = vector.broadcast %broadcast_in_dim3A_262 : i32 to vector<16xi32>
      %mul3A_264 = arith.constant 16 : i32
      %mul3A_265 = arith.muli %scan3A_221, %mul3A_264 : i32
      %add3A_266 = arith.constant 4 : i32
      %add3A_267 = arith.addi %mul3A_265, %add3A_266 : i32
      %mul3A_268 = arith.constant 16 : i32
      %mul3A_269 = arith.muli %add3A_267, %mul3A_268 : i32
      %swap3A_270 = arith.index_cast %mul3A_269 : i32 to index
      %swap3A_271 = tpu.vector_load %arg7[%swap3A_270] {strides = array<i32>} : memref<8192xi32, #tpu.memory_space<vmem>>, vector<16xi32>,
      tpu.vector_store %arg7[%swap3A_270], %broadcast_in_dim3A_263 {strides = array<i32>} : memref<8192xi32, #tpu.memory_space<vmem>>, vector<16xi32>,
      %broadcast_in_dim3A_272 = arith.constant 0 : i32
      %broadcast_in_dim3A_273 = vector.broadcast %broadcast_in_dim3A_272 : i32 to vector<16xi32>
      %mul3A_274 = arith.constant 16 : i32
      %mul3A_275 = arith.muli %scan3A_221, %mul3A_274 : i32
      %add3A_276 = arith.constant 5 : i32
      %add3A_277 = arith.addi %mul3A_275, %add3A_276 : i32
      %mul3A_278 = arith.constant 16 : i32
      %mul3A_279 = arith.muli %add3A_277, %mul3A_278 : i32
      %swap3A_280 = arith.index_cast %mul3A_279 : i32 to index
      %swap3A_281 = tpu.vector_load %arg7[%swap3A_280] {strides = array<i32>} : memref<8192xi32, #tpu.memory_space<vmem>>, vector<16xi32>,
      tpu.vector_store %arg7[%swap3A_280], %broadcast_in_dim3A_273 {strides = array<i32>} : memref<8192xi32, #tpu.memory_space<vmem>>, vector<16xi32>,
      %broadcast_in_dim3A_282 = arith.constant 0 : i32
      %broadcast_in_dim3A_283 = vector.broadcast %broadcast_in_dim3A_282 : i32 to vector<16xi32>
      %mul3A_284 = arith.constant 16 : i32
      %mul3A_285 = arith.muli %scan3A_221, %mul3A_284 : i32
      %add3A_286 = arith.constant 6 : i32
      %add3A_287 = arith.addi %mul3A_285, %add3A_286 : i32
      %mul3A_288 = arith.constant 16 : i32
      %mul3A_289 = arith.muli %add3A_287, %mul3A_288 : i32
      %swap3A_290 = arith.index_cast %mul3A_289 : i32 to index
      %swap3A_291 = tpu.vector_load %arg7[%swap3A_290] {strides = array<i32>} : memref<8192xi32, #tpu.memory_space<vmem>>, vector<16xi32>,
      tpu.vector_store %arg7[%swap3A_290], %broadcast_in_dim3A_283 {strides = array<i32>} : memref<8192xi32, #tpu.memory_space<vmem>>, vector<16xi32>,
      %broadcast_in_dim3A_292 = arith.constant 0 : i32
      %broadcast_in_dim3A_293 = vector.broadcast %broadcast_in_dim3A_292 : i32 to vector<16xi32>
      %mul3A_294 = arith.constant 16 : i32
      %mul3A_295 = arith.muli %scan3A_221, %mul3A_294 : i32
      %add3A_296 = arith.constant 7 : i32
      %add3A_297 = arith.addi %mul3A_295, %add3A_296 : i32
      %mul3A_298 = arith.constant 16 : i32
      %mul3A_299 = arith.muli %add3A_297, %mul3A_298 : i32
      %swap3A_300 = arith.index_cast %mul3A_299 : i32 to index
      %swap3A_301 = tpu.vector_load %arg7[%swap3A_300] {strides = array<i32>} : memref<8192xi32, #tpu.memory_space<vmem>>, vector<16xi32>,
      tpu.vector_store %arg7[%swap3A_300], %broadcast_in_dim3A_293 {strides = array<i32>} : memref<8192xi32, #tpu.memory_space<vmem>>, vector<16xi32>,
      %broadcast_in_dim3A_302 = arith.constant 0 : i32
      %broadcast_in_dim3A_303 = vector.broadcast %broadcast_in_dim3A_302 : i32 to vector<16xi32>
      %mul3A_304 = arith.constant 16 : i32
      %mul3A_305 = arith.muli %scan3A_221, %mul3A_304 : i32
      %add3A_306 = arith.constant 8 : i32
      %add3A_307 = arith.addi %mul3A_305, %add3A_306 : i32
      %mul3A_308 = arith.constant 16 : i32
      %mul3A_309 = arith.muli %add3A_307, %mul3A_308 : i32
      %swap3A_310 = arith.index_cast %mul3A_309 : i32 to index
      %swap3A_311 = tpu.vector_load %arg7[%swap3A_310] {strides = array<i32>} : memref<8192xi32, #tpu.memory_space<vmem>>, vector<16xi32>,
      tpu.vector_store %arg7[%swap3A_310], %broadcast_in_dim3A_303 {strides = array<i32>} : memref<8192xi32, #tpu.memory_space<vmem>>, vector<16xi32>,
      %broadcast_in_dim3A_312 = arith.constant 0 : i32
      %broadcast_in_dim3A_313 = vector.broadcast %broadcast_in_dim3A_312 : i32 to vector<16xi32>
      %mul3A_314 = arith.constant 16 : i32
      %mul3A_315 = arith.muli %scan3A_221, %mul3A_314 : i32
      %add3A_316 = arith.constant 9 : i32
      %add3A_317 = arith.addi %mul3A_315, %add3A_316 : i32
      %mul3A_318 = arith.constant 16 : i32
      %mul3A_319 = arith.muli %add3A_317, %mul3A_318 : i32
      %swap3A_320 = arith.index_cast %mul3A_319 : i32 to index
      %swap3A_321 = tpu.vector_load %arg7[%swap3A_320] {strides = array<i32>} : memref<8192xi32, #tpu.memory_space<vmem>>, vector<16xi32>,
      tpu.vector_store %arg7[%swap3A_320], %broadcast_in_dim3A_313 {strides = array<i32>} : memref<8192xi32, #tpu.memory_space<vmem>>, vector<16xi32>,
      %broadcast_in_dim3A_322 = arith.constant 0 : i32
      %broadcast_in_dim3A_323 = vector.broadcast %broadcast_in_dim3A_322 : i32 to vector<16xi32>
      %mul3A_324 = arith.constant 16 : i32
      %mul3A_325 = arith.muli %scan3A_221, %mul3A_324 : i32
      %add3A_326 = arith.constant 10 : i32
      %add3A_327 = arith.addi %mul3A_325, %add3A_326 : i32
      %mul3A_328 = arith.constant 16 : i32
      %mul3A_329 = arith.muli %add3A_327, %mul3A_328 : i32
      %swap3A_330 = arith.index_cast %mul3A_329 : i32 to index
      %swap3A_331 = tpu.vector_load %arg7[%swap3A_330] {strides = array<i32>} : memref<8192xi32, #tpu.memory_space<vmem>>, vector<16xi32>,
      tpu.vector_store %arg7[%swap3A_330], %broadcast_in_dim3A_323 {strides = array<i32>} : memref<8192xi32, #tpu.memory_space<vmem>>, vector<16xi32>,
      %broadcast_in_dim3A_332 = arith.constant 0 : i32
      %broadcast_in_dim3A_333 = vector.broadcast %broadcast_in_dim3A_332 : i32 to vector<16xi32>
      %mul3A_334 = arith.constant 16 : i32
      %mul3A_335 = arith.muli %scan3A_221, %mul3A_334 : i32
      %add3A_336 = arith.constant 11 : i32
      %add3A_337 = arith.addi %mul3A_335, %add3A_336 : i32
      %mul3A_338 = arith.constant 16 : i32
      %mul3A_339 = arith.muli %add3A_337, %mul3A_338 : i32
      %swap3A_340 = arith.index_cast %mul3A_339 : i32 to index
      %swap3A_341 = tpu.vector_load %arg7[%swap3A_340] {strides = array<i32>} : memref<8192xi32, #tpu.memory_space<vmem>>, vector<16xi32>,
      tpu.vector_store %arg7[%swap3A_340], %broadcast_in_dim3A_333 {strides = array<i32>} : memref<8192xi32, #tpu.memory_space<vmem>>, vector<16xi32>,
      %broadcast_in_dim3A_342 = arith.constant 0 : i32
      %broadcast_in_dim3A_343 = vector.broadcast %broadcast_in_dim3A_342 : i32 to vector<16xi32>
      %mul3A_344 = arith.constant 16 : i32
      %mul3A_345 = arith.muli %scan3A_221, %mul3A_344 : i32
      %add3A_346 = arith.constant 12 : i32
      %add3A_347 = arith.addi %mul3A_345, %add3A_346 : i32
      %mul3A_348 = arith.constant 16 : i32
      %mul3A_349 = arith.muli %add3A_347, %mul3A_348 : i32
      %swap3A_350 = arith.index_cast %mul3A_349 : i32 to index
      %swap3A_351 = tpu.vector_load %arg7[%swap3A_350] {strides = array<i32>} : memref<8192xi32, #tpu.memory_space<vmem>>, vector<16xi32>,
      tpu.vector_store %arg7[%swap3A_350], %broadcast_in_dim3A_343 {strides = array<i32>} : memref<8192xi32, #tpu.memory_space<vmem>>, vector<16xi32>,
      %broadcast_in_dim3A_352 = arith.constant 0 : i32
      %broadcast_in_dim3A_353 = vector.broadcast %broadcast_in_dim3A_352 : i32 to vector<16xi32>
      %mul3A_354 = arith.constant 16 : i32
      %mul3A_355 = arith.muli %scan3A_221, %mul3A_354 : i32
      %add3A_356 = arith.constant 13 : i32
      %add3A_357 = arith.addi %mul3A_355, %add3A_356 : i32
      %mul3A_358 = arith.constant 16 : i32
      %mul3A_359 = arith.muli %add3A_357, %mul3A_358 : i32
      %swap3A_360 = arith.index_cast %mul3A_359 : i32 to index
      %swap3A_361 = tpu.vector_load %arg7[%swap3A_360] {strides = array<i32>} : memref<8192xi32, #tpu.memory_space<vmem>>, vector<16xi32>,
      tpu.vector_store %arg7[%swap3A_360], %broadcast_in_dim3A_353 {strides = array<i32>} : memref<8192xi32, #tpu.memory_space<vmem>>, vector<16xi32>,
      %broadcast_in_dim3A_362 = arith.constant 0 : i32
      %broadcast_in_dim3A_363 = vector.broadcast %broadcast_in_dim3A_362 : i32 to vector<16xi32>
      %mul3A_364 = arith.constant 16 : i32
      %mul3A_365 = arith.muli %scan3A_221, %mul3A_364 : i32
      %add3A_366 = arith.constant 14 : i32
      %add3A_367 = arith.addi %mul3A_365, %add3A_366 : i32
      %mul3A_368 = arith.constant 16 : i32
      %mul3A_369 = arith.muli %add3A_367, %mul3A_368 : i32
      %swap3A_370 = arith.index_cast %mul3A_369 : i32 to index
      %swap3A_371 = tpu.vector_load %arg7[%swap3A_370] {strides = array<i32>} : memref<8192xi32, #tpu.memory_space<vmem>>, vector<16xi32>,
      tpu.vector_store %arg7[%swap3A_370], %broadcast_in_dim3A_363 {strides = array<i32>} : memref<8192xi32, #tpu.memory_space<vmem>>, vector<16xi32>,
      %broadcast_in_dim3A_372 = arith.constant 0 : i32
      %broadcast_in_dim3A_373 = vector.broadcast %broadcast_in_dim3A_372 : i32 to vector<16xi32>
      %mul3A_374 = arith.constant 16 : i32
      %mul3A_375 = arith.muli %scan3A_221, %mul3A_374 : i32
      %add3A_376 = arith.constant 15 : i32
      %add3A_377 = arith.addi %mul3A_375, %add3A_376 : i32
      %mul3A_378 = arith.constant 16 : i32
      %mul3A_379 = arith.muli %add3A_377, %mul3A_378 : i32
      %swap3A_380 = arith.index_cast %mul3A_379 : i32 to index
      %swap3A_381 = tpu.vector_load %arg7[%swap3A_380] {strides = array<i32>} : memref<8192xi32, #tpu.memory_space<vmem>>, vector<16xi32>,
      tpu.vector_store %arg7[%swap3A_380], %broadcast_in_dim3A_373 {strides = array<i32>} : memref<8192xi32, #tpu.memory_space<vmem>>, vector<16xi32>,
    }
    %scan3A_156 = arith.constant 32 : i32
    %broadcast_in_dim3A_157 = arith.constant 1 : i32
    %broadcast_in_dim3A_158 = vector.broadcast %broadcast_in_dim3A_157 : i32 to vector<16xi32>
    %broadcast_in_dim3A_159 = arith.constant 0.000000e+00 : f32
    %broadcast_in_dim3A_160 = vector.broadcast %broadcast_in_dim3A_159 : f32 to vector<16xf32>
    %broadcast_in_dim3A_161 = arith.constant 0.000000e+00 : f32
    %broadcast_in_dim3A_162 = vector.broadcast %broadcast_in_dim3A_161 : f32 to vector<16xf32>
    %scan3A_163 = arith.constant 0 : i32
    %scan3A_164 = arith.constant 625 : i32
    %scan3A_165 = arith.addi %scan3A_163, %scan3A_164 : i32
    %scan3A_166 = arith.constant 1 : i32
    %scan3A_167:2 = scf.for %scan3A_221 = %scan3A_163 to %scan3A_165 step %scan3A_166 iter_args(%scan3A_222 = %broadcast_in_dim3A_160, %scan3A_223 = %broadcast_in_dim3A_162) -> (vector<16xf32>, vector<16xf32>)  : i32 {
      %mul3A_224 = arith.constant 160 : i32
      %mul3A_225 = arith.muli %scan3A_221, %mul3A_224 : i32
      %add3A_226 = arith.constant 0 : i32
      %add3A_227 = arith.addi %mul3A_225, %add3A_226 : i32
      %get3A = arith.index_cast %add3A_227 : i32 to index
      %get3A_228 = tpu.vector_load %arg6[%get3A] {strides = array<i32>} : memref<100000xf32, #tpu.memory_space<vmem>>, vector<16xf32>,
      %add3A_229 = arith.constant 16 : i32
      %add3A_230 = arith.addi %mul3A_225, %add3A_229 : i32
      %get3A_231 = arith.index_cast %add3A_230 : i32 to index
      %get3A_232 = tpu.vector_load %arg6[%get3A_231] {strides = array<i32>} : memref<100000xf32, #tpu.memory_space<vmem>>, vector<16xf32>,
      %add3A_233 = arith.constant 32 : i32
      %add3A_234 = arith.addi %mul3A_225, %add3A_233 : i32
      %get3A_235 = arith.index_cast %add3A_234 : i32 to index
      %get3A_236 = tpu.vector_load %arg6[%get3A_235] {strides = array<i32>} : memref<100000xf32, #tpu.memory_space<vmem>>, vector<16xf32>,
      %add3A_237 = arith.constant 48 : i32
      %add3A_238 = arith.addi %mul3A_225, %add3A_237 : i32
      %get3A_239 = arith.index_cast %add3A_238 : i32 to index
      %get3A_240 = tpu.vector_load %arg6[%get3A_239] {strides = array<i32>} : memref<100000xf32, #tpu.memory_space<vmem>>, vector<16xf32>,
      %add3A_241 = arith.constant 64 : i32
      %add3A_242 = arith.addi %mul3A_225, %add3A_241 : i32
      %get3A_243 = arith.index_cast %add3A_242 : i32 to index
      %get3A_244 = tpu.vector_load %arg6[%get3A_243] {strides = array<i32>} : memref<100000xf32, #tpu.memory_space<vmem>>, vector<16xf32>,
      %add3A_245 = arith.constant 80 : i32
      %add3A_246 = arith.addi %mul3A_225, %add3A_245 : i32
      %get3A_247 = arith.index_cast %add3A_246 : i32 to index
      %get3A_248 = tpu.vector_load %arg6[%get3A_247] {strides = array<i32>} : memref<100000xf32, #tpu.memory_space<vmem>>, vector<16xf32>,
      %add3A_249 = arith.constant 96 : i32
      %add3A_250 = arith.addi %mul3A_225, %add3A_249 : i32
      %get3A_251 = arith.index_cast %add3A_250 : i32 to index
      %get3A_252 = tpu.vector_load %arg6[%get3A_251] {strides = array<i32>} : memref<100000xf32, #tpu.memory_space<vmem>>, vector<16xf32>,
      %add3A_253 = arith.constant 112 : i32
      %add3A_254 = arith.addi %mul3A_225, %add3A_253 : i32
      %get3A_255 = arith.index_cast %add3A_254 : i32 to index
      %get3A_256 = tpu.vector_load %arg6[%get3A_255] {strides = array<i32>} : memref<100000xf32, #tpu.memory_space<vmem>>, vector<16xf32>,
      %add3A_257 = arith.constant 128 : i32
      %add3A_258 = arith.addi %mul3A_225, %add3A_257 : i32
      %get3A_259 = arith.index_cast %add3A_258 : i32 to index
      %get3A_260 = tpu.vector_load %arg6[%get3A_259] {strides = array<i32>} : memref<100000xf32, #tpu.memory_space<vmem>>, vector<16xf32>,
      %add3A_261 = arith.constant 144 : i32
      %add3A_262 = arith.addi %mul3A_225, %add3A_261 : i32
      %get3A_263 = arith.index_cast %add3A_262 : i32 to index
      %get3A_264 = tpu.vector_load %arg6[%get3A_263] {strides = array<i32>} : memref<100000xf32, #tpu.memory_space<vmem>>, vector<16xf32>,
      %sub3A_265 = vector.broadcast %reduce_min3A_142 : f32 to vector<16xf32>
      %sub3A_266 = arith.subf %get3A_228, %sub3A_265 : vector<16xf32>
      %mul3A_267 = arith.mulf %sub3A_266, %div3A_150 : vector<16xf32>
      %add3A_268 = arith.constant 0x4B000000 : f32
      %add3A_269 = vector.broadcast %add3A_268 : f32 to vector<16xf32>
      %add3A_270 = arith.addf %mul3A_267, %add3A_269 : vector<16xf32>
      %bitcast3A = vector.bitcast %add3A_270 : vector<16xf32> to vector<16xi32>
      %add3A_271 = arith.addi %bitcast3A, %sub3A_5 : vector<16xi32>
      %sub3A_272 = vector.broadcast %reduce_min3A_142 : f32 to vector<16xf32>
      %sub3A_273 = arith.subf %get3A_232, %sub3A_272 : vector<16xf32>
      %mul3A_274 = arith.mulf %sub3A_273, %div3A_150 : vector<16xf32>
      %add3A_275 = arith.constant 0x4B000000 : f32
      %add3A_276 = vector.broadcast %add3A_275 : f32 to vector<16xf32>
      %add3A_277 = arith.addf %mul3A_274, %add3A_276 : vector<16xf32>
      %bitcast3A_278 = vector.bitcast %add3A_277 : vector<16xf32> to vector<16xi32>
      %add3A_279 = arith.addi %bitcast3A_278, %sub3A_5 : vector<16xi32>
      %sub3A_280 = vector.broadcast %reduce_min3A_142 : f32 to vector<16xf32>
      %sub3A_281 = arith.subf %get3A_236, %sub3A_280 : vector<16xf32>
      %mul3A_282 = arith.mulf %sub3A_281, %div3A_150 : vector<16xf32>
      %add3A_283 = arith.constant 0x4B000000 : f32
      %add3A_284 = vector.broadcast %add3A_283 : f32 to vector<16xf32>
      %add3A_285 = arith.addf %mul3A_282, %add3A_284 : vector<16xf32>
      %bitcast3A_286 = vector.bitcast %add3A_285 : vector<16xf32> to vector<16xi32>
      %add3A_287 = arith.addi %bitcast3A_286, %sub3A_5 : vector<16xi32>
      %sub3A_288 = vector.broadcast %reduce_min3A_142 : f32 to vector<16xf32>
      %sub3A_289 = arith.subf %get3A_240, %sub3A_288 : vector<16xf32>
      %mul3A_290 = arith.mulf %sub3A_289, %div3A_150 : vector<16xf32>
      %add3A_291 = arith.constant 0x4B000000 : f32
      %add3A_292 = vector.broadcast %add3A_291 : f32 to vector<16xf32>
      %add3A_293 = arith.addf %mul3A_290, %add3A_292 : vector<16xf32>
      %bitcast3A_294 = vector.bitcast %add3A_293 : vector<16xf32> to vector<16xi32>
      %add3A_295 = arith.addi %bitcast3A_294, %sub3A_5 : vector<16xi32>
      %sub3A_296 = vector.broadcast %reduce_min3A_142 : f32 to vector<16xf32>
      %sub3A_297 = arith.subf %get3A_244, %sub3A_296 : vector<16xf32>
      %mul3A_298 = arith.mulf %sub3A_297, %div3A_150 : vector<16xf32>
      %add3A_299 = arith.constant 0x4B000000 : f32
      %add3A_300 = vector.broadcast %add3A_299 : f32 to vector<16xf32>
      %add3A_301 = arith.addf %mul3A_298, %add3A_300 : vector<16xf32>
      %bitcast3A_302 = vector.bitcast %add3A_301 : vector<16xf32> to vector<16xi32>
      %add3A_303 = arith.addi %bitcast3A_302, %sub3A_5 : vector<16xi32>
      %sub3A_304 = vector.broadcast %reduce_min3A_142 : f32 to vector<16xf32>
      %sub3A_305 = arith.subf %get3A_248, %sub3A_304 : vector<16xf32>
      %mul3A_306 = arith.mulf %sub3A_305, %div3A_150 : vector<16xf32>
      %add3A_307 = arith.constant 0x4B000000 : f32
      %add3A_308 = vector.broadcast %add3A_307 : f32 to vector<16xf32>
      %add3A_309 = arith.addf %mul3A_306, %add3A_308 : vector<16xf32>
      %bitcast3A_310 = vector.bitcast %add3A_309 : vector<16xf32> to vector<16xi32>
      %add3A_311 = arith.addi %bitcast3A_310, %sub3A_5 : vector<16xi32>
      %sub3A_312 = vector.broadcast %reduce_min3A_142 : f32 to vector<16xf32>
      %sub3A_313 = arith.subf %get3A_252, %sub3A_312 : vector<16xf32>
      %mul3A_314 = arith.mulf %sub3A_313, %div3A_150 : vector<16xf32>
      %add3A_315 = arith.constant 0x4B000000 : f32
      %add3A_316 = vector.broadcast %add3A_315 : f32 to vector<16xf32>
      %add3A_317 = arith.addf %mul3A_314, %add3A_316 : vector<16xf32>
      %bitcast3A_318 = vector.bitcast %add3A_317 : vector<16xf32> to vector<16xi32>
      %add3A_319 = arith.addi %bitcast3A_318, %sub3A_5 : vector<16xi32>
      %sub3A_320 = vector.broadcast %reduce_min3A_142 : f32 to vector<16xf32>
      %sub3A_321 = arith.subf %get3A_256, %sub3A_320 : vector<16xf32>
      %mul3A_322 = arith.mulf %sub3A_321, %div3A_150 : vector<16xf32>
      %add3A_323 = arith.constant 0x4B000000 : f32
      %add3A_324 = vector.broadcast %add3A_323 : f32 to vector<16xf32>
      %add3A_325 = arith.addf %mul3A_322, %add3A_324 : vector<16xf32>
      %bitcast3A_326 = vector.bitcast %add3A_325 : vector<16xf32> to vector<16xi32>
      %add3A_327 = arith.addi %bitcast3A_326, %sub3A_5 : vector<16xi32>
      %sub3A_328 = vector.broadcast %reduce_min3A_142 : f32 to vector<16xf32>
      %sub3A_329 = arith.subf %get3A_260, %sub3A_328 : vector<16xf32>
      %mul3A_330 = arith.mulf %sub3A_329, %div3A_150 : vector<16xf32>
      %add3A_331 = arith.constant 0x4B000000 : f32
      %add3A_332 = vector.broadcast %add3A_331 : f32 to vector<16xf32>
      %add3A_333 = arith.addf %mul3A_330, %add3A_332 : vector<16xf32>
      %bitcast3A_334 = vector.bitcast %add3A_333 : vector<16xf32> to vector<16xi32>
      %add3A_335 = arith.addi %bitcast3A_334, %sub3A_5 : vector<16xi32>
      %sub3A_336 = vector.broadcast %reduce_min3A_142 : f32 to vector<16xf32>
      %sub3A_337 = arith.subf %get3A_264, %sub3A_336 : vector<16xf32>
      %mul3A_338 = arith.mulf %sub3A_337, %div3A_150 : vector<16xf32>
      %add3A_339 = arith.constant 0x4B000000 : f32
      %add3A_340 = vector.broadcast %add3A_339 : f32 to vector<16xf32>
      %add3A_341 = arith.addf %mul3A_338, %add3A_340 : vector<16xf32>
      %bitcast3A_342 = vector.bitcast %add3A_341 : vector<16xf32> to vector<16xi32>
      %add3A_343 = arith.addi %bitcast3A_342, %sub3A_5 : vector<16xi32>
      %sub3A_344 = vector.broadcast %reduce_max3A_135 : f32 to vector<16xf32>
      %sub3A_345 = arith.subf %get3A_228, %sub3A_344 : vector<16xf32>
      %exp3A = math.exp %sub3A_345 : vector<16xf32>
      %add3A_346 = arith.addf %scan3A_222, %exp3A : vector<16xf32>
      %sub3A_347 = vector.broadcast %reduce_max3A_135 : f32 to vector<16xf32>
      %sub3A_348 = arith.subf %get3A_232, %sub3A_347 : vector<16xf32>
      %exp3A_349 = math.exp %sub3A_348 : vector<16xf32>
      %add3A_350 = arith.addf %scan3A_223, %exp3A_349 : vector<16xf32>
      %sub3A_351 = vector.broadcast %reduce_max3A_135 : f32 to vector<16xf32>
      %sub3A_352 = arith.subf %get3A_236, %sub3A_351 : vector<16xf32>
      %exp3A_353 = math.exp %sub3A_352 : vector<16xf32>
      %add3A_354 = arith.addf %add3A_346, %exp3A_353 : vector<16xf32>
      %sub3A_355 = vector.broadcast %reduce_max3A_135 : f32 to vector<16xf32>
      %sub3A_356 = arith.subf %get3A_240, %sub3A_355 : vector<16xf32>
      %exp3A_357 = math.exp %sub3A_356 : vector<16xf32>
      %add3A_358 = arith.addf %add3A_350, %exp3A_357 : vector<16xf32>
      %sub3A_359 = vector.broadcast %reduce_max3A_135 : f32 to vector<16xf32>
      %sub3A_360 = arith.subf %get3A_244, %sub3A_359 : vector<16xf32>
      %exp3A_361 = math.exp %sub3A_360 : vector<16xf32>
      %add3A_362 = arith.addf %add3A_354, %exp3A_361 : vector<16xf32>
      %sub3A_363 = vector.broadcast %reduce_max3A_135 : f32 to vector<16xf32>
      %sub3A_364 = arith.subf %get3A_248, %sub3A_363 : vector<16xf32>
      %exp3A_365 = math.exp %sub3A_364 : vector<16xf32>
      %add3A_366 = arith.addf %add3A_358, %exp3A_365 : vector<16xf32>
      %sub3A_367 = vector.broadcast %reduce_max3A_135 : f32 to vector<16xf32>
      %sub3A_368 = arith.subf %get3A_252, %sub3A_367 : vector<16xf32>
      %exp3A_369 = math.exp %sub3A_368 : vector<16xf32>
      %add3A_370 = arith.addf %add3A_362, %exp3A_369 : vector<16xf32>
      %sub3A_371 = vector.broadcast %reduce_max3A_135 : f32 to vector<16xf32>
      %sub3A_372 = arith.subf %get3A_256, %sub3A_371 : vector<16xf32>
      %exp3A_373 = math.exp %sub3A_372 : vector<16xf32>
      %add3A_374 = arith.addf %add3A_366, %exp3A_373 : vector<16xf32>
      %sub3A_375 = vector.broadcast %reduce_max3A_135 : f32 to vector<16xf32>
      %sub3A_376 = arith.subf %get3A_260, %sub3A_375 : vector<16xf32>
      %exp3A_377 = math.exp %sub3A_376 : vector<16xf32>
      %add3A_378 = arith.addf %add3A_370, %exp3A_377 : vector<16xf32>
      %sub3A_379 = vector.broadcast %reduce_max3A_135 : f32 to vector<16xf32>
      %sub3A_380 = arith.subf %get3A_264, %sub3A_379 : vector<16xf32>
      %exp3A_381 = math.exp %sub3A_380 : vector<16xf32>
      %add3A_382 = arith.addf %add3A_374, %exp3A_381 : vector<16xf32>
      tpu.vector_store_idx %arg7[%add3A_271], %broadcast_in_dim3A_158 {add = true} : memref<8192xi32, #tpu.memory_space<vmem>>[vector<16xi32>], vector<16xi32>,
      tpu.vector_store_idx %arg7[%add3A_279], %broadcast_in_dim3A_158 {add = true} : memref<8192xi32, #tpu.memory_space<vmem>>[vector<16xi32>], vector<16xi32>,
      tpu.vector_store_idx %arg7[%add3A_287], %broadcast_in_dim3A_158 {add = true} : memref<8192xi32, #tpu.memory_space<vmem>>[vector<16xi32>], vector<16xi32>,
      tpu.vector_store_idx %arg7[%add3A_295], %broadcast_in_dim3A_158 {add = true} : memref<8192xi32, #tpu.memory_space<vmem>>[vector<16xi32>], vector<16xi32>,
      tpu.vector_store_idx %arg7[%add3A_303], %broadcast_in_dim3A_158 {add = true} : memref<8192xi32, #tpu.memory_space<vmem>>[vector<16xi32>], vector<16xi32>,
      tpu.vector_store_idx %arg7[%add3A_311], %broadcast_in_dim3A_158 {add = true} : memref<8192xi32, #tpu.memory_space<vmem>>[vector<16xi32>], vector<16xi32>,
      tpu.vector_store_idx %arg7[%add3A_319], %broadcast_in_dim3A_158 {add = true} : memref<8192xi32, #tpu.memory_space<vmem>>[vector<16xi32>], vector<16xi32>,
      tpu.vector_store_idx %arg7[%add3A_327], %broadcast_in_dim3A_158 {add = true} : memref<8192xi32, #tpu.memory_space<vmem>>[vector<16xi32>], vector<16xi32>,
      tpu.vector_store_idx %arg7[%add3A_335], %broadcast_in_dim3A_158 {add = true} : memref<8192xi32, #tpu.memory_space<vmem>>[vector<16xi32>], vector<16xi32>,
      tpu.vector_store_idx %arg7[%add3A_343], %broadcast_in_dim3A_158 {add = true} : memref<8192xi32, #tpu.memory_space<vmem>>[vector<16xi32>], vector<16xi32>,
      scf.yield %add3A_378, %add3A_382 : vector<16xf32>, vector<16xf32>
    }
    %scan3A_168 = arith.constant 625 : i32
    %add3A_169 = arith.addf %scan3A_167#0, %scan3A_167#1 : vector<16xf32>
    %reduce_sum3A_170 = arith.constant true
    %reduce_sum3A_171 = vector.broadcast %reduce_sum3A_170 : i1 to vector<16xi1>
    %reduce_sum3A_172 = tpu.scan <sum>, %add3A_169 masked %reduce_sum3A_171 : vector<16xf32>, vector<16xi1> -> vector<16xf32>
    %reduce_sum3A_173 = vector.extract %reduce_sum3A_172[15] : f32 from vector<16xf32>
    %scan3A_174 = arith.constant 0 : i32
    %scan3A_175 = arith.constant -1 : i32
    %scan3A_176 = arith.constant 0 : i32
    %scan3A_177 = arith.constant 32 : i32
    %scan3A_178 = arith.addi %scan3A_176, %scan3A_177 : i32
    %scan3A_179 = arith.constant 1 : i32
    %scan3A_180:2 = scf.for %scan3A_221 = %scan3A_176 to %scan3A_178 step %scan3A_179 iter_args(%scan3A_222 = %scan3A_174, %scan3A_223 = %scan3A_175) -> (i32, i32)  : i32 {
      %sub3A_224 = arith.constant 31 : i32
      %sub3A_225 = arith.subi %sub3A_224, %scan3A_221 : i32
      %mul3A_226 = arith.constant 16 : i32
      %mul3A_227 = arith.muli %sub3A_225, %mul3A_226 : i32
      %get3A = arith.index_cast %mul3A_227 : i32 to index
      %get3A_228 = tpu.vector_load %arg7[%get3A] {strides = array<i32>} : memref<8192xi32, #tpu.memory_space<vmem>>, vector<16xi32>,
      %mul3A_229 = arith.constant 16 : i32
      %mul3A_230 = arith.muli %sub3A_225, %mul3A_229 : i32
      %add3A_231 = arith.constant 512 : i32
      %add3A_232 = arith.addi %add3A_231, %mul3A_230 : i32
      %get3A_233 = arith.index_cast %add3A_232 : i32 to index
      %get3A_234 = tpu.vector_load %arg7[%get3A_233] {strides = array<i32>} : memref<8192xi32, #tpu.memory_space<vmem>>, vector<16xi32>,
      %add3A_235 = arith.addi %get3A_228, %get3A_234 : vector<16xi32>
      %mul3A_236 = arith.constant 16 : i32
      %mul3A_237 = arith.muli %sub3A_225, %mul3A_236 : i32
      %add3A_238 = arith.constant 1024 : i32
      %add3A_239 = arith.addi %add3A_238, %mul3A_237 : i32
      %get3A_240 = arith.index_cast %add3A_239 : i32 to index
      %get3A_241 = tpu.vector_load %arg7[%get3A_240] {strides = array<i32>} : memref<8192xi32, #tpu.memory_space<vmem>>, vector<16xi32>,
      %add3A_242 = arith.addi %add3A_235, %get3A_241 : vector<16xi32>
      %mul3A_243 = arith.constant 16 : i32
      %mul3A_244 = arith.muli %sub3A_225, %mul3A_243 : i32
      %add3A_245 = arith.constant 1536 : i32
      %add3A_246 = arith.addi %add3A_245, %mul3A_244 : i32
      %get3A_247 = arith.index_cast %add3A_246 : i32 to index
      %get3A_248 = tpu.vector_load %arg7[%get3A_247] {strides = array<i32>} : memref<8192xi32, #tpu.memory_space<vmem>>, vector<16xi32>,
      %add3A_249 = arith.addi %add3A_242, %get3A_248 : vector<16xi32>
      %mul3A_250 = arith.constant 16 : i32
      %mul3A_251 = arith.muli %sub3A_225, %mul3A_250 : i32
      %add3A_252 = arith.constant 2048 : i32
      %add3A_253 = arith.addi %add3A_252, %mul3A_251 : i32
      %get3A_254 = arith.index_cast %add3A_253 : i32 to index
      %get3A_255 = tpu.vector_load %arg7[%get3A_254] {strides = array<i32>} : memref<8192xi32, #tpu.memory_space<vmem>>, vector<16xi32>,
      %add3A_256 = arith.addi %add3A_249, %get3A_255 : vector<16xi32>
      %mul3A_257 = arith.constant 16 : i32
      %mul3A_258 = arith.muli %sub3A_225, %mul3A_257 : i32
      %add3A_259 = arith.constant 2560 : i32
      %add3A_260 = arith.addi %add3A_259, %mul3A_258 : i32
      %get3A_261 = arith.index_cast %add3A_260 : i32 to index
      %get3A_262 = tpu.vector_load %arg7[%get3A_261] {strides = array<i32>} : memref<8192xi32, #tpu.memory_space<vmem>>, vector<16xi32>,
      %add3A_263 = arith.addi %add3A_256, %get3A_262 : vector<16xi32>
      %mul3A_264 = arith.constant 16 : i32
      %mul3A_265 = arith.muli %sub3A_225, %mul3A_264 : i32
      %add3A_266 = arith.constant 3072 : i32
      %add3A_267 = arith.addi %add3A_266, %mul3A_265 : i32
      %get3A_268 = arith.index_cast %add3A_267 : i32 to index
      %get3A_269 = tpu.vector_load %arg7[%get3A_268] {strides = array<i32>} : memref<8192xi32, #tpu.memory_space<vmem>>, vector<16xi32>,
      %add3A_270 = arith.addi %add3A_263, %get3A_269 : vector<16xi32>
      %mul3A_271 = arith.constant 16 : i32
      %mul3A_272 = arith.muli %sub3A_225, %mul3A_271 : i32
      %add3A_273 = arith.constant 3584 : i32
      %add3A_274 = arith.addi %add3A_273, %mul3A_272 : i32
      %get3A_275 = arith.index_cast %add3A_274 : i32 to index
      %get3A_276 = tpu.vector_load %arg7[%get3A_275] {strides = array<i32>} : memref<8192xi32, #tpu.memory_space<vmem>>, vector<16xi32>,
      %add3A_277 = arith.addi %add3A_270, %get3A_276 : vector<16xi32>
      %mul3A_278 = arith.constant 16 : i32
      %mul3A_279 = arith.muli %sub3A_225, %mul3A_278 : i32
      %add3A_280 = arith.constant 4096 : i32
      %add3A_281 = arith.addi %add3A_280, %mul3A_279 : i32
      %get3A_282 = arith.index_cast %add3A_281 : i32 to index
      %get3A_283 = tpu.vector_load %arg7[%get3A_282] {strides = array<i32>} : memref<8192xi32, #tpu.memory_space<vmem>>, vector<16xi32>,
      %add3A_284 = arith.addi %add3A_277, %get3A_283 : vector<16xi32>
      %mul3A_285 = arith.constant 16 : i32
      %mul3A_286 = arith.muli %sub3A_225, %mul3A_285 : i32
      %add3A_287 = arith.constant 4608 : i32
      %add3A_288 = arith.addi %add3A_287, %mul3A_286 : i32
      %get3A_289 = arith.index_cast %add3A_288 : i32 to index
      %get3A_290 = tpu.vector_load %arg7[%get3A_289] {strides = array<i32>} : memref<8192xi32, #tpu.memory_space<vmem>>, vector<16xi32>,
      %add3A_291 = arith.addi %add3A_284, %get3A_290 : vector<16xi32>
      %mul3A_292 = arith.constant 16 : i32
      %mul3A_293 = arith.muli %sub3A_225, %mul3A_292 : i32
      %add3A_294 = arith.constant 5120 : i32
      %add3A_295 = arith.addi %add3A_294, %mul3A_293 : i32
      %get3A_296 = arith.index_cast %add3A_295 : i32 to index
      %get3A_297 = tpu.vector_load %arg7[%get3A_296] {strides = array<i32>} : memref<8192xi32, #tpu.memory_space<vmem>>, vector<16xi32>,
      %add3A_298 = arith.addi %add3A_291, %get3A_297 : vector<16xi32>
      %mul3A_299 = arith.constant 16 : i32
      %mul3A_300 = arith.muli %sub3A_225, %mul3A_299 : i32
      %add3A_301 = arith.constant 5632 : i32
      %add3A_302 = arith.addi %add3A_301, %mul3A_300 : i32
      %get3A_303 = arith.index_cast %add3A_302 : i32 to index
      %get3A_304 = tpu.vector_load %arg7[%get3A_303] {strides = array<i32>} : memref<8192xi32, #tpu.memory_space<vmem>>, vector<16xi32>,
      %add3A_305 = arith.addi %add3A_298, %get3A_304 : vector<16xi32>
      %mul3A_306 = arith.constant 16 : i32
      %mul3A_307 = arith.muli %sub3A_225, %mul3A_306 : i32
      %add3A_308 = arith.constant 6144 : i32
      %add3A_309 = arith.addi %add3A_308, %mul3A_307 : i32
      %get3A_310 = arith.index_cast %add3A_309 : i32 to index
      %get3A_311 = tpu.vector_load %arg7[%get3A_310] {strides = array<i32>} : memref<8192xi32, #tpu.memory_space<vmem>>, vector<16xi32>,
      %add3A_312 = arith.addi %add3A_305, %get3A_311 : vector<16xi32>
      %mul3A_313 = arith.constant 16 : i32
      %mul3A_314 = arith.muli %sub3A_225, %mul3A_313 : i32
      %add3A_315 = arith.constant 6656 : i32
      %add3A_316 = arith.addi %add3A_315, %mul3A_314 : i32
      %get3A_317 = arith.index_cast %add3A_316 : i32 to index
      %get3A_318 = tpu.vector_load %arg7[%get3A_317] {strides = array<i32>} : memref<8192xi32, #tpu.memory_space<vmem>>, vector<16xi32>,
      %add3A_319 = arith.addi %add3A_312, %get3A_318 : vector<16xi32>
      %mul3A_320 = arith.constant 16 : i32
      %mul3A_321 = arith.muli %sub3A_225, %mul3A_320 : i32
      %add3A_322 = arith.constant 7168 : i32
      %add3A_323 = arith.addi %add3A_322, %mul3A_321 : i32
      %get3A_324 = arith.index_cast %add3A_323 : i32 to index
      %get3A_325 = tpu.vector_load %arg7[%get3A_324] {strides = array<i32>} : memref<8192xi32, #tpu.memory_space<vmem>>, vector<16xi32>,
      %add3A_326 = arith.addi %add3A_319, %get3A_325 : vector<16xi32>
      %mul3A_327 = arith.constant 16 : i32
      %mul3A_328 = arith.muli %sub3A_225, %mul3A_327 : i32
      %add3A_329 = arith.constant 7680 : i32
      %add3A_330 = arith.addi %add3A_329, %mul3A_328 : i32
      %get3A_331 = arith.index_cast %add3A_330 : i32 to index
      %get3A_332 = tpu.vector_load %arg7[%get3A_331] {strides = array<i32>} : memref<8192xi32, #tpu.memory_space<vmem>>, vector<16xi32>,
      %add3A_333 = arith.addi %add3A_326, %get3A_332 : vector<16xi32>
      %rev3A = arith.constant 15 : i32
      %rev3A_334 = vector.broadcast %rev3A : i32 to vector<16xi32>
      %rev3A_335 = tpu.iota {dimensions = array<i32: 0>} : vector<16xi32>
      %rev3A_336 = arith.subi %rev3A_334, %rev3A_335 : vector<16xi32>
      %rev3A_337 = tpu.dynamic_gather %add3A_333[%rev3A_336] in [0] : vector<16xi32>, vector<16xi32> -> vector<16xi32>
      %broadcast_in_dim3A_338 = arith.constant true
      %broadcast_in_dim3A_339 = vector.broadcast %broadcast_in_dim3A_338 : i1 to vector<16xi1>
      %masked_cumsum3A = tpu.scan <sum>, %rev3A_337 masked %broadcast_in_dim3A_339 : vector<16xi32>, vector<16xi1> -> vector<16xi32>
      %rev3A_340 = arith.constant 15 : i32
      %rev3A_341 = vector.broadcast %rev3A_340 : i32 to vector<16xi32>
      %rev3A_342 = tpu.iota {dimensions = array<i32: 0>} : vector<16xi32>
      %rev3A_343 = arith.subi %rev3A_341, %rev3A_342 : vector<16xi32>
      %rev3A_344 = tpu.dynamic_gather %masked_cumsum3A[%rev3A_343] in [0] : vector<16xi32>, vector<16xi32> -> vector<16xi32>
      %add3A_345 = vector.broadcast %scan3A_222 : i32 to vector<16xi32>
      %add3A_346 = arith.addi %rev3A_344, %add3A_345 : vector<16xi32>
      %mul3A_347 = arith.constant 16 : i32
      %mul3A_348 = arith.muli %sub3A_225, %mul3A_347 : i32
      %add3A_349 = vector.broadcast %mul3A_348 : i32 to vector<16xi32>
      %add3A_350 = arith.addi %add3A_349, %iota3A : vector<16xi32>
      %ge3A = arith.constant 50 : i32
      %ge3A_351 = vector.broadcast %ge3A : i32 to vector<16xi32>
      %ge3A_352 = arith.cmpi sge, %add3A_346, %ge3A_351 : vector<16xi32>
      %jit3A_353 = arith.constant -1 : i32
      %broadcast_in_dim3A_354 = vector.broadcast %jit3A_353 : i32 to vector<16xi32>
      %select_n3A_355 = arith.select %ge3A_352, %add3A_350, %broadcast_in_dim3A_354 : vector<16xi1>, vector<16xi32>
      %reduce_max3A_356 = arith.constant true
      %reduce_max3A_357 = vector.broadcast %reduce_max3A_356 : i1 to vector<16xi1>
      %reduce_max3A_358 = arith.constant -2147483648 : i32
      %reduce_max3A_359 = vector.broadcast %reduce_max3A_358 : i32 to vector<16xi32>
      %reduce_max3A_360 = arith.xori %select_n3A_355, %reduce_max3A_359 : vector<16xi32>
      %reduce_max3A_361 = tpu.scan <max>, %reduce_max3A_360 masked %reduce_max3A_357 : vector<16xi32>, vector<16xi1> -> vector<16xi32>
      %reduce_max3A_362 = arith.xori %reduce_max3A_361, %reduce_max3A_359 : vector<16xi32>
      %reduce_max3A_363 = vector.extract %reduce_max3A_362[15] : i32 from vector<16xi32>
      %max3A_364 = arith.maxsi %scan3A_223, %reduce_max3A_363 : i32
      %reduce_sum3A_365 = arith.constant true
      %reduce_sum3A_366 = vector.broadcast %reduce_sum3A_365 : i1 to vector<16xi1>
      %reduce_sum3A_367 = tpu.scan <sum>, %add3A_333 masked %reduce_sum3A_366 : vector<16xi32>, vector<16xi1> -> vector<16xi32>
      %reduce_sum3A_368 = vector.extract %reduce_sum3A_367[15] : i32 from vector<16xi32>
      %add3A_369 = arith.addi %scan3A_222, %reduce_sum3A_368 : i32
      scf.yield %add3A_369, %max3A_364 : i32, i32
    }
    %scan3A_181 = arith.constant 32 : i32
    %max3A_182 = arith.constant 0 : i32
    %max3A_183 = arith.maxsi %scan3A_180#1, %max3A_182 : i32
    %scan3A_184 = arith.constant 0 : i32
    %scan3A_185 = arith.constant 0 : i32
    %scan3A_186 = arith.constant 16 : i32
    %scan3A_187 = arith.addi %scan3A_185, %scan3A_186 : i32
    %scan3A_188 = arith.constant 1 : i32
    scf.for %scan3A_221 = %scan3A_185 to %scan3A_187 step %scan3A_188  : i32 {
      %broadcast_in_dim3A_222 = arith.constant 0.000000e+00 : f32
      %broadcast_in_dim3A_223 = vector.broadcast %broadcast_in_dim3A_222 : f32 to vector<16xf32>
      %mul3A_224 = arith.constant 16 : i32
      %mul3A_225 = arith.muli %scan3A_221, %mul3A_224 : i32
      %swap3A_226 = arith.index_cast %mul3A_225 : i32 to index
      %swap3A_227 = tpu.vector_load %arg9[%swap3A_226] {strides = array<i32>} : memref<256xf32, #tpu.memory_space<vmem>>, vector<16xf32>,
      tpu.vector_store %arg9[%swap3A_226], %broadcast_in_dim3A_223 {strides = array<i32>} : memref<256xf32, #tpu.memory_space<vmem>>, vector<16xf32>,
      %broadcast_in_dim3A_228 = arith.constant 0 : i32
      %broadcast_in_dim3A_229 = vector.broadcast %broadcast_in_dim3A_228 : i32 to vector<16xi32>
      %mul3A_230 = arith.constant 16 : i32
      %mul3A_231 = arith.muli %scan3A_221, %mul3A_230 : i32
      %swap3A_232 = arith.index_cast %mul3A_231 : i32 to index
      %swap3A_233 = tpu.vector_load %arg10[%swap3A_232] {strides = array<i32>} : memref<256xi32, #tpu.memory_space<vmem>>, vector<16xi32>,
      tpu.vector_store %arg10[%swap3A_232], %broadcast_in_dim3A_229 {strides = array<i32>} : memref<256xi32, #tpu.memory_space<vmem>>, vector<16xi32>,
    }
    %scan3A_189 = arith.constant 16 : i32
    %add3A_190 = vector.broadcast %max3A_183 : i32 to vector<16xi32>
    %add3A_191 = arith.addi %add3A_190, %mul3A_3 : vector<16xi32>
    %scan3A_192 = arith.constant 0 : i32
    %scan3A_193 = arith.constant 0 : i32
    %scan3A_194 = arith.constant 625 : i32
    %scan3A_195 = arith.addi %scan3A_193, %scan3A_194 : i32
    %scan3A_196 = arith.constant 1 : i32
    %scan3A_197 = scf.for %scan3A_221 = %scan3A_193 to %scan3A_195 step %scan3A_196 iter_args(%scan3A_222 = %scan3A_192) -> (i32)  : i32 {
      %mul3A_223 = arith.constant 16 : i32
      %mul3A_224 = arith.muli %scan3A_221, %mul3A_223 : i32
      %get3A = arith.index_cast %mul3A_224 : i32 to index
      %get3A_225 = tpu.vector_load %arg8[%get3A] {strides = array<i32>} : memref<10000xf32, #tpu.memory_space<vmem>>, vector<16xf32>,
      %sub3A_226 = vector.broadcast %reduce_min3A_142 : f32 to vector<16xf32>
      %sub3A_227 = arith.subf %get3A_225, %sub3A_226 : vector<16xf32>
      %mul3A_228 = arith.mulf %sub3A_227, %div3A_150 : vector<16xf32>
      %add3A_229 = arith.constant 0x4B000000 : f32
      %add3A_230 = vector.broadcast %add3A_229 : f32 to vector<16xf32>
      %add3A_231 = arith.addf %mul3A_228, %add3A_230 : vector<16xf32>
      %bitcast3A = vector.bitcast %add3A_231 : vector<16xf32> to vector<16xi32>
      %add3A_232 = arith.addi %bitcast3A, %sub3A_5 : vector<16xi32>
      %ge3A = arith.cmpi sge, %add3A_232, %add3A_191 : vector<16xi32>
      %all_reduce_population_count3A = tpu.all_reduce %ge3A {dim = 0 : i64, kind = #tpu.reduction_kind<sum>} : vector<16xi1> -> vector<16xi32>
      %slice3A = vector.extract_strided_slice %all_reduce_population_count3A {offsets = [0], sizes = [1], strides = [1]} : vector<16xi32> to vector<1xi32>
      %squeeze3A = vector.extract %slice3A[0] : i32 from vector<1xi32>
      %gt3A = arith.constant 0 : i32
      %gt3A_233 = arith.cmpi sgt, %squeeze3A, %gt3A : i32
      %convert_element_type3A_234 = arith.extui %gt3A_233 : i1 to i32
      %cond3A = arith.constant 0 : i32
      %cond3A_235 = arith.cmpi ne, %convert_element_type3A_234, %cond3A : i32
      %cond3A_236 = scf.if %cond3A_235 -> (i32) {
        %mul3A_237 = arith.constant 160 : i32
        %mul3A_238 = arith.muli %scan3A_221, %mul3A_237 : i32
        %add3A_239 = arith.constant 0 : i32
        %add3A_240 = arith.addi %mul3A_238, %add3A_239 : i32
        %get3A_241 = arith.index_cast %add3A_240 : i32 to index
        %get3A_242 = tpu.vector_load %arg6[%get3A_241] {strides = array<i32>} : memref<100000xf32, #tpu.memory_space<vmem>>, vector<16xf32>,
        %add3A_243 = arith.constant 16 : i32
        %add3A_244 = arith.addi %mul3A_238, %add3A_243 : i32
        %get3A_245 = arith.index_cast %add3A_244 : i32 to index
        %get3A_246 = tpu.vector_load %arg6[%get3A_245] {strides = array<i32>} : memref<100000xf32, #tpu.memory_space<vmem>>, vector<16xf32>,
        %add3A_247 = arith.constant 32 : i32
        %add3A_248 = arith.addi %mul3A_238, %add3A_247 : i32
        %get3A_249 = arith.index_cast %add3A_248 : i32 to index
        %get3A_250 = tpu.vector_load %arg6[%get3A_249] {strides = array<i32>} : memref<100000xf32, #tpu.memory_space<vmem>>, vector<16xf32>,
        %add3A_251 = arith.constant 48 : i32
        %add3A_252 = arith.addi %mul3A_238, %add3A_251 : i32
        %get3A_253 = arith.index_cast %add3A_252 : i32 to index
        %get3A_254 = tpu.vector_load %arg6[%get3A_253] {strides = array<i32>} : memref<100000xf32, #tpu.memory_space<vmem>>, vector<16xf32>,
        %add3A_255 = arith.constant 64 : i32
        %add3A_256 = arith.addi %mul3A_238, %add3A_255 : i32
        %get3A_257 = arith.index_cast %add3A_256 : i32 to index
        %get3A_258 = tpu.vector_load %arg6[%get3A_257] {strides = array<i32>} : memref<100000xf32, #tpu.memory_space<vmem>>, vector<16xf32>,
        %add3A_259 = arith.constant 80 : i32
        %add3A_260 = arith.addi %mul3A_238, %add3A_259 : i32
        %get3A_261 = arith.index_cast %add3A_260 : i32 to index
        %get3A_262 = tpu.vector_load %arg6[%get3A_261] {strides = array<i32>} : memref<100000xf32, #tpu.memory_space<vmem>>, vector<16xf32>,
        %add3A_263 = arith.constant 96 : i32
        %add3A_264 = arith.addi %mul3A_238, %add3A_263 : i32
        %get3A_265 = arith.index_cast %add3A_264 : i32 to index
        %get3A_266 = tpu.vector_load %arg6[%get3A_265] {strides = array<i32>} : memref<100000xf32, #tpu.memory_space<vmem>>, vector<16xf32>,
        %add3A_267 = arith.constant 112 : i32
        %add3A_268 = arith.addi %mul3A_238, %add3A_267 : i32
        %get3A_269 = arith.index_cast %add3A_268 : i32 to index
        %get3A_270 = tpu.vector_load %arg6[%get3A_269] {strides = array<i32>} : memref<100000xf32, #tpu.memory_space<vmem>>, vector<16xf32>,
        %add3A_271 = arith.constant 128 : i32
        %add3A_272 = arith.addi %mul3A_238, %add3A_271 : i32
        %get3A_273 = arith.index_cast %add3A_272 : i32 to index
        %get3A_274 = tpu.vector_load %arg6[%get3A_273] {strides = array<i32>} : memref<100000xf32, #tpu.memory_space<vmem>>, vector<16xf32>,
        %add3A_275 = arith.constant 144 : i32
        %add3A_276 = arith.addi %mul3A_238, %add3A_275 : i32
        %get3A_277 = arith.index_cast %add3A_276 : i32 to index
        %get3A_278 = tpu.vector_load %arg6[%get3A_277] {strides = array<i32>} : memref<100000xf32, #tpu.memory_space<vmem>>, vector<16xf32>,
        %sub3A_279 = vector.broadcast %reduce_min3A_142 : f32 to vector<16xf32>
        %sub3A_280 = arith.subf %get3A_242, %sub3A_279 : vector<16xf32>
        %mul3A_281 = arith.mulf %sub3A_280, %div3A_150 : vector<16xf32>
        %add3A_282 = arith.constant 0x4B000000 : f32
        %add3A_283 = vector.broadcast %add3A_282 : f32 to vector<16xf32>
        %add3A_284 = arith.addf %mul3A_281, %add3A_283 : vector<16xf32>
        %bitcast3A_285 = vector.bitcast %add3A_284 : vector<16xf32> to vector<16xi32>
        %add3A_286 = arith.addi %bitcast3A_285, %sub3A_5 : vector<16xi32>
        %ge3A_287 = arith.cmpi sge, %add3A_286, %add3A_191 : vector<16xi32>
        %sub3A_288 = vector.broadcast %reduce_min3A_142 : f32 to vector<16xf32>
        %sub3A_289 = arith.subf %get3A_246, %sub3A_288 : vector<16xf32>
        %mul3A_290 = arith.mulf %sub3A_289, %div3A_150 : vector<16xf32>
        %add3A_291 = arith.constant 0x4B000000 : f32
        %add3A_292 = vector.broadcast %add3A_291 : f32 to vector<16xf32>
        %add3A_293 = arith.addf %mul3A_290, %add3A_292 : vector<16xf32>
        %bitcast3A_294 = vector.bitcast %add3A_293 : vector<16xf32> to vector<16xi32>
        %add3A_295 = arith.addi %bitcast3A_294, %sub3A_5 : vector<16xi32>
        %ge3A_296 = arith.cmpi sge, %add3A_295, %add3A_191 : vector<16xi32>
        %sub3A_297 = vector.broadcast %reduce_min3A_142 : f32 to vector<16xf32>
        %sub3A_298 = arith.subf %get3A_250, %sub3A_297 : vector<16xf32>
        %mul3A_299 = arith.mulf %sub3A_298, %div3A_150 : vector<16xf32>
        %add3A_300 = arith.constant 0x4B000000 : f32
        %add3A_301 = vector.broadcast %add3A_300 : f32 to vector<16xf32>
        %add3A_302 = arith.addf %mul3A_299, %add3A_301 : vector<16xf32>
        %bitcast3A_303 = vector.bitcast %add3A_302 : vector<16xf32> to vector<16xi32>
        %add3A_304 = arith.addi %bitcast3A_303, %sub3A_5 : vector<16xi32>
        %ge3A_305 = arith.cmpi sge, %add3A_304, %add3A_191 : vector<16xi32>
        %sub3A_306 = vector.broadcast %reduce_min3A_142 : f32 to vector<16xf32>
        %sub3A_307 = arith.subf %get3A_254, %sub3A_306 : vector<16xf32>
        %mul3A_308 = arith.mulf %sub3A_307, %div3A_150 : vector<16xf32>
        %add3A_309 = arith.constant 0x4B000000 : f32
        %add3A_310 = vector.broadcast %add3A_309 : f32 to vector<16xf32>
        %add3A_311 = arith.addf %mul3A_308, %add3A_310 : vector<16xf32>
        %bitcast3A_312 = vector.bitcast %add3A_311 : vector<16xf32> to vector<16xi32>
        %add3A_313 = arith.addi %bitcast3A_312, %sub3A_5 : vector<16xi32>
        %ge3A_314 = arith.cmpi sge, %add3A_313, %add3A_191 : vector<16xi32>
        %sub3A_315 = vector.broadcast %reduce_min3A_142 : f32 to vector<16xf32>
        %sub3A_316 = arith.subf %get3A_258, %sub3A_315 : vector<16xf32>
        %mul3A_317 = arith.mulf %sub3A_316, %div3A_150 : vector<16xf32>
        %add3A_318 = arith.constant 0x4B000000 : f32
        %add3A_319 = vector.broadcast %add3A_318 : f32 to vector<16xf32>
        %add3A_320 = arith.addf %mul3A_317, %add3A_319 : vector<16xf32>
        %bitcast3A_321 = vector.bitcast %add3A_320 : vector<16xf32> to vector<16xi32>
        %add3A_322 = arith.addi %bitcast3A_321, %sub3A_5 : vector<16xi32>
        %ge3A_323 = arith.cmpi sge, %add3A_322, %add3A_191 : vector<16xi32>
        %sub3A_324 = vector.broadcast %reduce_min3A_142 : f32 to vector<16xf32>
        %sub3A_325 = arith.subf %get3A_262, %sub3A_324 : vector<16xf32>
        %mul3A_326 = arith.mulf %sub3A_325, %div3A_150 : vector<16xf32>
        %add3A_327 = arith.constant 0x4B000000 : f32
        %add3A_328 = vector.broadcast %add3A_327 : f32 to vector<16xf32>
        %add3A_329 = arith.addf %mul3A_326, %add3A_328 : vector<16xf32>
        %bitcast3A_330 = vector.bitcast %add3A_329 : vector<16xf32> to vector<16xi32>
        %add3A_331 = arith.addi %bitcast3A_330, %sub3A_5 : vector<16xi32>
        %ge3A_332 = arith.cmpi sge, %add3A_331, %add3A_191 : vector<16xi32>
        %sub3A_333 = vector.broadcast %reduce_min3A_142 : f32 to vector<16xf32>
        %sub3A_334 = arith.subf %get3A_266, %sub3A_333 : vector<16xf32>
        %mul3A_335 = arith.mulf %sub3A_334, %div3A_150 : vector<16xf32>
        %add3A_336 = arith.constant 0x4B000000 : f32
        %add3A_337 = vector.broadcast %add3A_336 : f32 to vector<16xf32>
        %add3A_338 = arith.addf %mul3A_335, %add3A_337 : vector<16xf32>
        %bitcast3A_339 = vector.bitcast %add3A_338 : vector<16xf32> to vector<16xi32>
        %add3A_340 = arith.addi %bitcast3A_339, %sub3A_5 : vector<16xi32>
        %ge3A_341 = arith.cmpi sge, %add3A_340, %add3A_191 : vector<16xi32>
        %sub3A_342 = vector.broadcast %reduce_min3A_142 : f32 to vector<16xf32>
        %sub3A_343 = arith.subf %get3A_270, %sub3A_342 : vector<16xf32>
        %mul3A_344 = arith.mulf %sub3A_343, %div3A_150 : vector<16xf32>
        %add3A_345 = arith.constant 0x4B000000 : f32
        %add3A_346 = vector.broadcast %add3A_345 : f32 to vector<16xf32>
        %add3A_347 = arith.addf %mul3A_344, %add3A_346 : vector<16xf32>
        %bitcast3A_348 = vector.bitcast %add3A_347 : vector<16xf32> to vector<16xi32>
        %add3A_349 = arith.addi %bitcast3A_348, %sub3A_5 : vector<16xi32>
        %ge3A_350 = arith.cmpi sge, %add3A_349, %add3A_191 : vector<16xi32>
        %sub3A_351 = vector.broadcast %reduce_min3A_142 : f32 to vector<16xf32>
        %sub3A_352 = arith.subf %get3A_274, %sub3A_351 : vector<16xf32>
        %mul3A_353 = arith.mulf %sub3A_352, %div3A_150 : vector<16xf32>
        %add3A_354 = arith.constant 0x4B000000 : f32
        %add3A_355 = vector.broadcast %add3A_354 : f32 to vector<16xf32>
        %add3A_356 = arith.addf %mul3A_353, %add3A_355 : vector<16xf32>
        %bitcast3A_357 = vector.bitcast %add3A_356 : vector<16xf32> to vector<16xi32>
        %add3A_358 = arith.addi %bitcast3A_357, %sub3A_5 : vector<16xi32>
        %ge3A_359 = arith.cmpi sge, %add3A_358, %add3A_191 : vector<16xi32>
        %sub3A_360 = vector.broadcast %reduce_min3A_142 : f32 to vector<16xf32>
        %sub3A_361 = arith.subf %get3A_278, %sub3A_360 : vector<16xf32>
        %mul3A_362 = arith.mulf %sub3A_361, %div3A_150 : vector<16xf32>
        %add3A_363 = arith.constant 0x4B000000 : f32
        %add3A_364 = vector.broadcast %add3A_363 : f32 to vector<16xf32>
        %add3A_365 = arith.addf %mul3A_362, %add3A_364 : vector<16xf32>
        %bitcast3A_366 = vector.bitcast %add3A_365 : vector<16xf32> to vector<16xi32>
        %add3A_367 = arith.addi %bitcast3A_366, %sub3A_5 : vector<16xi32>
        %ge3A_368 = arith.cmpi sge, %add3A_367, %add3A_191 : vector<16xi32>
        %min3A_369 = arith.constant 240 : i32
        %min3A_370 = arith.minsi %scan3A_222, %min3A_369 : i32
        %swap3A_371 = arith.index_cast %min3A_370 : i32 to index
        %swap3A_372 = tpu.vector_load %arg9[%swap3A_371] masked %ge3A_287 {strides = array<i32>} : memref<256xf32, #tpu.memory_space<vmem>>, vector<16xf32>, vector<16xi1>
        tpu.vector_store %arg9[%swap3A_371], %get3A_242 masked %ge3A_287 {strides = array<i32>} : memref<256xf32, #tpu.memory_space<vmem>>, vector<16xf32>, vector<16xi1>
        %add3A_373 = arith.constant 0 : i32
        %add3A_374 = arith.addi %mul3A_238, %add3A_373 : i32
        %add3A_375 = vector.broadcast %add3A_374 : i32 to vector<16xi32>
        %add3A_376 = arith.addi %add3A_375, %iota3A : vector<16xi32>
        %swap3A_377 = arith.index_cast %min3A_370 : i32 to index
        %swap3A_378 = tpu.vector_load %arg10[%swap3A_377] masked %ge3A_287 {strides = array<i32>} : memref<256xi32, #tpu.memory_space<vmem>>, vector<16xi32>, vector<16xi1>
        tpu.vector_store %arg10[%swap3A_377], %add3A_376 masked %ge3A_287 {strides = array<i32>} : memref<256xi32, #tpu.memory_space<vmem>>, vector<16xi32>, vector<16xi1>
        %convert_element_type3A_379 = arith.extui %ge3A_287 : vector<16xi1> to vector<16xi32>
        %reduce_sum3A_380 = arith.constant true
        %reduce_sum3A_381 = vector.broadcast %reduce_sum3A_380 : i1 to vector<16xi1>
        %reduce_sum3A_382 = tpu.scan <sum>, %convert_element_type3A_379 masked %reduce_sum3A_381 : vector<16xi32>, vector<16xi1> -> vector<16xi32>
        %reduce_sum3A_383 = vector.extract %reduce_sum3A_382[15] : i32 from vector<16xi32>
        %add3A_384 = arith.addi %scan3A_222, %reduce_sum3A_383 : i32
        %min3A_385 = arith.constant 240 : i32
        %min3A_386 = arith.minsi %add3A_384, %min3A_385 : i32
        %swap3A_387 = arith.index_cast %min3A_386 : i32 to index
        %swap3A_388 = tpu.vector_load %arg9[%swap3A_387] masked %ge3A_296 {strides = array<i32>} : memref<256xf32, #tpu.memory_space<vmem>>, vector<16xf32>, vector<16xi1>
        tpu.vector_store %arg9[%swap3A_387], %get3A_246 masked %ge3A_296 {strides = array<i32>} : memref<256xf32, #tpu.memory_space<vmem>>, vector<16xf32>, vector<16xi1>
        %add3A_389 = arith.constant 16 : i32
        %add3A_390 = arith.addi %mul3A_238, %add3A_389 : i32
        %add3A_391 = vector.broadcast %add3A_390 : i32 to vector<16xi32>
        %add3A_392 = arith.addi %add3A_391, %iota3A : vector<16xi32>
        %swap3A_393 = arith.index_cast %min3A_386 : i32 to index
        %swap3A_394 = tpu.vector_load %arg10[%swap3A_393] masked %ge3A_296 {strides = array<i32>} : memref<256xi32, #tpu.memory_space<vmem>>, vector<16xi32>, vector<16xi1>
        tpu.vector_store %arg10[%swap3A_393], %add3A_392 masked %ge3A_296 {strides = array<i32>} : memref<256xi32, #tpu.memory_space<vmem>>, vector<16xi32>, vector<16xi1>
        %convert_element_type3A_395 = arith.extui %ge3A_296 : vector<16xi1> to vector<16xi32>
        %reduce_sum3A_396 = arith.constant true
        %reduce_sum3A_397 = vector.broadcast %reduce_sum3A_396 : i1 to vector<16xi1>
        %reduce_sum3A_398 = tpu.scan <sum>, %convert_element_type3A_395 masked %reduce_sum3A_397 : vector<16xi32>, vector<16xi1> -> vector<16xi32>
        %reduce_sum3A_399 = vector.extract %reduce_sum3A_398[15] : i32 from vector<16xi32>
        %add3A_400 = arith.addi %add3A_384, %reduce_sum3A_399 : i32
        %min3A_401 = arith.constant 240 : i32
        %min3A_402 = arith.minsi %add3A_400, %min3A_401 : i32
        %swap3A_403 = arith.index_cast %min3A_402 : i32 to index
        %swap3A_404 = tpu.vector_load %arg9[%swap3A_403] masked %ge3A_305 {strides = array<i32>} : memref<256xf32, #tpu.memory_space<vmem>>, vector<16xf32>, vector<16xi1>
        tpu.vector_store %arg9[%swap3A_403], %get3A_250 masked %ge3A_305 {strides = array<i32>} : memref<256xf32, #tpu.memory_space<vmem>>, vector<16xf32>, vector<16xi1>
        %add3A_405 = arith.constant 32 : i32
        %add3A_406 = arith.addi %mul3A_238, %add3A_405 : i32
        %add3A_407 = vector.broadcast %add3A_406 : i32 to vector<16xi32>
        %add3A_408 = arith.addi %add3A_407, %iota3A : vector<16xi32>
        %swap3A_409 = arith.index_cast %min3A_402 : i32 to index
        %swap3A_410 = tpu.vector_load %arg10[%swap3A_409] masked %ge3A_305 {strides = array<i32>} : memref<256xi32, #tpu.memory_space<vmem>>, vector<16xi32>, vector<16xi1>
        tpu.vector_store %arg10[%swap3A_409], %add3A_408 masked %ge3A_305 {strides = array<i32>} : memref<256xi32, #tpu.memory_space<vmem>>, vector<16xi32>, vector<16xi1>
        %convert_element_type3A_411 = arith.extui %ge3A_305 : vector<16xi1> to vector<16xi32>
        %reduce_sum3A_412 = arith.constant true
        %reduce_sum3A_413 = vector.broadcast %reduce_sum3A_412 : i1 to vector<16xi1>
        %reduce_sum3A_414 = tpu.scan <sum>, %convert_element_type3A_411 masked %reduce_sum3A_413 : vector<16xi32>, vector<16xi1> -> vector<16xi32>
        %reduce_sum3A_415 = vector.extract %reduce_sum3A_414[15] : i32 from vector<16xi32>
        %add3A_416 = arith.addi %add3A_400, %reduce_sum3A_415 : i32
        %min3A_417 = arith.constant 240 : i32
        %min3A_418 = arith.minsi %add3A_416, %min3A_417 : i32
        %swap3A_419 = arith.index_cast %min3A_418 : i32 to index
        %swap3A_420 = tpu.vector_load %arg9[%swap3A_419] masked %ge3A_314 {strides = array<i32>} : memref<256xf32, #tpu.memory_space<vmem>>, vector<16xf32>, vector<16xi1>
        tpu.vector_store %arg9[%swap3A_419], %get3A_254 masked %ge3A_314 {strides = array<i32>} : memref<256xf32, #tpu.memory_space<vmem>>, vector<16xf32>, vector<16xi1>
        %add3A_421 = arith.constant 48 : i32
        %add3A_422 = arith.addi %mul3A_238, %add3A_421 : i32
        %add3A_423 = vector.broadcast %add3A_422 : i32 to vector<16xi32>
        %add3A_424 = arith.addi %add3A_423, %iota3A : vector<16xi32>
        %swap3A_425 = arith.index_cast %min3A_418 : i32 to index
        %swap3A_426 = tpu.vector_load %arg10[%swap3A_425] masked %ge3A_314 {strides = array<i32>} : memref<256xi32, #tpu.memory_space<vmem>>, vector<16xi32>, vector<16xi1>
        tpu.vector_store %arg10[%swap3A_425], %add3A_424 masked %ge3A_314 {strides = array<i32>} : memref<256xi32, #tpu.memory_space<vmem>>, vector<16xi32>, vector<16xi1>
        %convert_element_type3A_427 = arith.extui %ge3A_314 : vector<16xi1> to vector<16xi32>
        %reduce_sum3A_428 = arith.constant true
        %reduce_sum3A_429 = vector.broadcast %reduce_sum3A_428 : i1 to vector<16xi1>
        %reduce_sum3A_430 = tpu.scan <sum>, %convert_element_type3A_427 masked %reduce_sum3A_429 : vector<16xi32>, vector<16xi1> -> vector<16xi32>
        %reduce_sum3A_431 = vector.extract %reduce_sum3A_430[15] : i32 from vector<16xi32>
        %add3A_432 = arith.addi %add3A_416, %reduce_sum3A_431 : i32
        %min3A_433 = arith.constant 240 : i32
        %min3A_434 = arith.minsi %add3A_432, %min3A_433 : i32
        %swap3A_435 = arith.index_cast %min3A_434 : i32 to index
        %swap3A_436 = tpu.vector_load %arg9[%swap3A_435] masked %ge3A_323 {strides = array<i32>} : memref<256xf32, #tpu.memory_space<vmem>>, vector<16xf32>, vector<16xi1>
        tpu.vector_store %arg9[%swap3A_435], %get3A_258 masked %ge3A_323 {strides = array<i32>} : memref<256xf32, #tpu.memory_space<vmem>>, vector<16xf32>, vector<16xi1>
        %add3A_437 = arith.constant 64 : i32
        %add3A_438 = arith.addi %mul3A_238, %add3A_437 : i32
        %add3A_439 = vector.broadcast %add3A_438 : i32 to vector<16xi32>
        %add3A_440 = arith.addi %add3A_439, %iota3A : vector<16xi32>
        %swap3A_441 = arith.index_cast %min3A_434 : i32 to index
        %swap3A_442 = tpu.vector_load %arg10[%swap3A_441] masked %ge3A_323 {strides = array<i32>} : memref<256xi32, #tpu.memory_space<vmem>>, vector<16xi32>, vector<16xi1>
        tpu.vector_store %arg10[%swap3A_441], %add3A_440 masked %ge3A_323 {strides = array<i32>} : memref<256xi32, #tpu.memory_space<vmem>>, vector<16xi32>, vector<16xi1>
        %convert_element_type3A_443 = arith.extui %ge3A_323 : vector<16xi1> to vector<16xi32>
        %reduce_sum3A_444 = arith.constant true
        %reduce_sum3A_445 = vector.broadcast %reduce_sum3A_444 : i1 to vector<16xi1>
        %reduce_sum3A_446 = tpu.scan <sum>, %convert_element_type3A_443 masked %reduce_sum3A_445 : vector<16xi32>, vector<16xi1> -> vector<16xi32>
        %reduce_sum3A_447 = vector.extract %reduce_sum3A_446[15] : i32 from vector<16xi32>
        %add3A_448 = arith.addi %add3A_432, %reduce_sum3A_447 : i32
        %min3A_449 = arith.constant 240 : i32
        %min3A_450 = arith.minsi %add3A_448, %min3A_449 : i32
        %swap3A_451 = arith.index_cast %min3A_450 : i32 to index
        %swap3A_452 = tpu.vector_load %arg9[%swap3A_451] masked %ge3A_332 {strides = array<i32>} : memref<256xf32, #tpu.memory_space<vmem>>, vector<16xf32>, vector<16xi1>
        tpu.vector_store %arg9[%swap3A_451], %get3A_262 masked %ge3A_332 {strides = array<i32>} : memref<256xf32, #tpu.memory_space<vmem>>, vector<16xf32>, vector<16xi1>
        %add3A_453 = arith.constant 80 : i32
        %add3A_454 = arith.addi %mul3A_238, %add3A_453 : i32
        %add3A_455 = vector.broadcast %add3A_454 : i32 to vector<16xi32>
        %add3A_456 = arith.addi %add3A_455, %iota3A : vector<16xi32>
        %swap3A_457 = arith.index_cast %min3A_450 : i32 to index
        %swap3A_458 = tpu.vector_load %arg10[%swap3A_457] masked %ge3A_332 {strides = array<i32>} : memref<256xi32, #tpu.memory_space<vmem>>, vector<16xi32>, vector<16xi1>
        tpu.vector_store %arg10[%swap3A_457], %add3A_456 masked %ge3A_332 {strides = array<i32>} : memref<256xi32, #tpu.memory_space<vmem>>, vector<16xi32>, vector<16xi1>
        %convert_element_type3A_459 = arith.extui %ge3A_332 : vector<16xi1> to vector<16xi32>
        %reduce_sum3A_460 = arith.constant true
        %reduce_sum3A_461 = vector.broadcast %reduce_sum3A_460 : i1 to vector<16xi1>
        %reduce_sum3A_462 = tpu.scan <sum>, %convert_element_type3A_459 masked %reduce_sum3A_461 : vector<16xi32>, vector<16xi1> -> vector<16xi32>
        %reduce_sum3A_463 = vector.extract %reduce_sum3A_462[15] : i32 from vector<16xi32>
        %add3A_464 = arith.addi %add3A_448, %reduce_sum3A_463 : i32
        %min3A_465 = arith.constant 240 : i32
        %min3A_466 = arith.minsi %add3A_464, %min3A_465 : i32
        %swap3A_467 = arith.index_cast %min3A_466 : i32 to index
        %swap3A_468 = tpu.vector_load %arg9[%swap3A_467] masked %ge3A_341 {strides = array<i32>} : memref<256xf32, #tpu.memory_space<vmem>>, vector<16xf32>, vector<16xi1>
        tpu.vector_store %arg9[%swap3A_467], %get3A_266 masked %ge3A_341 {strides = array<i32>} : memref<256xf32, #tpu.memory_space<vmem>>, vector<16xf32>, vector<16xi1>
        %add3A_469 = arith.constant 96 : i32
        %add3A_470 = arith.addi %mul3A_238, %add3A_469 : i32
        %add3A_471 = vector.broadcast %add3A_470 : i32 to vector<16xi32>
        %add3A_472 = arith.addi %add3A_471, %iota3A : vector<16xi32>
        %swap3A_473 = arith.index_cast %min3A_466 : i32 to index
        %swap3A_474 = tpu.vector_load %arg10[%swap3A_473] masked %ge3A_341 {strides = array<i32>} : memref<256xi32, #tpu.memory_space<vmem>>, vector<16xi32>, vector<16xi1>
        tpu.vector_store %arg10[%swap3A_473], %add3A_472 masked %ge3A_341 {strides = array<i32>} : memref<256xi32, #tpu.memory_space<vmem>>, vector<16xi32>, vector<16xi1>
        %convert_element_type3A_475 = arith.extui %ge3A_341 : vector<16xi1> to vector<16xi32>
        %reduce_sum3A_476 = arith.constant true
        %reduce_sum3A_477 = vector.broadcast %reduce_sum3A_476 : i1 to vector<16xi1>
        %reduce_sum3A_478 = tpu.scan <sum>, %convert_element_type3A_475 masked %reduce_sum3A_477 : vector<16xi32>, vector<16xi1> -> vector<16xi32>
        %reduce_sum3A_479 = vector.extract %reduce_sum3A_478[15] : i32 from vector<16xi32>
        %add3A_480 = arith.addi %add3A_464, %reduce_sum3A_479 : i32
        %min3A_481 = arith.constant 240 : i32
        %min3A_482 = arith.minsi %add3A_480, %min3A_481 : i32
        %swap3A_483 = arith.index_cast %min3A_482 : i32 to index
        %swap3A_484 = tpu.vector_load %arg9[%swap3A_483] masked %ge3A_350 {strides = array<i32>} : memref<256xf32, #tpu.memory_space<vmem>>, vector<16xf32>, vector<16xi1>
        tpu.vector_store %arg9[%swap3A_483], %get3A_270 masked %ge3A_350 {strides = array<i32>} : memref<256xf32, #tpu.memory_space<vmem>>, vector<16xf32>, vector<16xi1>
        %add3A_485 = arith.constant 112 : i32
        %add3A_486 = arith.addi %mul3A_238, %add3A_485 : i32
        %add3A_487 = vector.broadcast %add3A_486 : i32 to vector<16xi32>
        %add3A_488 = arith.addi %add3A_487, %iota3A : vector<16xi32>
        %swap3A_489 = arith.index_cast %min3A_482 : i32 to index
        %swap3A_490 = tpu.vector_load %arg10[%swap3A_489] masked %ge3A_350 {strides = array<i32>} : memref<256xi32, #tpu.memory_space<vmem>>, vector<16xi32>, vector<16xi1>
        tpu.vector_store %arg10[%swap3A_489], %add3A_488 masked %ge3A_350 {strides = array<i32>} : memref<256xi32, #tpu.memory_space<vmem>>, vector<16xi32>, vector<16xi1>
        %convert_element_type3A_491 = arith.extui %ge3A_350 : vector<16xi1> to vector<16xi32>
        %reduce_sum3A_492 = arith.constant true
        %reduce_sum3A_493 = vector.broadcast %reduce_sum3A_492 : i1 to vector<16xi1>
        %reduce_sum3A_494 = tpu.scan <sum>, %convert_element_type3A_491 masked %reduce_sum3A_493 : vector<16xi32>, vector<16xi1> -> vector<16xi32>
        %reduce_sum3A_495 = vector.extract %reduce_sum3A_494[15] : i32 from vector<16xi32>
        %add3A_496 = arith.addi %add3A_480, %reduce_sum3A_495 : i32
        %min3A_497 = arith.constant 240 : i32
        %min3A_498 = arith.minsi %add3A_496, %min3A_497 : i32
        %swap3A_499 = arith.index_cast %min3A_498 : i32 to index
        %swap3A_500 = tpu.vector_load %arg9[%swap3A_499] masked %ge3A_359 {strides = array<i32>} : memref<256xf32, #tpu.memory_space<vmem>>, vector<16xf32>, vector<16xi1>
        tpu.vector_store %arg9[%swap3A_499], %get3A_274 masked %ge3A_359 {strides = array<i32>} : memref<256xf32, #tpu.memory_space<vmem>>, vector<16xf32>, vector<16xi1>
        %add3A_501 = arith.constant 128 : i32
        %add3A_502 = arith.addi %mul3A_238, %add3A_501 : i32
        %add3A_503 = vector.broadcast %add3A_502 : i32 to vector<16xi32>
        %add3A_504 = arith.addi %add3A_503, %iota3A : vector<16xi32>
        %swap3A_505 = arith.index_cast %min3A_498 : i32 to index
        %swap3A_506 = tpu.vector_load %arg10[%swap3A_505] masked %ge3A_359 {strides = array<i32>} : memref<256xi32, #tpu.memory_space<vmem>>, vector<16xi32>, vector<16xi1>
        tpu.vector_store %arg10[%swap3A_505], %add3A_504 masked %ge3A_359 {strides = array<i32>} : memref<256xi32, #tpu.memory_space<vmem>>, vector<16xi32>, vector<16xi1>
        %convert_element_type3A_507 = arith.extui %ge3A_359 : vector<16xi1> to vector<16xi32>
        %reduce_sum3A_508 = arith.constant true
        %reduce_sum3A_509 = vector.broadcast %reduce_sum3A_508 : i1 to vector<16xi1>
        %reduce_sum3A_510 = tpu.scan <sum>, %convert_element_type3A_507 masked %reduce_sum3A_509 : vector<16xi32>, vector<16xi1> -> vector<16xi32>
        %reduce_sum3A_511 = vector.extract %reduce_sum3A_510[15] : i32 from vector<16xi32>
        %add3A_512 = arith.addi %add3A_496, %reduce_sum3A_511 : i32
        %min3A_513 = arith.constant 240 : i32
        %min3A_514 = arith.minsi %add3A_512, %min3A_513 : i32
        %swap3A_515 = arith.index_cast %min3A_514 : i32 to index
        %swap3A_516 = tpu.vector_load %arg9[%swap3A_515] masked %ge3A_368 {strides = array<i32>} : memref<256xf32, #tpu.memory_space<vmem>>, vector<16xf32>, vector<16xi1>
        tpu.vector_store %arg9[%swap3A_515], %get3A_278 masked %ge3A_368 {strides = array<i32>} : memref<256xf32, #tpu.memory_space<vmem>>, vector<16xf32>, vector<16xi1>
        %add3A_517 = arith.constant 144 : i32
        %add3A_518 = arith.addi %mul3A_238, %add3A_517 : i32
        %add3A_519 = vector.broadcast %add3A_518 : i32 to vector<16xi32>
        %add3A_520 = arith.addi %add3A_519, %iota3A : vector<16xi32>
        %swap3A_521 = arith.index_cast %min3A_514 : i32 to index
        %swap3A_522 = tpu.vector_load %arg10[%swap3A_521] masked %ge3A_368 {strides = array<i32>} : memref<256xi32, #tpu.memory_space<vmem>>, vector<16xi32>, vector<16xi1>
        tpu.vector_store %arg10[%swap3A_521], %add3A_520 masked %ge3A_368 {strides = array<i32>} : memref<256xi32, #tpu.memory_space<vmem>>, vector<16xi32>, vector<16xi1>
        %convert_element_type3A_523 = arith.extui %ge3A_368 : vector<16xi1> to vector<16xi32>
        %reduce_sum3A_524 = arith.constant true
        %reduce_sum3A_525 = vector.broadcast %reduce_sum3A_524 : i1 to vector<16xi1>
        %reduce_sum3A_526 = tpu.scan <sum>, %convert_element_type3A_523 masked %reduce_sum3A_525 : vector<16xi32>, vector<16xi1> -> vector<16xi32>
        %reduce_sum3A_527 = vector.extract %reduce_sum3A_526[15] : i32 from vector<16xi32>
        %add3A_528 = arith.addi %add3A_512, %reduce_sum3A_527 : i32
        scf.yield %add3A_528 : i32
      } else {
        scf.yield %scan3A_222 : i32
      }
      scf.yield %cond3A_236 : i32
    }
    %scan3A_198 = arith.constant 625 : i32
    %min3A_199 = arith.constant 256 : i32
    %min3A_200 = arith.minsi %scan3A_197, %min3A_199 : i32
    %eq3A_201 = arith.constant 0 : i32
    %eq3A_202 = vector.broadcast %eq3A_201 : i32 to vector<16xi32>
    %eq3A_203 = arith.cmpi eq, %iota3A, %eq3A_202 : vector<16xi32>
    %eq3A_204 = arith.constant 1 : i32
    %eq3A_205 = vector.broadcast %eq3A_204 : i32 to vector<16xi32>
    %eq3A_206 = arith.cmpi eq, %iota3A, %eq3A_205 : vector<16xi32>
    %eq3A_207 = arith.constant 2 : i32
    %eq3A_208 = vector.broadcast %eq3A_207 : i32 to vector<16xi32>
    %eq3A_209 = arith.cmpi eq, %iota3A, %eq3A_208 : vector<16xi32>
    %convert_element_type3A_210 = arith.sitofp %min3A_200 : i32 to f32
    %jit3A_211 = arith.constant 0.000000e+00 : f32
    %broadcast_in_dim3A_212 = vector.broadcast %convert_element_type3A_210 : f32 to vector<16xf32>
    %broadcast_in_dim3A_213 = vector.broadcast %jit3A_211 : f32 to vector<16xf32>
    %select_n3A_214 = arith.select %eq3A_209, %broadcast_in_dim3A_212, %broadcast_in_dim3A_213 : vector<16xi1>, vector<16xf32>
    %broadcast_in_dim3A_215 = vector.broadcast %reduce_sum3A_173 : f32 to vector<16xf32>
    %select_n3A_216 = arith.select %eq3A_206, %broadcast_in_dim3A_215, %select_n3A_214 : vector<16xi1>, vector<16xf32>
    %broadcast_in_dim3A_217 = vector.broadcast %reduce_max3A_135 : f32 to vector<16xf32>
    %select_n3A_218 = arith.select %eq3A_203, %broadcast_in_dim3A_217, %select_n3A_216 : vector<16xi1>, vector<16xf32>
    %swap3A_219 = arith.constant 0 : index
    %swap3A_220 = tpu.vector_load %arg11[%swap3A_219] {strides = array<i32>} : memref<16xf32, #tpu.memory_space<vmem>>, vector<16xf32>,
    tpu.vector_store %arg11[%swap3A_219], %select_n3A_218 {strides = array<i32>} : memref<16xf32, #tpu.memory_space<vmem>>, vector<16xf32>,
    "tpu.region"() ({
      %run_scoped3A = tpu.sem_alloc : memref<!tpu.dma_semaphore, #tpu.memory_space<semaphore_mem>>
      %dma_start3A_221 = arith.constant 0 : i32
      %dma_start3A_222 = tpu.memref_slice %arg3[%add3A_109, %dma_start3A_221] : memref<64x256xf32, #tpu.memory_space<hbm>> -> memref<1x256xf32, #tpu.memory_space<hbm>>
      %dma_start3A_223 = tpu.memref_squeeze %dma_start3A_222 : memref<1x256xf32, #tpu.memory_space<hbm>> -> memref<256xf32, #tpu.memory_space<hbm>>
      %dma_start3A_224 = arith.constant 0 : i32
      %dma_start3A_225 = tpu.memref_slice %arg3[%add3A_109, %dma_start3A_224] : memref<64x256xf32, #tpu.memory_space<hbm>> -> memref<1x256xf32, #tpu.memory_space<hbm>>
      %dma_start3A_226 = tpu.memref_squeeze %dma_start3A_225 : memref<1x256xf32, #tpu.memory_space<hbm>> -> memref<256xf32, #tpu.memory_space<hbm>>
      tpu.enqueue_dma source(%arg9 : memref<256xf32, #tpu.memory_space<vmem>>) target(%dma_start3A_226 : memref<256xf32, #tpu.memory_space<hbm>>) target_semaphore(%run_scoped3A : memref<!tpu.dma_semaphore, #tpu.memory_space<semaphore_mem>>)
      %dma_wait3A_227 = arith.constant 0 : i32
      %dma_wait3A_228 = tpu.memref_slice %arg3[%add3A_109, %dma_wait3A_227] : memref<64x256xf32, #tpu.memory_space<hbm>> -> memref<1x256xf32, #tpu.memory_space<hbm>>
      %dma_wait3A_229 = tpu.memref_squeeze %dma_wait3A_228 : memref<1x256xf32, #tpu.memory_space<hbm>> -> memref<256xf32, #tpu.memory_space<hbm>>
      %dma_wait3A_230 = arith.constant 0 : i32
      %dma_wait3A_231 = tpu.memref_slice %arg3[%add3A_109, %dma_wait3A_230] : memref<64x256xf32, #tpu.memory_space<hbm>> -> memref<1x256xf32, #tpu.memory_space<hbm>>
      %dma_wait3A_232 = tpu.memref_squeeze %dma_wait3A_231 : memref<1x256xf32, #tpu.memory_space<hbm>> -> memref<256xf32, #tpu.memory_space<hbm>>
      tpu.wait_dma2 semaphore(%run_scoped3A : memref<!tpu.dma_semaphore, #tpu.memory_space<semaphore_mem>>) src(%arg9 : memref<256xf32, #tpu.memory_space<vmem>>) dst(%dma_wait3A_232 : memref<256xf32, #tpu.memory_space<hbm>>)
      tpu.yield
    }) : () -> ()
    "tpu.region"() ({
      %run_scoped3A = tpu.sem_alloc : memref<!tpu.dma_semaphore, #tpu.memory_space<semaphore_mem>>
      %dma_start3A_221 = arith.constant 0 : i32
      %dma_start3A_222 = tpu.memref_slice %arg4[%add3A_109, %dma_start3A_221] : memref<64x256xi32, #tpu.memory_space<hbm>> -> memref<1x256xi32, #tpu.memory_space<hbm>>
      %dma_start3A_223 = tpu.memref_squeeze %dma_start3A_222 : memref<1x256xi32, #tpu.memory_space<hbm>> -> memref<256xi32, #tpu.memory_space<hbm>>
      %dma_start3A_224 = arith.constant 0 : i32
      %dma_start3A_225 = tpu.memref_slice %arg4[%add3A_109, %dma_start3A_224] : memref<64x256xi32, #tpu.memory_space<hbm>> -> memref<1x256xi32, #tpu.memory_space<hbm>>
      %dma_start3A_226 = tpu.memref_squeeze %dma_start3A_225 : memref<1x256xi32, #tpu.memory_space<hbm>> -> memref<256xi32, #tpu.memory_space<hbm>>
      tpu.enqueue_dma source(%arg10 : memref<256xi32, #tpu.memory_space<vmem>>) target(%dma_start3A_226 : memref<256xi32, #tpu.memory_space<hbm>>) target_semaphore(%run_scoped3A : memref<!tpu.dma_semaphore, #tpu.memory_space<semaphore_mem>>)
      %dma_wait3A_227 = arith.constant 0 : i32
      %dma_wait3A_228 = tpu.memref_slice %arg4[%add3A_109, %dma_wait3A_227] : memref<64x256xi32, #tpu.memory_space<hbm>> -> memref<1x256xi32, #tpu.memory_space<hbm>>
      %dma_wait3A_229 = tpu.memref_squeeze %dma_wait3A_228 : memref<1x256xi32, #tpu.memory_space<hbm>> -> memref<256xi32, #tpu.memory_space<hbm>>
      %dma_wait3A_230 = arith.constant 0 : i32
      %dma_wait3A_231 = tpu.memref_slice %arg4[%add3A_109, %dma_wait3A_230] : memref<64x256xi32, #tpu.memory_space<hbm>> -> memref<1x256xi32, #tpu.memory_space<hbm>>
      %dma_wait3A_232 = tpu.memref_squeeze %dma_wait3A_231 : memref<1x256xi32, #tpu.memory_space<hbm>> -> memref<256xi32, #tpu.memory_space<hbm>>
      tpu.wait_dma2 semaphore(%run_scoped3A : memref<!tpu.dma_semaphore, #tpu.memory_space<semaphore_mem>>) src(%arg10 : memref<256xi32, #tpu.memory_space<vmem>>) dst(%dma_wait3A_232 : memref<256xi32, #tpu.memory_space<hbm>>)
      tpu.yield
    }) : () -> ()
    "tpu.region"() ({
      %run_scoped3A = tpu.sem_alloc : memref<!tpu.dma_semaphore, #tpu.memory_space<semaphore_mem>>
      %dma_start3A_221 = arith.constant 0 : i32
      %dma_start3A_222 = tpu.memref_slice %arg5[%add3A_109, %dma_start3A_221] : memref<64x16xf32, #tpu.memory_space<hbm>> -> memref<1x16xf32, #tpu.memory_space<hbm>>
      %dma_start3A_223 = tpu.memref_squeeze %dma_start3A_222 : memref<1x16xf32, #tpu.memory_space<hbm>> -> memref<16xf32, #tpu.memory_space<hbm>>
      %dma_start3A_224 = arith.constant 0 : i32
      %dma_start3A_225 = tpu.memref_slice %arg5[%add3A_109, %dma_start3A_224] : memref<64x16xf32, #tpu.memory_space<hbm>> -> memref<1x16xf32, #tpu.memory_space<hbm>>
      %dma_start3A_226 = tpu.memref_squeeze %dma_start3A_225 : memref<1x16xf32, #tpu.memory_space<hbm>> -> memref<16xf32, #tpu.memory_space<hbm>>
      tpu.enqueue_dma source(%arg11 : memref<16xf32, #tpu.memory_space<vmem>>) target(%dma_start3A_226 : memref<16xf32, #tpu.memory_space<hbm>>) target_semaphore(%run_scoped3A : memref<!tpu.dma_semaphore, #tpu.memory_space<semaphore_mem>>)
      %dma_wait3A_227 = arith.constant 0 : i32
      %dma_wait3A_228 = tpu.memref_slice %arg5[%add3A_109, %dma_wait3A_227] : memref<64x16xf32, #tpu.memory_space<hbm>> -> memref<1x16xf32, #tpu.memory_space<hbm>>
      %dma_wait3A_229 = tpu.memref_squeeze %dma_wait3A_228 : memref<1x16xf32, #tpu.memory_space<hbm>> -> memref<16xf32, #tpu.memory_space<hbm>>
      %dma_wait3A_230 = arith.constant 0 : i32
      %dma_wait3A_231 = tpu.memref_slice %arg5[%add3A_109, %dma_wait3A_230] : memref<64x16xf32, #tpu.memory_space<hbm>> -> memref<1x16xf32, #tpu.memory_space<hbm>>
      %dma_wait3A_232 = tpu.memref_squeeze %dma_wait3A_231 : memref<1x16xf32, #tpu.memory_space<hbm>> -> memref<16xf32, #tpu.memory_space<hbm>>
      tpu.wait_dma2 semaphore(%run_scoped3A : memref<!tpu.dma_semaphore, #tpu.memory_space<semaphore_mem>>) src(%arg11 : memref<16xf32, #tpu.memory_space<vmem>>) dst(%dma_wait3A_232 : memref<16xf32, #tpu.memory_space<hbm>>)
      tpu.yield
    }) : () -> ()
    return
  }
}

module attributes {stable_mosaic.version = 14 : i64} {
  func.func @_tc_body(%arg0: memref<64x256xf32, #tpu.memory_space<vmem>>, %arg1: memref<64x256xi32, #tpu.memory_space<vmem>>, %arg2: memref<64x16xf32, #tpu.memory_space<vmem>>, %arg3: memref<4x64x50xf32, #tpu.memory_space<vmem>>, %arg4: memref<64x50xf32, #tpu.memory_space<vmem>>, %arg5: memref<4xi32, #tpu.memory_space<vmem>>) attributes {dimension_semantics = [], scalar_prefetch = 0 : i64, scratch_operands = 0 : i64, tpu.core_type = #tpu.core_type<tc>} {
    %get3A = arith.constant 0 : index
    %get3A_0 = arith.constant 0 : index
    %get3A_1 = vector.load %arg2[%get3A, %get3A_0] : memref<64x16xf32, #tpu.memory_space<vmem>>, vector<64x1xf32>
    %get3A_2 = arith.constant 0 : index
    %get3A_3 = arith.constant 1 : index
    %get3A_4 = vector.load %arg2[%get3A_2, %get3A_3] : memref<64x16xf32, #tpu.memory_space<vmem>>, vector<64x1xf32>
    %get3A_5 = arith.constant 0 : index
    %get3A_6 = arith.constant 2 : index
    %get3A_7 = vector.load %arg2[%get3A_5, %get3A_6] : memref<64x16xf32, #tpu.memory_space<vmem>>, vector<64x1xf32>
    %convert_element_type3A = arith.fptosi %get3A_7 : vector<64x1xf32> to vector<64x1xi32>
    %get3A_8 = arith.constant 0 : index
    %get3A_9 = arith.constant 0 : index
    %get3A_10 = vector.load %arg0[%get3A_8, %get3A_9] : memref<64x256xf32, #tpu.memory_space<vmem>>, vector<64x256xf32>
    %get3A_11 = arith.constant 0 : index
    %get3A_12 = arith.constant 0 : index
    %get3A_13 = vector.load %arg1[%get3A_11, %get3A_12] : memref<64x256xi32, #tpu.memory_space<vmem>>, vector<64x256xi32>
    %iota3A = tpu.iota {dimensions = array<i32: 1>} : vector<64x256xi32>
    %lt3A = vector.broadcast %convert_element_type3A : vector<64x1xi32> to vector<64x256xi32>
    %lt3A_14 = arith.cmpi slt, %iota3A, %lt3A : vector<64x256xi32>
    %sub3A = vector.broadcast %get3A_1 : vector<64x1xf32> to vector<64x256xf32>
    %sub3A_15 = arith.subf %get3A_10, %sub3A : vector<64x256xf32>
    %exp3A = math.exp %sub3A_15 : vector<64x256xf32>
    %jit3A = arith.constant -1.000000e+00 : f32
    %broadcast_in_dim3A = vector.broadcast %jit3A : f32 to vector<64x256xf32>
    %select_n3A = arith.select %lt3A_14, %exp3A, %broadcast_in_dim3A : vector<64x256xi1>, vector<64x256xf32>
    %iota3A_16 = tpu.iota {dimensions = array<i32: 1>} : vector<64x50xi32>
    %broadcast_in_dim3A_17 = arith.constant 0.000000e+00 : f32
    %broadcast_in_dim3A_18 = vector.broadcast %broadcast_in_dim3A_17 : f32 to vector<64x50xf32>
    %broadcast_in_dim3A_19 = arith.constant 0 : i32
    %broadcast_in_dim3A_20 = vector.broadcast %broadcast_in_dim3A_19 : i32 to vector<64x50xi32>
    %scan3A = arith.constant 1073741824 : i32
    %scan3A_21 = arith.constant 0 : i32
    %scan3A_22 = arith.constant 50 : i32
    %scan3A_23 = arith.addi %scan3A_21, %scan3A_22 : i32
    %scan3A_24 = arith.constant 1 : i32
    %scan3A_25:3 = scf.for %scan3A_201 = %scan3A_21 to %scan3A_23 step %scan3A_24 iter_args(%scan3A_202 = %select_n3A, %scan3A_203 = %broadcast_in_dim3A_18, %scan3A_204 = %broadcast_in_dim3A_20) -> (vector<64x256xf32>, vector<64x50xf32>, vector<64x50xi32>)  : i32 {
      %reduce_max3A_205 = arith.constant dense<0xFF800000> : vector<64xf32>
      %reduce_max3A_206 = vector.multi_reduction <maximumf>, %scan3A_202, %reduce_max3A_205 [1] : vector<64x256xf32> to vector<64xf32>
      %broadcast_in_dim3A_207 = vector.shape_cast %reduce_max3A_206 : vector<64xf32> to vector<64x1xf32>
      %eq3A_208 = vector.broadcast %broadcast_in_dim3A_207 : vector<64x1xf32> to vector<64x256xf32>
      %eq3A_209 = arith.cmpf oeq, %scan3A_202, %eq3A_208 : vector<64x256xf32>
      %broadcast_in_dim3A_210 = vector.broadcast %scan3A : i32 to vector<64x256xi32>
      %select_n3A_211 = arith.select %eq3A_209, %iota3A, %broadcast_in_dim3A_210 : vector<64x256xi1>, vector<64x256xi32>
      %reduce_min3A_212 = arith.constant dense<2147483647> : vector<64xi32>
      %reduce_min3A_213 = vector.multi_reduction <minsi>, %select_n3A_211, %reduce_min3A_212 [1] : vector<64x256xi32> to vector<64xi32>
      %broadcast_in_dim3A_214 = vector.shape_cast %reduce_min3A_213 : vector<64xi32> to vector<64x1xi32>
      %eq3A_215 = vector.broadcast %broadcast_in_dim3A_214 : vector<64x1xi32> to vector<64x256xi32>
      %eq3A_216 = arith.cmpi eq, %iota3A, %eq3A_215 : vector<64x256xi32>
      %jit3A_217 = arith.constant 0 : i32
      %broadcast_in_dim3A_218 = vector.broadcast %jit3A_217 : i32 to vector<64x256xi32>
      %select_n3A_219 = arith.select %eq3A_216, %get3A_13, %broadcast_in_dim3A_218 : vector<64x256xi1>, vector<64x256xi32>
      %reduce_sum3A_220 = arith.constant dense<0> : vector<64xi32>
      %reduce_sum3A_221 = vector.multi_reduction <add>, %select_n3A_219, %reduce_sum3A_220 [1] : vector<64x256xi32> to vector<64xi32>
      %broadcast_in_dim3A_222 = vector.shape_cast %reduce_sum3A_221 : vector<64xi32> to vector<64x1xi32>
      %eq3A_223 = vector.broadcast %scan3A_201 : i32 to vector<64x50xi32>
      %eq3A_224 = arith.cmpi eq, %iota3A_16, %eq3A_223 : vector<64x50xi32>
      %jit3A_225 = arith.constant 0.000000e+00 : f32
      %broadcast_in_dim3A_226 = vector.shape_cast %broadcast_in_dim3A_207 : vector<64x1xf32> to vector<64x1xf32>
      %broadcast_in_dim3A_227 = vector.broadcast %broadcast_in_dim3A_226 : vector<64x1xf32> to vector<64x50xf32>
      %broadcast_in_dim3A_228 = vector.broadcast %jit3A_225 : f32 to vector<64x50xf32>
      %select_n3A_229 = arith.select %eq3A_224, %broadcast_in_dim3A_227, %broadcast_in_dim3A_228 : vector<64x50xi1>, vector<64x50xf32>
      %add3A_230 = arith.addf %scan3A_203, %select_n3A_229 : vector<64x50xf32>
      %jit3A_231 = arith.constant 0 : i32
      %broadcast_in_dim3A_232 = vector.shape_cast %broadcast_in_dim3A_222 : vector<64x1xi32> to vector<64x1xi32>
      %broadcast_in_dim3A_233 = vector.broadcast %broadcast_in_dim3A_232 : vector<64x1xi32> to vector<64x50xi32>
      %broadcast_in_dim3A_234 = vector.broadcast %jit3A_231 : i32 to vector<64x50xi32>
      %select_n3A_235 = arith.select %eq3A_224, %broadcast_in_dim3A_233, %broadcast_in_dim3A_234 : vector<64x50xi1>, vector<64x50xi32>
      %add3A_236 = arith.addi %scan3A_204, %select_n3A_235 : vector<64x50xi32>
      %jit3A_237 = arith.constant -1.000000e+00 : f32
      %broadcast_in_dim3A_238 = vector.broadcast %jit3A_237 : f32 to vector<64x256xf32>
      %select_n3A_239 = arith.select %eq3A_216, %broadcast_in_dim3A_238, %scan3A_202 : vector<64x256xi1>, vector<64x256xf32>
      scf.yield %select_n3A_239, %add3A_230, %add3A_236 : vector<64x256xf32>, vector<64x50xf32>, vector<64x50xi32>
    }
    %scan3A_26 = arith.constant 50 : i32
    %div3A = vector.broadcast %get3A_4 : vector<64x1xf32> to vector<64x50xf32>
    %div3A_27 = arith.divf %scan3A_25#1, %div3A : vector<64x50xf32>
    %reduce_sum3A = vector.shape_cast %div3A_27 : vector<64x50xf32> to vector<1x64x50xf32>
    %reduce_sum3A_28 = arith.constant dense<0.000000e+00> : vector<1xf32>
    %reduce_sum3A_29 = vector.multi_reduction <add>, %reduce_sum3A, %reduce_sum3A_28 [1, 2] : vector<1x64x50xf32> to vector<1xf32>
    %reduce_sum3A_30 = vector.shape_cast %reduce_sum3A_29 : vector<1xf32> to vector<1x1x1xf32>
    %reduce_sum3A_31 = vector.extract %reduce_sum3A_30[0, 0, 0] : f32 from vector<1x1x1xf32>
    %div3A_32 = vector.broadcast %reduce_sum3A_31 : f32 to vector<64x50xf32>
    %div3A_33 = arith.divf %div3A_27, %div3A_32 : vector<64x50xf32>
    %swap3A = arith.constant 0 : index
    %swap3A_34 = arith.constant 0 : index
    %swap3A_35 = vector.load %arg4[%swap3A, %swap3A_34] : memref<64x50xf32, #tpu.memory_space<vmem>>, vector<64x50xf32>
    tpu.vector_store %arg4[%swap3A, %swap3A_34], %div3A_33 {strides = array<i32>} : memref<64x50xf32, #tpu.memory_space<vmem>>, vector<64x50xf32>,
    %add3A = arith.constant 9.99999968E-21 : f32
    %add3A_36 = vector.broadcast %add3A : f32 to vector<64x50xf32>
    %add3A_37 = arith.addf %div3A_33, %add3A_36 : vector<64x50xf32>
    %log3A = math.log %add3A_37 : vector<64x50xf32>
    %iota3A_38 = tpu.iota {dimensions = array<i32: 0>} : vector<64x50xi32>
    %mul3A = arith.constant 50 : i32
    %mul3A_39 = vector.broadcast %mul3A : i32 to vector<64x50xi32>
    %mul3A_40 = arith.muli %iota3A_38, %mul3A_39 : vector<64x50xi32>
    %add3A_41 = arith.addi %mul3A_40, %iota3A_16 : vector<64x50xi32>
    %iota3A_42 = tpu.iota {dimensions = array<i32: 1>} : vector<1x4xi32>
    %iota3A_43 = vector.shape_cast %iota3A_42 : vector<1x4xi32> to vector<4xi32>
    %broadcast_in_dim3A_44 = arith.constant 0 : i32
    %broadcast_in_dim3A_45 = vector.broadcast %broadcast_in_dim3A_44 : i32 to vector<4xi32>
    %get3A_46 = arith.constant 0 : index
    %get3A_47 = arith.constant 0 : index
    %get3A_48 = arith.constant 0 : index
    %get3A_49 = vector.load %arg3[%get3A_46, %get3A_47, %get3A_48] : memref<4x64x50xf32, #tpu.memory_space<vmem>>, vector<1x64x50xf32>
    %get3A_50 = vector.shape_cast %get3A_49 : vector<1x64x50xf32> to vector<64x50xf32>
    %add3A_51 = arith.addf %log3A, %get3A_50 : vector<64x50xf32>
    %reduce_max3A = vector.shape_cast %add3A_51 : vector<64x50xf32> to vector<1x64x50xf32>
    %reduce_max3A_52 = arith.constant dense<0xFF800000> : vector<1xf32>
    %reduce_max3A_53 = vector.multi_reduction <maximumf>, %reduce_max3A, %reduce_max3A_52 [1, 2] : vector<1x64x50xf32> to vector<1xf32>
    %reduce_max3A_54 = vector.shape_cast %reduce_max3A_53 : vector<1xf32> to vector<1x1x1xf32>
    %reduce_max3A_55 = vector.extract %reduce_max3A_54[0, 0, 0] : f32 from vector<1x1x1xf32>
    %eq3A = vector.broadcast %reduce_max3A_55 : f32 to vector<64x50xf32>
    %eq3A_56 = arith.cmpf oeq, %add3A_51, %eq3A : vector<64x50xf32>
    %jit3A_57 = arith.constant 1073741824 : i32
    %broadcast_in_dim3A_58 = vector.broadcast %jit3A_57 : i32 to vector<64x50xi32>
    %select_n3A_59 = arith.select %eq3A_56, %add3A_41, %broadcast_in_dim3A_58 : vector<64x50xi1>, vector<64x50xi32>
    %reduce_min3A = vector.shape_cast %select_n3A_59 : vector<64x50xi32> to vector<1x64x50xi32>
    %reduce_min3A_60 = arith.constant dense<2147483647> : vector<1xi32>
    %reduce_min3A_61 = vector.multi_reduction <minsi>, %reduce_min3A, %reduce_min3A_60 [1, 2] : vector<1x64x50xi32> to vector<1xi32>
    %reduce_min3A_62 = vector.shape_cast %reduce_min3A_61 : vector<1xi32> to vector<1x1x1xi32>
    %reduce_min3A_63 = vector.extract %reduce_min3A_62[0, 0, 0] : i32 from vector<1x1x1xi32>
    %eq3A_64 = vector.broadcast %reduce_min3A_63 : i32 to vector<64x50xi32>
    %eq3A_65 = arith.cmpi eq, %add3A_41, %eq3A_64 : vector<64x50xi32>
    %jit3A_66 = arith.constant 0 : i32
    %broadcast_in_dim3A_67 = vector.broadcast %jit3A_66 : i32 to vector<64x50xi32>
    %select_n3A_68 = arith.select %eq3A_65, %scan3A_25#2, %broadcast_in_dim3A_67 : vector<64x50xi1>, vector<64x50xi32>
    %reduce_sum3A_69 = vector.shape_cast %select_n3A_68 : vector<64x50xi32> to vector<1x64x50xi32>
    %reduce_sum3A_70 = arith.constant dense<0> : vector<1xi32>
    %reduce_sum3A_71 = vector.multi_reduction <add>, %reduce_sum3A_69, %reduce_sum3A_70 [1, 2] : vector<1x64x50xi32> to vector<1xi32>
    %reduce_sum3A_72 = vector.shape_cast %reduce_sum3A_71 : vector<1xi32> to vector<1x1x1xi32>
    %reduce_sum3A_73 = vector.extract %reduce_sum3A_72[0, 0, 0] : i32 from vector<1x1x1xi32>
    %eq3A_74 = arith.constant 0 : i32
    %eq3A_75 = vector.broadcast %eq3A_74 : i32 to vector<4xi32>
    %eq3A_76 = arith.cmpi eq, %iota3A_43, %eq3A_75 : vector<4xi32>
    %jit3A_77 = arith.constant 0 : i32
    %broadcast_in_dim3A_78 = vector.broadcast %reduce_sum3A_73 : i32 to vector<4xi32>
    %broadcast_in_dim3A_79 = vector.broadcast %jit3A_77 : i32 to vector<4xi32>
    %select_n3A_80 = arith.select %eq3A_76, %broadcast_in_dim3A_78, %broadcast_in_dim3A_79 : vector<4xi1>, vector<4xi32>
    %add3A_81 = arith.addi %broadcast_in_dim3A_45, %select_n3A_80 : vector<4xi32>
    %get3A_82 = arith.constant 1 : index
    %get3A_83 = arith.constant 0 : index
    %get3A_84 = arith.constant 0 : index
    %get3A_85 = vector.load %arg3[%get3A_82, %get3A_83, %get3A_84] : memref<4x64x50xf32, #tpu.memory_space<vmem>>, vector<1x64x50xf32>
    %get3A_86 = vector.shape_cast %get3A_85 : vector<1x64x50xf32> to vector<64x50xf32>
    %add3A_87 = arith.addf %log3A, %get3A_86 : vector<64x50xf32>
    %reduce_max3A_88 = vector.shape_cast %add3A_87 : vector<64x50xf32> to vector<1x64x50xf32>
    %reduce_max3A_89 = arith.constant dense<0xFF800000> : vector<1xf32>
    %reduce_max3A_90 = vector.multi_reduction <maximumf>, %reduce_max3A_88, %reduce_max3A_89 [1, 2] : vector<1x64x50xf32> to vector<1xf32>
    %reduce_max3A_91 = vector.shape_cast %reduce_max3A_90 : vector<1xf32> to vector<1x1x1xf32>
    %reduce_max3A_92 = vector.extract %reduce_max3A_91[0, 0, 0] : f32 from vector<1x1x1xf32>
    %eq3A_93 = vector.broadcast %reduce_max3A_92 : f32 to vector<64x50xf32>
    %eq3A_94 = arith.cmpf oeq, %add3A_87, %eq3A_93 : vector<64x50xf32>
    %jit3A_95 = arith.constant 1073741824 : i32
    %broadcast_in_dim3A_96 = vector.broadcast %jit3A_95 : i32 to vector<64x50xi32>
    %select_n3A_97 = arith.select %eq3A_94, %add3A_41, %broadcast_in_dim3A_96 : vector<64x50xi1>, vector<64x50xi32>
    %reduce_min3A_98 = vector.shape_cast %select_n3A_97 : vector<64x50xi32> to vector<1x64x50xi32>
    %reduce_min3A_99 = arith.constant dense<2147483647> : vector<1xi32>
    %reduce_min3A_100 = vector.multi_reduction <minsi>, %reduce_min3A_98, %reduce_min3A_99 [1, 2] : vector<1x64x50xi32> to vector<1xi32>
    %reduce_min3A_101 = vector.shape_cast %reduce_min3A_100 : vector<1xi32> to vector<1x1x1xi32>
    %reduce_min3A_102 = vector.extract %reduce_min3A_101[0, 0, 0] : i32 from vector<1x1x1xi32>
    %eq3A_103 = vector.broadcast %reduce_min3A_102 : i32 to vector<64x50xi32>
    %eq3A_104 = arith.cmpi eq, %add3A_41, %eq3A_103 : vector<64x50xi32>
    %jit3A_105 = arith.constant 0 : i32
    %broadcast_in_dim3A_106 = vector.broadcast %jit3A_105 : i32 to vector<64x50xi32>
    %select_n3A_107 = arith.select %eq3A_104, %scan3A_25#2, %broadcast_in_dim3A_106 : vector<64x50xi1>, vector<64x50xi32>
    %reduce_sum3A_108 = vector.shape_cast %select_n3A_107 : vector<64x50xi32> to vector<1x64x50xi32>
    %reduce_sum3A_109 = arith.constant dense<0> : vector<1xi32>
    %reduce_sum3A_110 = vector.multi_reduction <add>, %reduce_sum3A_108, %reduce_sum3A_109 [1, 2] : vector<1x64x50xi32> to vector<1xi32>
    %reduce_sum3A_111 = vector.shape_cast %reduce_sum3A_110 : vector<1xi32> to vector<1x1x1xi32>
    %reduce_sum3A_112 = vector.extract %reduce_sum3A_111[0, 0, 0] : i32 from vector<1x1x1xi32>
    %eq3A_113 = arith.constant 1 : i32
    %eq3A_114 = vector.broadcast %eq3A_113 : i32 to vector<4xi32>
    %eq3A_115 = arith.cmpi eq, %iota3A_43, %eq3A_114 : vector<4xi32>
    %jit3A_116 = arith.constant 0 : i32
    %broadcast_in_dim3A_117 = vector.broadcast %reduce_sum3A_112 : i32 to vector<4xi32>
    %broadcast_in_dim3A_118 = vector.broadcast %jit3A_116 : i32 to vector<4xi32>
    %select_n3A_119 = arith.select %eq3A_115, %broadcast_in_dim3A_117, %broadcast_in_dim3A_118 : vector<4xi1>, vector<4xi32>
    %add3A_120 = arith.addi %add3A_81, %select_n3A_119 : vector<4xi32>
    %get3A_121 = arith.constant 2 : index
    %get3A_122 = arith.constant 0 : index
    %get3A_123 = arith.constant 0 : index
    %get3A_124 = vector.load %arg3[%get3A_121, %get3A_122, %get3A_123] : memref<4x64x50xf32, #tpu.memory_space<vmem>>, vector<1x64x50xf32>
    %get3A_125 = vector.shape_cast %get3A_124 : vector<1x64x50xf32> to vector<64x50xf32>
    %add3A_126 = arith.addf %log3A, %get3A_125 : vector<64x50xf32>
    %reduce_max3A_127 = vector.shape_cast %add3A_126 : vector<64x50xf32> to vector<1x64x50xf32>
    %reduce_max3A_128 = arith.constant dense<0xFF800000> : vector<1xf32>
    %reduce_max3A_129 = vector.multi_reduction <maximumf>, %reduce_max3A_127, %reduce_max3A_128 [1, 2] : vector<1x64x50xf32> to vector<1xf32>
    %reduce_max3A_130 = vector.shape_cast %reduce_max3A_129 : vector<1xf32> to vector<1x1x1xf32>
    %reduce_max3A_131 = vector.extract %reduce_max3A_130[0, 0, 0] : f32 from vector<1x1x1xf32>
    %eq3A_132 = vector.broadcast %reduce_max3A_131 : f32 to vector<64x50xf32>
    %eq3A_133 = arith.cmpf oeq, %add3A_126, %eq3A_132 : vector<64x50xf32>
    %jit3A_134 = arith.constant 1073741824 : i32
    %broadcast_in_dim3A_135 = vector.broadcast %jit3A_134 : i32 to vector<64x50xi32>
    %select_n3A_136 = arith.select %eq3A_133, %add3A_41, %broadcast_in_dim3A_135 : vector<64x50xi1>, vector<64x50xi32>
    %reduce_min3A_137 = vector.shape_cast %select_n3A_136 : vector<64x50xi32> to vector<1x64x50xi32>
    %reduce_min3A_138 = arith.constant dense<2147483647> : vector<1xi32>
    %reduce_min3A_139 = vector.multi_reduction <minsi>, %reduce_min3A_137, %reduce_min3A_138 [1, 2] : vector<1x64x50xi32> to vector<1xi32>
    %reduce_min3A_140 = vector.shape_cast %reduce_min3A_139 : vector<1xi32> to vector<1x1x1xi32>
    %reduce_min3A_141 = vector.extract %reduce_min3A_140[0, 0, 0] : i32 from vector<1x1x1xi32>
    %eq3A_142 = vector.broadcast %reduce_min3A_141 : i32 to vector<64x50xi32>
    %eq3A_143 = arith.cmpi eq, %add3A_41, %eq3A_142 : vector<64x50xi32>
    %jit3A_144 = arith.constant 0 : i32
    %broadcast_in_dim3A_145 = vector.broadcast %jit3A_144 : i32 to vector<64x50xi32>
    %select_n3A_146 = arith.select %eq3A_143, %scan3A_25#2, %broadcast_in_dim3A_145 : vector<64x50xi1>, vector<64x50xi32>
    %reduce_sum3A_147 = vector.shape_cast %select_n3A_146 : vector<64x50xi32> to vector<1x64x50xi32>
    %reduce_sum3A_148 = arith.constant dense<0> : vector<1xi32>
    %reduce_sum3A_149 = vector.multi_reduction <add>, %reduce_sum3A_147, %reduce_sum3A_148 [1, 2] : vector<1x64x50xi32> to vector<1xi32>
    %reduce_sum3A_150 = vector.shape_cast %reduce_sum3A_149 : vector<1xi32> to vector<1x1x1xi32>
    %reduce_sum3A_151 = vector.extract %reduce_sum3A_150[0, 0, 0] : i32 from vector<1x1x1xi32>
    %eq3A_152 = arith.constant 2 : i32
    %eq3A_153 = vector.broadcast %eq3A_152 : i32 to vector<4xi32>
    %eq3A_154 = arith.cmpi eq, %iota3A_43, %eq3A_153 : vector<4xi32>
    %jit3A_155 = arith.constant 0 : i32
    %broadcast_in_dim3A_156 = vector.broadcast %reduce_sum3A_151 : i32 to vector<4xi32>
    %broadcast_in_dim3A_157 = vector.broadcast %jit3A_155 : i32 to vector<4xi32>
    %select_n3A_158 = arith.select %eq3A_154, %broadcast_in_dim3A_156, %broadcast_in_dim3A_157 : vector<4xi1>, vector<4xi32>
    %add3A_159 = arith.addi %add3A_120, %select_n3A_158 : vector<4xi32>
    %get3A_160 = arith.constant 3 : index
    %get3A_161 = arith.constant 0 : index
    %get3A_162 = arith.constant 0 : index
    %get3A_163 = vector.load %arg3[%get3A_160, %get3A_161, %get3A_162] : memref<4x64x50xf32, #tpu.memory_space<vmem>>, vector<1x64x50xf32>
    %get3A_164 = vector.shape_cast %get3A_163 : vector<1x64x50xf32> to vector<64x50xf32>
    %add3A_165 = arith.addf %log3A, %get3A_164 : vector<64x50xf32>
    %reduce_max3A_166 = vector.shape_cast %add3A_165 : vector<64x50xf32> to vector<1x64x50xf32>
    %reduce_max3A_167 = arith.constant dense<0xFF800000> : vector<1xf32>
    %reduce_max3A_168 = vector.multi_reduction <maximumf>, %reduce_max3A_166, %reduce_max3A_167 [1, 2] : vector<1x64x50xf32> to vector<1xf32>
    %reduce_max3A_169 = vector.shape_cast %reduce_max3A_168 : vector<1xf32> to vector<1x1x1xf32>
    %reduce_max3A_170 = vector.extract %reduce_max3A_169[0, 0, 0] : f32 from vector<1x1x1xf32>
    %eq3A_171 = vector.broadcast %reduce_max3A_170 : f32 to vector<64x50xf32>
    %eq3A_172 = arith.cmpf oeq, %add3A_165, %eq3A_171 : vector<64x50xf32>
    %jit3A_173 = arith.constant 1073741824 : i32
    %broadcast_in_dim3A_174 = vector.broadcast %jit3A_173 : i32 to vector<64x50xi32>
    %select_n3A_175 = arith.select %eq3A_172, %add3A_41, %broadcast_in_dim3A_174 : vector<64x50xi1>, vector<64x50xi32>
    %reduce_min3A_176 = vector.shape_cast %select_n3A_175 : vector<64x50xi32> to vector<1x64x50xi32>
    %reduce_min3A_177 = arith.constant dense<2147483647> : vector<1xi32>
    %reduce_min3A_178 = vector.multi_reduction <minsi>, %reduce_min3A_176, %reduce_min3A_177 [1, 2] : vector<1x64x50xi32> to vector<1xi32>
    %reduce_min3A_179 = vector.shape_cast %reduce_min3A_178 : vector<1xi32> to vector<1x1x1xi32>
    %reduce_min3A_180 = vector.extract %reduce_min3A_179[0, 0, 0] : i32 from vector<1x1x1xi32>
    %eq3A_181 = vector.broadcast %reduce_min3A_180 : i32 to vector<64x50xi32>
    %eq3A_182 = arith.cmpi eq, %add3A_41, %eq3A_181 : vector<64x50xi32>
    %jit3A_183 = arith.constant 0 : i32
    %broadcast_in_dim3A_184 = vector.broadcast %jit3A_183 : i32 to vector<64x50xi32>
    %select_n3A_185 = arith.select %eq3A_182, %scan3A_25#2, %broadcast_in_dim3A_184 : vector<64x50xi1>, vector<64x50xi32>
    %reduce_sum3A_186 = vector.shape_cast %select_n3A_185 : vector<64x50xi32> to vector<1x64x50xi32>
    %reduce_sum3A_187 = arith.constant dense<0> : vector<1xi32>
    %reduce_sum3A_188 = vector.multi_reduction <add>, %reduce_sum3A_186, %reduce_sum3A_187 [1, 2] : vector<1x64x50xi32> to vector<1xi32>
    %reduce_sum3A_189 = vector.shape_cast %reduce_sum3A_188 : vector<1xi32> to vector<1x1x1xi32>
    %reduce_sum3A_190 = vector.extract %reduce_sum3A_189[0, 0, 0] : i32 from vector<1x1x1xi32>
    %eq3A_191 = arith.constant 3 : i32
    %eq3A_192 = vector.broadcast %eq3A_191 : i32 to vector<4xi32>
    %eq3A_193 = arith.cmpi eq, %iota3A_43, %eq3A_192 : vector<4xi32>
    %jit3A_194 = arith.constant 0 : i32
    %broadcast_in_dim3A_195 = vector.broadcast %reduce_sum3A_190 : i32 to vector<4xi32>
    %broadcast_in_dim3A_196 = vector.broadcast %jit3A_194 : i32 to vector<4xi32>
    %select_n3A_197 = arith.select %eq3A_193, %broadcast_in_dim3A_195, %broadcast_in_dim3A_196 : vector<4xi1>, vector<4xi32>
    %add3A_198 = arith.addi %add3A_159, %select_n3A_197 : vector<4xi32>
    %swap3A_199 = arith.constant 0 : index
    %swap3A_200 = vector.load %arg5[%swap3A_199] : memref<4xi32, #tpu.memory_space<vmem>>, vector<4xi32>
    tpu.vector_store %arg5[%swap3A_199], %add3A_198 {strides = array<i32>} : memref<4xi32, #tpu.memory_space<vmem>>, vector<4xi32>,
    return
  }
}

</mosaic_0001>

<sc_bundles>
// kernel: kernel.4.cloned.1.call-start
scs
__scs_entry_jumppad:
0x0: {  	(pc) =	sbr.rel $0x88, $3  }
0x1: {  	(tag) =	ssettag $0x0;
	lr =	simm.s32 $0x1  }
0x2: {  	[smem:$0x3FA0] =	sst lr;
	_ =	strace $0xD0000000  }
0x3: {  	_ = 	snop  }
0x4: {  	_ = 	snop  }
0x5: {  	_ = 	snop  }
0x6: {  	_ = 	snop  }
0x7: {  	_ = 	snop  }
__scs_overlays_trampoline_lowered:
0x8: {  	[smem:$0x3FAF] =	sst s0  }
0x9: {  	[smem:$0x3FB0] =	sst s1  }
0xa: {  	[smem:$0x3FB1] =	sst s2  }
0xb: {  	[smem:$0x3FB2] =	sst s3  }
0xc: {  	[smem:$0x3FB3] =	sst s4  }
0xd: {  	[smem:$0x3FB4] =	sst s5  }
0xe: {  	[smem:$0x3FB5] =	sst s6  }
0xf: {  	[smem:$0x3FB6] =	sst s7  }
0x10: {  	[smem:$0x3FB7] =	sst s8  }
0x11: {  	[smem:$0x3FB8] =	sst s9;
	s0 =	simm.s32 @!p0 $0x0  }
0x12: {  	s1 =	sld [smem:$0x3F9E];
	s0 =	simm.s32 @p0 $0x1  }
0x13: {  	[smem:$0x3FB9] =	sst s0;
	s0 =	simm.s32 @!p1 $0x0  }
0x14: {  	s2 =	sld [smem:$0x3F9D];
	s0 =	simm.s32 @p1 $0x1  }
0x15: {  	[smem:$0x3FBA] =	sst s0;
	s0 =	simm.s32 @!p2 $0x0  }
0x16: {  	s3 =	sld [smem:$0x3FDB];
	s0 =	simm.s32 @p2 $0x1  }
0x17: {  	s4 =	simm.s32 $0x1BF5;
	[smem:$0x3FBC] =	sst s0  }
0x18: {  	s0 =	sld [smem:$0x3F9F];
	_ =	swait.ge [sflag:s4], $0x0  }
0x19: {  	s7 =	sld [smem:$0x3FA0]  }
0x1a: {  	s8 =	sadd.s32 $0xFFFFE003, lr  }
0x1b: {  	s9 =	sadd.s32 $0xFFFFFEF7, lr;
	s5 =	simm.s32 $0xFFFFFFFF;
	p2 =	slt.u32 s8, $0xFFFFF086  }
0x1c: {  	p1 =	slt.u32 s9, $0xF7A;
	s5 =	simm.s32 @!p2 $0x0  }
0x1d: {  	s5 =	simm.s32 @p1 $0x1;
	p0 =	seq.s32 s7, s2  }
0x1e: {  	s7 =	smul.u32 @!p0 $0xF7A, s2;
	p2 =	seq.s32 @!p0 s5, $0x0  }
0x1f: {  	s9 =	smul.u32 $0xF7A, s1;
	s8 =	simm.s32 @!p0 $0x1BF5;
	p2 =	por !p2, p0  }
0x20: {  	[sflag:s8] =	ssyncset.s32 @!p0 $0xFFFFF086;
	s6 =	sadd.s32 @!p0 s3, s7;
	s7 =	simm.s32 @!p0 $0x108  }
0x21: {  	s3 =	sadd.s32 s3, s9;
	s6 =	sadd.s32 @!p0 $0x88, s6;
	s7 =	simm.s32 @p2 $0x1082  }
0x22: {  	[simem:s7], [sflag:s8] =	dma.local @!p0 [hbm:s6], $0xF7A  }
0x23: {  	s9 =	sor.u32 $0xD0000000, s2;
	s6 =	simm.s32 $0x108;
	_ =	swait.ge @!p0 [sflag:s8], $0x0  }
0x24: {  	s3 =	sadd.s32 $0x88, s3;
	s6 =	simm.s32 @!p1 $0x1082;
	[sflag:s4] =	ssyncset.s32 $0xFFFFF086  }
0x25: {  	[simem:s6], [sflag:s4] =	dma.local [hbm:s3], $0xF7A  }
0x26: {  	[smem:$0x3FA0] =	sst s1;
	(tag) =	ssettag s2;
	_ =	strace s9  }
0x27: {  	s1 =	sld [smem:$0x3FB0]  }
0x28: {  	s2 =	sld [smem:$0x3FB1]  }
0x29: {  	s4 =	sld [smem:$0x3FB3]  }
0x2a: {  	p0 =	seq.s32 s5, $0x0;
	s5 =	sld [smem:$0x3FB4]  }
0x2b: {  	s6 =	sld [smem:$0x3FB5]  }
0x2c: {  	s7 =	sld [smem:$0x3FB6]  }
0x2d: {  	s3 =	simm.s32 $0x108;
	s8 =	sld [smem:$0x3FB7]  }
0x2e: {  	s3 =	simm.s32 @!p0 $0x1082;
	s9 =	sld [smem:$0x3FB8]  }
0x2f: {  	lr =	sadd.s32 s0, s3;
	s0 =	sld [smem:$0x3FAF]  }
0x30: {  	s3 =	sld [smem:$0x3FB2]  }
0x31: {  	[smem:$0x3FBB] =	sst s10  }
0x32: {  	s10 =	sld [smem:$0x3FB9];
	_ =	sdelay $0x3  }
0x33: {  	p0 =	seq.s32 s10, $0x1;
	s10 =	sld [smem:$0x3FBB];
	_ =	sdelay $0x3  }
0x34: {  	[smem:$0x3FBB] =	sst s10  }
0x35: {  	s10 =	sld [smem:$0x3FBA];
	_ =	sdelay $0x3  }
0x36: {  	p1 =	seq.s32 s10, $0x1;
	s10 =	sld [smem:$0x3FBB];
	_ =	sdelay $0x3  }
0x37: {  	[smem:$0x3FBB] =	sst s10  }
0x38: {  	s10 =	sld [smem:$0x3FBC]  }
0x39: {  	_ = 	snop;
	(pc) =	sbr.ind lr, $3  }
0x3a: {  	_ = 	snop  }
0x3b: {  	_ = 	snop  }
0x3c: {  	p2 =	seq.s32 s10, $0x1;
	s10 =	sld [smem:$0x3FBB]  }
0x3d: {  	_ =	shalt  }
0x3e: {  	_ =	shalt  }
0x3f: {  	_ =	shalt  }
0x40: {  	_ =	shalt  }
0x41: {  	_ =	shalt  }
0x42: {  	_ =	shalt  }
0x43: {  	_ =	shalt  }
0x44: {  	_ =	shalt  }
0x45: {  	_ =	shalt  }
0x46: {  	_ =	shalt  }
0x47: {  	_ =	shalt  }
0x48: {  	_ =	shalt  }
0x49: {  	_ =	shalt  }
0x4a: {  	_ =	shalt  }
0x4b: {  	_ =	shalt  }
0x4c: {  	_ =	shalt  }
0x4d: {  	_ =	shalt  }
0x4e: {  	_ =	shalt  }
0x4f: {  	_ =	shalt  }
0x50: {  	_ =	shalt  }
0x51: {  	_ =	shalt  }
0x52: {  	_ =	shalt  }
0x53: {  	_ =	shalt  }
0x54: {  	_ =	shalt  }
0x55: {  	_ =	shalt  }
0x56: {  	_ =	shalt  }
0x57: {  	_ =	shalt  }
0x58: {  	_ =	shalt  }
0x59: {  	_ =	shalt  }
0x5a: {  	_ =	shalt  }
0x5b: {  	_ =	shalt  }
0x5c: {  	_ =	shalt  }
0x5d: {  	_ =	shalt  }
0x5e: {  	_ =	shalt  }
0x5f: {  	_ =	shalt  }
0x60: {  	_ =	shalt  }
0x61: {  	_ =	shalt  }
0x62: {  	_ =	shalt  }
0x63: {  	_ =	shalt  }
0x64: {  	_ =	shalt  }
0x65: {  	_ =	shalt  }
0x66: {  	_ =	shalt  }
0x67: {  	_ =	shalt  }
0x68: {  	_ =	shalt  }
0x69: {  	_ =	shalt  }
0x6a: {  	_ =	shalt  }
0x6b: {  	_ =	shalt  }
0x6c: {  	_ =	shalt  }
0x6d: {  	_ =	shalt  }
0x6e: {  	_ =	shalt  }
0x6f: {  	_ =	shalt  }
0x70: {  	_ =	shalt  }
0x71: {  	_ =	shalt  }
0x72: {  	_ =	shalt  }
0x73: {  	_ =	shalt  }
0x74: {  	_ =	shalt  }
0x75: {  	_ =	shalt  }
0x76: {  	_ =	shalt  }
0x77: {  	_ =	shalt  }
0x78: {  	_ =	shalt  }
0x79: {  	_ =	shalt  }
0x7a: {  	_ =	shalt  }
0x7b: {  	_ =	shalt  }
0x7c: {  	_ =	shalt  }
0x7d: {  	_ =	shalt  }
0x7e: {  	_ =	shalt  }
0x7f: {  	_ =	shalt  }
0x80: {  	_ =	shalt  }
0x81: {  	_ =	shalt  }
0x82: {  	_ =	shalt  }
0x83: {  	_ =	shalt  }
0x84: {  	_ =	shalt  }
0x85: {  	_ =	shalt  }
0x86: {  	_ =	shalt  }
0x87: {  	_ =	shalt  }
.Lfunc_end0:
.L_simem_size_0:
called_computation_lowered:
.L_overlay_start_0:
0x88: {  	s2 =	sld [smem:$0x3FD9]  }
0x89: {  	s3 =	sld [smem:$0x3FFE];
	_ =	sdelay $0x1  }
0x8a: {  	s1 =	srdreg.scid  }
0x8b: {  	s0 =	sand.u32 $0x1, s1  }
0x8c: {  	s17 =	sshll.u32 s0, $0xA;
	s2 =	sadd.s32 s3, s2  }
0x8d: {  	s2 =	sadd.s32 s2, s17  }
0x8e: {  	[smem:$0x3FC7] =	sst s2  }
0x8f: {  	_ = 	snop  }
0x90: {  	s2 =	sld [smem:$0x3FC9];
	(tm) =	ssettm $0x1  }
0x91: {  	s18 =	sld [smem:$0x3FFB];
	_ =	sdelay $0x3  }
0x92: {  	_ =	strace s18  }
0x93: {  	s3 =	sld [smem:$0x3FFC];
	_ =	sdelay $0x3  }
0x94: {  	_ =	strace s3  }
0x95: {  	s3 =	sld [smem:$0x3FFD];
	_ =	sdelay $0x3  }
0x96: {  	_ =	strace s3  }
0x97: {  	_ =	strace $0x8FFFFFFF  }
0x98: {  	s19 =	sld [smem:$0x3FDB];
	_ =	sdelay $0x1  }
0x99: {  	s4 =	simm.s32 $_scs_section_size  }
0x9a: {  	s5 =	simm.s32 $_size__tile_overlayer_lowered;
	s6 =	simm.s32 $_tile_overlayer_lowered  }
0x9b: {  	s22 =	simm.s32 $0x1BFF;
	s21 =	sshll.u32 s6, $0x1;
	s3 =	sadd.s32 s4, s19  }
0x9c: {  	s7 =	simm.s32 $0x0;
	s20 =	sshll.u32 s5, $0x1;
	s5 =	sadd.s32 s21, s3  }
0x9d: {  	[timem:s7], [sflag:s22] =	dma.local [hbm:s5], s20  }
0x9e: {  	_ =	swait.ge [sflag:s22], s20  }
0x9f: {  	s4 =	ssub.s32 $0x0, s20;
	[sflag:s22] =	ssyncset.done $0x0  }
0xa0: {  	[sflag:s22] =	ssyncadd.s32 s4;
	_ =	sdelay $0x1  }
0xa1: {  	s23 =	simm.s32 $0x1B8B  }
0xa2: {  	_ =	swait.ge [sflag:s23], $0x1  }
0xa3: {  	[sflag:s23] =	ssyncset.done $0x0  }
0xa4: {  	s25 =	simm.s32 $0x1B8E;
	s24 =	sld [smem:$0x3FFE];
	[sflag:s23] =	ssyncadd.s32 $0xFFFFFFFF  }
0xa5: {  	s26 =	simm.s32 $execute0_lowered;
	[smem:$0x3FD2] =	sst s25  }
0xa6: {  	s5 =	sshll.u32 s26, $0x1;
	_ =	strace $0x80000046;
	[dreg:$0x1] =	wrdreg $0xFFFFFFFF  }
0xa7: {  	s28 =	simm.s32 $_size_execute0_lowered;
	s3 =	sadd.s32 s3, s5;
	[dreg:$0x0] =	wrdreg $0x0  }
0xa8: {  	s5 =	sshll.u32 s28, $0x1;
	[dreg:$0x2] =	wrdreg s3  }
0xa9: {  	[dreg:$0x3] =	wrdreg s5  }
0xaa: {  	[dreg:$0x4] =	wrdreg $0xC0  }
0xab: {  	_ =	task [dreg:s7], $0x5FFFF  }
0xac: {  	[dreg:$0x1] =	wrdreg $0xFFFFFFFF  }
0xad: {  	[dreg:$0x0] =	wrdreg $0x60  }
0xae: {  	[dreg:$0x2] =	wrdreg s2  }
0xaf: {  	[dreg:$0x3] =	wrdreg s24  }
0xb0: {  	[dreg:$0x4] =	wrdreg $0x9  }
0xb1: {  	_ =	task.clear_ibuf [dreg:s7], $0x5FFFF;
	_ =	strace $0x90000046  }
0xb2: {  	s29 =	simm.s32 $0x9;
	_ =	strace $0x80000048  }
0xb3: {  	_ =	swait.ge [sflag:s29], $0x1  }
0xb4: {  	[sflag:s29] =	ssyncadd.s32 $0xFFFFFFFF  }
0xb5: {  	_ =	strace $0x90000048  }
0xb6: {  	_ =	sfence  }
0xb7: {  	s30 =	sld [smem:$0x0];
	_ =	sdelay $0x2  }
0xb8: {  	s31 =	sshll.u32 s1, $0xD;
	s1 =	sshrl.u32 s1, $0x2  }
0xb9: {  	s3 =	sand.u32 $0x4000, s31;
	s1 =	sadd.s32 s1, s30  }
0xba: {  	s0 =	sor.u32 s3, s0;
	s1 =	sshll.u32 s1, $0x11  }
0xbb: {  	s0 =	sor.u32 s1, s0  }
0xbc: {  	s0 =	sadd.s32 $0x8F2B, s0  }
0xbd: {  	[sflag:s0] =	ssyncadd.remote.s32 $0x1  }
0xbe: {  	_ =	sfence.sel $0xFFFF  }
0xbf: {  	[dreg:$0x0] =	wrdreg $0xFFFFFFFF;
	(pc) =	sbr.abs _section_cstart, $3  }
0xc0: {  	[dreg:$0x1] =	wrdreg $0xFFFFFFFF  }
0xc1: {  	_ =	task.clear_ibuf [dreg:s7], $0x2FFFF;
	_ =	strace $0x9FFFFFFF  }
0xc2: {  	(tm) =	ssettm $0x7FFFFFFF  }
0xc3: {  	_ =	shalt  }
tec
execute0_lowered:
.L_overlay_start_1:
0x0: {  	(tag) =	ssettag $0x1  }
0x1: {  	s7 =	rddreg [dreg:$0x0]  }
0x2: {  	s2 =	rddreg [dreg:$0x1]  }
0x3: {  	s0 =	rddreg [dreg:$0x2];
	s1 =	simm.s32 $0x0  }
0x4: {  	s3 =	srdreg.scid;
	s16 =	simm.s32 $0x1CE80;
	s17 =	simm.s32 $0x2  }
0x5: {  	s18 =	simm.s32 $0x1CF80;
	s19 =	simm.s32 $0x1D080;
	s20 =	simm.s32 $0x0  }
0x6: {  	[smem:$0x7FF] =	sst s1;
	s8 =	sadd.s32 $0x1200, s2;
	s9 =	sadd.s32 $0x1A00, s2  }
0x7: {  	s10 =	sadd.s32 $0x2200, s2;
	s2 =	stileid.u32;
	s3 =	sand.u32 $0x1, s3  }
0x8: {  	_ =	strace $0x80000047;
	s4 =	ssub.s32 $0x2, s3;
	s5 =	sshll.u32 s2, $0x9  }
0x9: {  	s6 =	sshrl.u32 s2, $0x1;
	s3 =	sshll.u32 s3, $0x8;
	s5 =	sand.u32 $0x200, s5  }
0xa: {  	s11 =	smul.u32 $0xC3800, s6;
	s12 =	sshrl.u32 s4, $0x1;
	s14 =	sshll.u32 s6, $0xB  }
0xb: {  	s15 =	sshll.u32 s6, $0xA;
	s13 =	sor.u32 s3, s5;
	s12 =	ssub.s32 s4, s12  }
0xc: {  	s3 =	sor.u32 s11, s13;
	s29 =	sor.u32 s14, s13;
	s6 =	sor.u32 s15, s13  }
0xd: {  	s13 =	sor.u32 $0x80, s13;
	s3 =	sshrl.u32 s3, $0x3;
	s30 =	sshrl.u32 s29, $0x3  }
0xe: {  	s6 =	sshrl.u32 s6, $0x3;
	s11 =	sor.u32 s11, s13;
	s14 =	sor.u32 s14, s13  }
0xf: {  	s13 =	sor.u32 s15, s13;
	s15 =	simm.s32 $0x18700;
	s3 =	sadd.s32 s7, s3  }
.Ltmp0:
0x10: {  	s4 =	sadd.s32 s8, s30;
	s5 =	sadd.s32 s9, s30;
	(pc) =	sbr.rel .LBB2_1-.Ltmp0, $4  }
0x11: {  	v0 =	vlaneseq.u32;
	v2 =	vimm.s32 $0x0;
	v4 =	vimm.s32 $0x1;
	s6 =	sadd.s32 s10, s6;
	s11 =	sshrl.u32 s11, $0x3;
	s14 =	sshrl.u32 s14, $0x3  }
0x12: {  	v7 =	vimm.f32 $0.0e+00;
	v1 =	vmul.u32 $0x200, v0;
	v5 =	vmul.u32 $0xFFFFFFFF, v0;
	s31 =	sshrl.u32 s13, $0x3;
	s13 =	simm.s32 $0x400;
	s7 =	sadd.s32 s7, s11  }
0x13: {  	vm0 =	vcmask $0xB08;
	vm1 =	vcmask $0x704;
	vm2 =	vcmask $0x3F04;
	s8 =	sadd.s32 s8, s14;
	s9 =	sadd.s32 s9, s14;
	s10 =	sadd.s32 s10, s31  }
0x14: {  	v6 =	vor.u32 $0x80000000, v0;
	v3 =	vor.u32 $0xB5000000, v1;
	v5 =	vadd.s32 $0xF, v5;
	s11 =	smax.u32 s12, $0x1;
	s12 =	simm.s32 $0x80;
	s14 =	simm.s32 $0x1  }
.LBB2_28:
0x15: {  	v9 =	vadd.f32 v12, v11;
	_ =	sdelay $0x1  }
0x16: {  	(xrf2) =	vadd.scan.msk.f32 $0xffff, v9;
	_ =	sdelay $0x6  }
0x17: {  	p0 =	slt.s32 s25, $0x100  }
0x18: {  	s25 =	simm.s32 @!p0 $0x100  }
0x19: {  	s21 =	scvt.s32.f32 s25  }
0x1a: {  	v9, _, _ =	vpop (xrf2)  }
0x1b: {  	v10 =	vmov s21;
	v9 =	vbroadcast v9, $0xF  }
0x1c: {  	v10 =	vnsel vm0, $0x0, v10  }
0x1d: {  	v9 =	vsel vm1, v9, v10  }
0x1e: {  	v8 =	vsel vm2, v9, v8  }
0x1f: {  	[tilespmem:$0x1D080] =	vst v8  }
0x20: {  	[hbm4b:s8+s12] =	stream.strided.scatter [tilespmem:s16], [sflag:$0x2], $0x100, s13, s12, $0x38;
	[tilespmem:$0x1D100] =	vst v63  }
0x21: {  	_ =	swait.ge [sflag:s17], $0x100  }
0x22: {  	[sflag:s17] =	ssyncset.done $0x0  }
0x23: {  	[sflag:s17] =	ssyncadd.s32 $0xFFFFFF00  }
0x24: {  	[hbm4b:s9+s12] =	stream.strided.scatter [tilespmem:s18], [sflag:$0x2], $0x100, s13, s12, $0x38;
	[tilespmem:$0x1D100] =	vst v63  }
0x25: {  	s20 =	sadd.s32 $0x1, s20;
	_ =	swait.ge [sflag:s17], $0x100  }
0x26: {  	p0 =	sne.s32 s20, s11;
	[sflag:s17] =	ssyncset.done $0x0  }
.Ltmp1:
0x27: {  	[sflag:s17] =	ssyncadd.s32 $0xFFFFFF00;
	(pc) =	sbr.rel @!p0 .LBB2_29-.Ltmp1, $4  }
0x28: {  	[hbm4b:s10+s1] =	stream.linear.scatter [tilespmem:s19], [sflag:$0x2], $0x80, $0x38;
	[tilespmem:$0x1D100] =	vst v63  }
0x29: {  	_ =	swait.ge [sflag:s17], $0x80  }
0x2a: {  	[sflag:s17] =	ssyncset.done $0x0  }
0x2b: {  	[sflag:s17] =	ssyncadd.s32 $0xFFFFFF80  }
.LBB2_1:
0x2c: {  	[tilespmem:s1], [sflag:$0x1] =	stream.strided.gather [hbm4b:s3+s12], $0x18700, s13, s12, $0x38;
	[tilespmem:$0x1D100] =	vst v63  }
0x2d: {  	_ =	swait.ge [sflag:s14], $0x18700  }
0x2e: {  	[sflag:s14] =	ssyncset.done $0x0  }
0x2f: {  	s22 =	simm.s32 $0x50;
	[sflag:s14] =	ssyncadd.s32 $0xFFFE7900  }
0x30: {  	v13 =	vld [tilespmem:s22+$0xFFFFFFC0]  }
0x31: {  	v15 =	vld [tilespmem:s22+$0xFFFFFFB0]  }
0x32: {  	p1 =	por $0x0, $0x0;
	v16 =	vld [tilespmem:s22+$0xFFFFFFD0]  }
.Ltmp2:
0x33: {  	v11 =	vld [tilespmem:s22+$0xFFFFFFE0];
	(pc) =	sbr.rel @p1 .LBB2_2-.Ltmp2, $4  }
0x34: {  	v10 =	vld [tilespmem:s22+$0xFFFFFFF0]  }
0x35: {  	v12 =	vld [tilespmem:s22+$0x0]  }
0x36: {  	v8 =	vimm.f32 $-Inf;
	v17 =	vimm.f32 $+Inf;
	s21 =	simm.s32 $0x1A700;
	v14 =	vld [tilespmem:s22+$0x10]  }
0x37: {  	s25 =	sand.u32 $0x3FFE0, s1;
	s23 =	simm.s32 $0xA0;
	p0 =	por $0x0, $0x0;
	v9 =	vld [tilespmem:s22+$0x20];
	v18 =	vmin.f32 v17, v13;
	v20 =	vmin.f32 v17, v15;
	v19 =	vmin.f32 v17, v16  }
0x38: {  	v21 =	vld [tilespmem:s25+$0x80]  }
0x39: {  	v22 =	vld [tilespmem:s22+$0x40];
	_ =	sdelay $0x1  }
0x3a: {  	v13 =	vmax.f32 v15, v13  }
0x3b: {  	v15 =	vmax.f32 v16, v11;
	v16 =	vmax.f32 v10, v12;
	v23 =	vmax.f32 v14, v9  }
0x3c: {  	v13 =	vmax.f32 v13, v15;
	v15 =	vmax.f32 v16, v23  }
0x3d: {  	v16 =	vmax.f32 v21, v22;
	v13 =	vmax.f32 v13, v15  }
0x3e: {  	v23 =	vmax.f32 v13, v16  }
0x3f: {  	s22 =	simm.s32 $0xF0;
	[tilespmem:s21+$0x0] =	vst v23  }
0x40: {  	v13 =	vld [tilespmem:s22+$0xFFFFFFC0]  }
0x41: {  	v15 =	vld [tilespmem:s22+$0xFFFFFFB0]  }
0x42: {  	p1 =	por $0x0, $0x0;
	v16 =	vld [tilespmem:s22+$0xFFFFFFD0]  }
.Ltmp3:
0x43: {  	v17 =	vmin.f32 v17, v11;
	v11 =	vld [tilespmem:s22+$0xFFFFFFE0];
	(pc) =	sbr.rel @p1 .LBB2_4-.Ltmp3, $4  }
0x44: {  	v20 =	vmin.f32 v20, v10;
	v10 =	vld [tilespmem:s22+$0xFFFFFFF0]  }
0x45: {  	v18 =	vmin.f32 v18, v12;
	v19 =	vmin.f32 v19, v14;
	v17 =	vmin.f32 v17, v9;
	v12 =	vld [tilespmem:s22+$0x0]  }
0x46: {  	s25 =	sand.u32 $0x3FFE0, s23;
	v20 =	vmin.f32 v20, v21;
	v18 =	vmin.f32 v18, v22;
	v8 =	vmax.f32 v8, v23;
	v14 =	vld [tilespmem:s22+$0x10]  }
0x47: {  	s24 =	simm.s32 $0x140;
	p0 =	por $0x1, $0x1;
	s23 =	simm.s32 $0x1A700;
	v9 =	vld [tilespmem:s22+$0x20];
	v18 =	vmin.f32 v18, v13;
	v20 =	vmin.f32 v20, v15;
	v19 =	vmin.f32 v19, v16  }
.LBB2_5:
0x48: {  	p1 =	seq.s32 s24, $0x18600;
	v21 =	vld [tilespmem:s25+$0x80];
	v17 =	vmin.f32 v17, v11  }
0x49: {  	v22 =	vld [tilespmem:s22+$0x40];
	v20 =	vmin.f32 v20, v10  }
0x4a: {  	v18 =	vmin.f32 v18, v12  }
0x4b: {  	v13 =	vmax.f32 v15, v13;
	v19 =	vmin.f32 v19, v14  }
0x4c: {  	v11 =	vmax.f32 v16, v11;
	v10 =	vmax.f32 v10, v12;
	v12 =	vmax.f32 v14, v9  }
0x4d: {  	v11 =	vmax.f32 v13, v11;
	v10 =	vmax.f32 v10, v12;
	v20 =	vmin.f32 v20, v21  }
0x4e: {  	v12 =	vmax.f32 v21, v22;
	v10 =	vmax.f32 v11, v10;
	v14 =	vmin.f32 v18, v22  }
0x4f: {  	s23 =	sadd.s32 $0x10, s23;
	v17 =	vmin.f32 v17, v9;
	v10 =	vmax.f32 v10, v12  }
0x50: {  	s22 =	sadd.s32 $0xA0, s22;
	[tilespmem:s23+$0x0] =	vst v10;
	v8 =	vmax.f32 v8, v10  }
0x51: {  	v13 =	vld [tilespmem:s22+$0xFFFFFFC0]  }
0x52: {  	v15 =	vld [tilespmem:s22+$0xFFFFFFB0]  }
0x53: {  	v16 =	vld [tilespmem:s22+$0xFFFFFFD0]  }
.Ltmp4:
0x54: {  	v11 =	vld [tilespmem:s22+$0xFFFFFFE0];
	(pc) =	sbr.rel @!p1 .LBB2_5-.Ltmp4, $4  }
0x55: {  	v10 =	vld [tilespmem:s22+$0xFFFFFFF0]  }
0x56: {  	v12 =	vld [tilespmem:s22+$0x0];
	v18 =	vmin.f32 v14, v13  }
0x57: {  	v14 =	vld [tilespmem:s22+$0x10];
	v20 =	vmin.f32 v20, v15  }
0x58: {  	s25 =	sand.u32 $0x3FFE0, s24;
	s24 =	sadd.s32 $0xA0, s24;
	v9 =	vld [tilespmem:s22+$0x20];
	v19 =	vmin.f32 v19, v16  }
.LBB2_6:
0x59: {  	v21 =	vld [tilespmem:s25+$0x80]  }
0x5a: {  	v22 =	vld [tilespmem:s22+$0x40];
	_ =	sdelay $0x1  }
0x5b: {  	v17 =	vmin.f32 v17, v11;
	v13 =	vmax.f32 v15, v13  }
0x5c: {  	v11 =	vmax.f32 v16, v11;
	v15 =	vmax.f32 v10, v12;
	v63 =	vmax.f32 v14, v9  }
0x5d: {  	v20 =	vmin.f32 v20, v10;
	v10 =	vmax.f32 v13, v11;
	v11 =	vmax.f32 v15, v63  }
0x5e: {  	s22 =	sadd.s32 @p0 $0x10, s23;
	v12 =	vmin.f32 v18, v12;
	v13 =	vmax.f32 v21, v22;
	v15 =	vmax.f32 v10, v11  }
0x5f: {  	s21 =	smov.u32 @p0 s22;
	v9 =	vmin.f32 v17, v9;
	v12 =	vmin.f32 v12, v22;
	v13 =	vmax.f32 v15, v13  }
0x60: {  	s22 =	simm.s32 $0x400;
	v10 =	vmin.f32 v19, v14;
	v11 =	vmin.f32 v20, v21;
	[tilespmem:s21+$0x0] =	vst v13;
	v8 =	vmax.f32 v8, v13;
	s21 =	simm.s32 $0x0  }
.LBB2_7:
0x61: {  	p0 =	seq.s32 s22, $0x7C00;
	[tilespmem:s21+$0x187F0] =	vst v2  }
0x62: {  	[tilespmem:s21+$0x18700] =	vst v2  }
0x63: {  	[tilespmem:s21+$0x18710] =	vst v2  }
0x64: {  	[tilespmem:s21+$0x18720] =	vst v2  }
0x65: {  	[tilespmem:s21+$0x18730] =	vst v2  }
0x66: {  	[tilespmem:s21+$0x18740] =	vst v2  }
0x67: {  	[tilespmem:s21+$0x18750] =	vst v2  }
0x68: {  	[tilespmem:s21+$0x18760] =	vst v2  }
0x69: {  	[tilespmem:s21+$0x18770] =	vst v2  }
0x6a: {  	[tilespmem:s21+$0x18780] =	vst v2  }
0x6b: {  	[tilespmem:s21+$0x18790] =	vst v2  }
.Ltmp5:
0x6c: {  	[tilespmem:s21+$0x187A0] =	vst v2;
	(pc) =	sbr.rel @!p0 .LBB2_7-.Ltmp5, $4  }
0x6d: {  	[tilespmem:s21+$0x187B0] =	vst v2  }
0x6e: {  	[tilespmem:s21+$0x187C0] =	vst v2  }
0x6f: {  	[tilespmem:s21+$0x187D0] =	vst v2  }
0x70: {  	[tilespmem:s21+$0x187E0] =	vst v2;
	s21 =	sshra.s32 s22, $0x2;
	s22 =	sadd.s32 $0x400, s22  }
0x71: {  	v11 =	vmin.f32 v11, v12;
	v9 =	vmin.f32 v10, v9  }
0x72: {  	(xrf0) =	vmax.scan.msk.f32 $0xffff, v8;
	v8 =	vmin.f32 v11, v9  }
0x73: {  	(xrf0) =	vmin.scan.msk.f32 $0xffff, v8;
	_ =	sdelay $0x4  }
0x74: {  	v8, _, _ =	vpop (xrf0)  }
0x75: {  	(v2sf) =	vpush v8, $0xF;
	v10, _, _ =	vpop (xrf0)  }
0x76: {  	(v2sf) =	vpush v10, $0xF  }
0x77: {  	[tilespmem:s21+$0x187F0] =	vst v2  }
0x78: {  	[tilespmem:s21+$0x18700] =	vst v2  }
0x79: {  	[tilespmem:s21+$0x18710] =	vst v2  }
0x7a: {  	[tilespmem:s21+$0x18720] =	vst v2  }
0x7b: {  	[tilespmem:s21+$0x18730] =	vst v2  }
0x7c: {  	[tilespmem:s21+$0x18740] =	vst v2  }
0x7d: {  	[tilespmem:s21+$0x18750] =	vst v2  }
0x7e: {  	[tilespmem:s21+$0x18760] =	vst v2  }
0x7f: {  	[tilespmem:s21+$0x18770] =	vst v2  }
0x80: {  	[tilespmem:s21+$0x18780] =	vst v2  }
0x81: {  	[tilespmem:s21+$0x18790] =	vst v2  }
0x82: {  	[tilespmem:s21+$0x187A0] =	vst v2  }
0x83: {  	[tilespmem:s21+$0x187B0] =	vst v2  }
0x84: {  	[tilespmem:s21+$0x187C0] =	vst v2;
	s31 =	spop (v2sf)  }
0x85: {  	[tilespmem:s21+$0x187D0] =	vst v2;
	s22 =	spop (v2sf)  }
0x86: {  	[tilespmem:s21+$0x187E0] =	vst v2;
	s21 =	ssub.f32 s31, s22;
	_ =	sdelay $0x1  }
0x87: {  	v9 =	vmov s21  }
0x88: {  	v9 =	vmax.f32 v9, $1.000000000e-30  }
0x89: {  	v9 =	vbroadcast v9, $0x0;
	_ =	sdelay $0x1  }
0x8a: {  	(erf) = vrcp.f32 v9;
	_ =	sdelay $0x2  }
0x8b: {  	s22 =	simm.s32 $0x50  }
0x8c: {  	v11 =	vld [tilespmem:s22+$0xFFFFFFE0]  }
0x8d: {  	v13 =	vld [tilespmem:s22+$0xFFFFFFB0]  }
0x8e: {  	v19 =	vld [tilespmem:s22+$0xFFFFFFD0]  }
0x8f: {  	v10 =	vbroadcast v10, $0xF  }
0x90: {  	v8 =	vbroadcast v8, $0xF  }
0x91: {  	v16 =	vld [tilespmem:s22+$0xFFFFFFF0];
	v22 =	vsub.f32 v11, v10;
	v9 =	vpop (erf)  }
0x92: {  	v15 =	vld [tilespmem:s22+$0x0];
	v18 =	vsub.f32 v11, v8;
	v17 =	vsub.f32 v13, v10;
	v9 =	vmul.f32 $5.100000000e+02, v9  }
0x93: {  	v12 =	vimm.f32 $0.0e+00;
	s24 =	simm.s32 $0xA0;
	v14 =	vld [tilespmem:s22+$0xFFFFFFC0];
	v20 =	vsub.f32 v13, v8;
	v21 =	vsub.f32 v19, v10  }
0x94: {  	s23 =	simm.s32 $0x50;
	s25 =	simm.s32 $0x0;
	s21 =	simm.s32 $0x0;
	v13 =	vld [tilespmem:s22+$0x10];
	v19 =	vsub.f32 v19, v8;
	v11 =	vimm.f32 $0.0e+00;
	v22 =	vmul.f32 v22, v9  }
.LBB2_9:
0x95: {  	p0 =	sne.s32 s24, $0x18600  }
0x96: {  	v20 =	vmul.f32 $1.442695020e+00, v20;
	v18 =	vmul.f32 $1.442695020e+00, v18;
	v23 =	vsub.f32 v16, v8;
	s22 =	sadd.s32 $0xA0, s22;
	s26 =	smov.u32 s24;
	s24 =	sadd.s32 $0xA0, s24  }
0x97: {  	v21 =	vmul.f32 v21, v9;
	v22 =	vadd.f32 $8.388608000e+06, v22;
	v19 =	vmul.f32 $1.442695020e+00, v19  }
0x98: {  	v25 =	vsub.f32 v15, v8;
	v24 =	vsub.f32 v14, v8;
	v23 =	vmul.f32 $1.442695020e+00, v23  }
0x99: {  	v15 =	vsub.f32 v15, v10;
	v26 =	vld [tilespmem:s23+$0x20];
	v21 =	vadd.f32 $8.388608000e+06, v21;
	(erf) = vpow2.f32 v20  }
0x9a: {  	s28 =	sand.u32 $0x3FFE0, s25;
	v16 =	vsub.f32 v16, v10;
	s25 =	smov.u32 s26;
	v20 =	vmul.f32 $1.442695020e+00, v24;
	(erf) = vpow2.f32 v23  }
0x9b: {  	v14 =	vsub.f32 v14, v10;
	v24 =	vmul.f32 $1.442695020e+00, v25;
	v25 =	vsub.f32 v13, v8;
	v23 =	vld [tilespmem:s28+$0x80]  }
0x9c: {  	v15 =	vmul.f32 v15, v9;
	v13 =	vsub.f32 v13, v10;
	(erf) = vpow2.f32 v18  }
0x9d: {  	v16 =	vmul.f32 v16, v9;
	v18 =	vadd.s32 v3, v21;
	(erf) = vpow2.f32 v19  }
0x9e: {  	v17 =	vmul.f32 v17, v9;
	v15 =	vadd.f32 $8.388608000e+06, v15;
	v13 =	vmul.f32 v13, v9  }
0x9f: {  	v14 =	vmul.f32 v14, v9;
	v16 =	vadd.f32 $8.388608000e+06, v16;
	v19 =	vsub.f32 v26, v8  }
0xa0: {  	v25 =	vmul.f32 $1.442695020e+00, v25;
	v13 =	vadd.f32 $8.388608000e+06, v13;
	v21 =	vld [tilespmem:s23+$0x40];
	v27 =	vsub.f32 v23, v8;
	s23 =	smov.u32 s22  }
0xa1: {  	v17 =	vadd.f32 $8.388608000e+06, v17;
	v29 =	vsub.f32 v26, v10;
	v19 =	vmul.f32 $1.442695020e+00, v19  }
0xa2: {  	v14 =	vadd.f32 $8.388608000e+06, v14;
	v23 =	vsub.f32 v23, v10;
	v28 =	vpop (erf);
	(erf) = vpow2.f32 v20  }
0xa3: {  	v17 =	vadd.s32 v3, v17;
	v20 =	vmul.f32 v29, v9;
	v26 =	vpop (erf);
	(erf) = vpow2.f32 v19  }
0xa4: {  	v14 =	vadd.s32 v3, v14;
	v19 =	vmul.f32 v23, v9;
	(erf) = vpow2.f32 v24  }
0xa5: {  	v22 =	vadd.s32 v3, v22;
	v20 =	vadd.f32 $8.388608000e+06, v20;
	v23 =	vsub.f32 v21, v10;
	v24 =	vpop (erf)  }
0xa6: {  	v27 =	vmul.f32 $1.442695020e+00, v27;
	v12 =	vadd.f32 v28, v12;
	v28 =	vpop (erf);
	(erf) = vpow2.f32 v25  }
0xa7: {  	v16 =	vadd.s32 v3, v16;
	v21 =	vsub.f32 v21, v8;
	v23 =	vmul.f32 v23, v9  }
0xa8: {  	v15 =	vadd.s32 v3, v15;
	v12 =	vadd.f32 v28, v12;
	[tilespmem:v17+s15+$0x0] =	vst.idx.add.s32.msk $0xffff, v4;
	(erf) = vpow2.f32 v27  }
0xa9: {  	v13 =	vadd.s32 v3, v13;
	v17 =	vadd.f32 $8.388608000e+06, v19;
	v19 =	vmul.f32 $1.442695020e+00, v21;
	[tilespmem:v14+s15+$0x0] =	vst.idx.add.s32.msk $0xffff, v4  }
0xaa: {  	v14 =	vadd.s32 v3, v20;
	v20 =	vadd.f32 $8.388608000e+06, v23;
	v12 =	vadd.f32 v26, v12;
	[tilespmem:v18+s15+$0x0] =	vst.idx.add.s32.msk $0xffff, v4  }
0xab: {  	v17 =	vadd.s32 v3, v17;
	[tilespmem:v22+s15+$0x0] =	vst.idx.add.s32.msk $0xffff, v4;
	v18 =	vpop (erf);
	(erf) = vpow2.f32 v19  }
0xac: {  	v19 =	vadd.s32 v3, v20;
	v11 =	vadd.f32 v18, v11;
	[tilespmem:v16+s15+$0x0] =	vst.idx.add.s32.msk $0xffff, v4;
	v16 =	vpop (erf)  }
0xad: {  	[tilespmem:v15+s15+$0x0] =	vst.idx.add.s32.msk $0xffff, v4;
	v15 =	vpop (erf)  }
0xae: {  	v11 =	vadd.f32 v24, v11;
	[tilespmem:v13+s15+$0x0] =	vst.idx.add.s32.msk $0xffff, v4  }
0xaf: {  	[tilespmem:v14+s15+$0x0] =	vst.idx.add.s32.msk $0xffff, v4;
	v13 =	vpop (erf)  }
0xb0: {  	v11 =	vadd.f32 v15, v11;
	v12 =	vadd.f32 v13, v12;
	[tilespmem:v17+s15+$0x0] =	vst.idx.add.s32.msk $0xffff, v4  }
0xb1: {  	[tilespmem:v19+s15+$0x0] =	vst.idx.add.s32.msk $0xffff, v4;
	v13 =	vpop (erf)  }
0xb2: {  	v17 =	vld [tilespmem:s22+$0xFFFFFFE0];
	v11 =	vadd.f32 v16, v11;
	v12 =	vadd.f32 v13, v12  }
0xb3: {  	v19 =	vld [tilespmem:s22+$0xFFFFFFB0]  }
0xb4: {  	v23 =	vld [tilespmem:s22+$0xFFFFFFD0];
	v13 =	vpop (erf)  }
.Ltmp6:
0xb5: {  	v16 =	vld [tilespmem:s22+$0xFFFFFFF0];
	v11 =	vadd.f32 v13, v11;
	(pc) =	sbr.rel @p0 .LBB2_9-.Ltmp6, $4  }
0xb6: {  	v15 =	vld [tilespmem:s22+$0x0]  }
0xb7: {  	v14 =	vld [tilespmem:s22+$0xFFFFFFC0];
	v22 =	vsub.f32 v17, v10;
	v18 =	vsub.f32 v17, v8  }
0xb8: {  	v13 =	vld [tilespmem:s22+$0x10];
	v17 =	vsub.f32 v19, v10;
	v20 =	vsub.f32 v19, v8  }
0xb9: {  	v21 =	vsub.f32 v23, v10;
	v22 =	vmul.f32 v22, v9;
	v19 =	vsub.f32 v23, v8  }
0xba: {  	_ =	sdelay $0x1  }
0xbb: {  	v23 =	vsub.f32 v14, v10  }
0xbc: {  	v24 =	vld [tilespmem:s23+$0x20];
	s22 =	sand.u32 $0x3FFE0, s25;
	v25 =	vmul.f32 v17, v9;
	v28 =	vsub.f32 v16, v10  }
0xbd: {  	v21 =	vmul.f32 v21, v9;
	v26 =	vsub.f32 v15, v10;
	v27 =	vld [tilespmem:s22+$0x80];
	v23 =	vmul.f32 v23, v9  }
0xbe: {  	v17 =	vld [tilespmem:s23+$0x40];
	v22 =	vadd.f32 $8.388608000e+06, v22;
	v25 =	vadd.f32 $8.388608000e+06, v25;
	v28 =	vmul.f32 v28, v9  }
0xbf: {  	v21 =	vadd.f32 $8.388608000e+06, v21;
	v26 =	vmul.f32 v26, v9;
	v23 =	vadd.f32 $8.388608000e+06, v23  }
0xc0: {  	v29 =	vsub.f32 v13, v10;
	v22 =	vadd.s32 v3, v22;
	v25 =	vadd.s32 v3, v25  }
0xc1: {  	v28 =	vadd.f32 $8.388608000e+06, v28;
	v30 =	vsub.f32 v24, v10;
	v23 =	vadd.s32 v3, v23  }
0xc2: {  	v21 =	vadd.s32 v3, v21;
	v29 =	vmul.f32 v29, v9;
	v31 =	vsub.f32 v27, v10  }
0xc3: {  	v26 =	vadd.f32 $8.388608000e+06, v26;
	v32 =	vsub.f32 v17, v10;
	v30 =	vmul.f32 v30, v9  }
0xc4: {  	v28 =	vadd.s32 v3, v28;
	v29 =	vadd.f32 $8.388608000e+06, v29;
	v31 =	vmul.f32 v31, v9  }
0xc5: {  	v55 =	vmul.f32 v32, v9;
	v26 =	vadd.s32 v3, v26;
	[tilespmem:v25+s15+$0x0] =	vst.idx.add.s32.msk $0xffff, v4;
	v54 =	vadd.f32 $8.388608000e+06, v30  }
0xc6: {  	v56 =	vadd.s32 v3, v29;
	v57 =	vadd.f32 $8.388608000e+06, v31;
	[tilespmem:v23+s15+$0x0] =	vst.idx.add.s32.msk $0xffff, v4  }
0xc7: {  	v59 =	vadd.f32 $8.388608000e+06, v55;
	v58 =	vadd.s32 v3, v54;
	[tilespmem:v21+s15+$0x0] =	vst.idx.add.s32.msk $0xffff, v4  }
0xc8: {  	v29 =	vadd.s32 v3, v57;
	[tilespmem:v22+s15+$0x0] =	vst.idx.add.s32.msk $0xffff, v4  }
0xc9: {  	v60 =	vadd.s32 v3, v59;
	[tilespmem:v28+s15+$0x0] =	vst.idx.add.s32.msk $0xffff, v4  }
0xca: {  	[tilespmem:v26+s15+$0x0] =	vst.idx.add.s32.msk $0xffff, v4  }
0xcb: {  	[tilespmem:v56+s15+$0x0] =	vst.idx.add.s32.msk $0xffff, v4  }
0xcc: {  	[tilespmem:v58+s15+$0x0] =	vst.idx.add.s32.msk $0xffff, v4  }
0xcd: {  	[tilespmem:v29+s15+$0x0] =	vst.idx.add.s32.msk $0xffff, v4  }
0xce: {  	s26 =	simm.s32 $0x198F0;
	[tilespmem:v60+s15+$0x0] =	vst.idx.add.s32.msk $0xffff, v4  }
0xcf: {  	v21 =	vld [tilespmem:s26+$0xFFFFF000]  }
0xd0: {  	v22 =	vld [tilespmem:s26+$0xFFFFF200]  }
0xd1: {  	v23 =	vld [tilespmem:s26+$0xFFFFF400]  }
0xd2: {  	v61 =	vld [tilespmem:s26+$0xFFFFF600]  }
0xd3: {  	v26 =	vld [tilespmem:s26+$0xFFFFF800]  }
0xd4: {  	v28 =	vld [tilespmem:s26+$0xFFFFFA00]  }
0xd5: {  	v29 =	vld [tilespmem:s26+$0xFFFFFC00];
	v21 =	vadd.s32 v21, v22  }
0xd6: {  	v62 =	vld [tilespmem:s26+$0xFFFFFE00];
	v21 =	vadd.s32 v23, v21  }
0xd7: {  	v63 =	vld [tilespmem:s26+$0x0];
	v21 =	vadd.s32 v61, v21  }
0xd8: {  	v32 =	vld [tilespmem:s26+$0x200];
	v21 =	vadd.s32 v26, v21  }
0xd9: {  	v33 =	vld [tilespmem:s26+$0x400];
	v21 =	vadd.s32 v28, v21  }
0xda: {  	v34 =	vld [tilespmem:s26+$0x600];
	v21 =	vadd.s32 v29, v21  }
0xdb: {  	v35 =	vld [tilespmem:s26+$0x800];
	v21 =	vadd.s32 v62, v21  }
0xdc: {  	v36 =	vld [tilespmem:s26+$0xA00];
	v21 =	vadd.s32 v63, v21  }
0xdd: {  	v37 =	vld [tilespmem:s26+$0xC00];
	v21 =	vadd.s32 v32, v21  }
0xde: {  	s28 =	simm.s32 $0x198E0;
	v38 =	vld [tilespmem:s26+$0xE00];
	v21 =	vadd.s32 v33, v21  }
0xdf: {  	v39 =	vld [tilespmem:s28+$0xFFFFF000];
	v21 =	vadd.s32 v34, v21  }
0xe0: {  	v40 =	vld [tilespmem:s28+$0xFFFFF200];
	v21 =	vadd.s32 v35, v21  }
0xe1: {  	v41 =	vld [tilespmem:s28+$0xFFFFF400];
	v21 =	vadd.s32 v36, v21  }
0xe2: {  	v42 =	vld [tilespmem:s28+$0xFFFFF600];
	v21 =	vadd.s32 v37, v21  }
0xe3: {  	v43 =	vld [tilespmem:s28+$0xFFFFF800];
	v21 =	vadd.s32 v38, v21  }
0xe4: {  	v20 =	vmul.f32 $1.442695020e+00, v20;
	v16 =	vsub.f32 v16, v8;
	v44 =	vld [tilespmem:s28+$0xFFFFFA00];
	v45 =	vperm.xlane v21, v5  }
0xe5: {  	v46 =	vld [tilespmem:s28+$0xFFFFFC00];
	v26 =	vadd.s32 v39, v40  }
0xe6: {  	(erf) = vpow2.f32 v20;
	v16 =	vmul.f32 $1.442695020e+00, v16;
	v47 =	vld [tilespmem:s28+$0xFFFFFE00];
	v20 =	vadd.s32 v41, v26;
	(xrf0) =	vadd.scan.msk.s32 $0xffff, v45  }
0xe7: {  	v14 =	vsub.f32 v14, v8;
	v48 =	vld [tilespmem:s28+$0x0];
	v20 =	vadd.s32 v42, v20;
	(xrf0) =	vadd.scan.msk.s32 $0xffff, v21  }
0xe8: {  	v18 =	vmul.f32 $1.442695020e+00, v18;
	(erf) = vpow2.f32 v16;
	v16 =	vadd.s32 v43, v20;
	v20 =	vld [tilespmem:s28+$0x200]  }
0xe9: {  	v19 =	vmul.f32 $1.442695020e+00, v19;
	v14 =	vmul.f32 $1.442695020e+00, v14;
	v16 =	vadd.s32 v44, v16  }
0xea: {  	v49 =	vsub.f32 v24, v8;
	(erf) = vpow2.f32 v18;
	v50 =	vld [tilespmem:s28+$0x400];
	v16 =	vadd.s32 v46, v16  }
0xeb: {  	v15 =	vsub.f32 v15, v8;
	(erf) = vpow2.f32 v19;
	v18 =	vld [tilespmem:s28+$0x600];
	v16 =	vadd.s32 v47, v16  }
0xec: {  	v19 =	vmul.f32 $1.442695020e+00, v49;
	(erf) = vpow2.f32 v14;
	v51 =	vld [tilespmem:s28+$0x800];
	v14 =	vadd.s32 v48, v16;
	v52, _, _ =	vpop (xrf0)  }
0xed: {  	v13 =	vsub.f32 v13, v8;
	v16 =	vld [tilespmem:s28+$0xA00];
	v14 =	vadd.s32 v20, v14;
	v20, _, _ =	vpop (xrf0)  }
0xee: {  	v15 =	vmul.f32 $1.442695020e+00, v15;
	(erf) = vpow2.f32 v19;
	v19 =	vld [tilespmem:s28+$0xC00];
	(v2sf) =	vpush v20, $0xF  }
0xef: {  	v13 =	vmul.f32 $1.442695020e+00, v13;
	v17 =	vsub.f32 v17, v8;
	v14 =	vadd.s32 v50, v14  }
0xf0: {  	v53 =	vsub.f32 v27, v8;
	(erf) = vpow2.f32 v15;
	v15 =	vld [tilespmem:s28+$0xE00];
	v14 =	vadd.s32 v18, v14  }
0xf1: {  	s29 =	simm.s32 $0x198D0;
	(erf) = vpow2.f32 v13;
	v14 =	vadd.s32 v51, v14;
	v18 =	vperm.xlane v52, v5  }
0xf2: {  	v17 =	vmul.f32 $1.442695020e+00, v17;
	v55 =	vpop (erf);
	v13 =	vld [tilespmem:s29+$0xFFFFF000];
	v14 =	vadd.s32 v16, v14;
	v20 =	vmul.f32 $1.442695020e+00, v53  }
0xf3: {  	s30 =	simm.s32 $0x1F0;
	v12 =	vadd.f32 v55, v12;
	v54 =	vld [tilespmem:s29+$0xFFFFF200];
	v14 =	vadd.s32 v19, v14;
	v18 =	vadd.s32 s21, v18  }
0xf4: {  	v16 =	vpop (erf);
	(erf) = vpow2.f32 v20;
	v20 =	vld [tilespmem:s29+$0xFFFFF400];
	vm3 =	vgt.s32 v18, $0x31;
	v18 =	vor.u32 s30, v6  }
0xf5: {  	v56 =	vld [tilespmem:s29+$0xFFFFF600];
	v19 =	vpop (erf);
	v14 =	vadd.s32 v15, v14;
	(erf) = vpow2.f32 v17;
	v17 =	vnsel vm3, $0x7FFFFFFF, v18  }
0xf6: {  	v57 =	vld [tilespmem:s29+$0xFFFFF800];
	v15 =	vpop (erf);
	v58 =	vperm.xlane v14, v5;
	(xrf0) =	vmax.scan.msk.u32 $0xffff, v17  }
0xf7: {  	v59 =	vpop (erf);
	v12 =	vadd.f32 v15, v12;
	v18 =	vld [tilespmem:s29+$0xFFFFFA00]  }
0xf8: {  	v13 =	vadd.s32 v13, v54;
	v11 =	vadd.f32 v59, v11;
	v15 =	vpop (erf);
	v17 =	vld [tilespmem:s29+$0xFFFFFC00];
	(xrf0) =	vadd.scan.msk.s32 $0xffff, v58  }
0xf9: {  	v61 =	vpop (erf);
	v12 =	vadd.f32 v16, v12;
	v13 =	vadd.s32 v20, v13;
	v20 =	vld [tilespmem:s29+$0xFFFFFE00]  }
0xfa: {  	v60 =	vld [tilespmem:s29+$0x0];
	v11 =	vadd.f32 v19, v11;
	v16 =	vpop (erf);
	v13 =	vadd.s32 v56, v13  }
0xfb: {  	v12 =	vadd.f32 v16, v12;
	(xrf0) =	vadd.scan.msk.s32 $0xffff, v14;
	v14 =	vld [tilespmem:s29+$0x200];
	v13 =	vadd.s32 v57, v13  }
0xfc: {  	v11 =	vadd.f32 v61, v11;
	v13 =	vadd.s32 v18, v13;
	v18 =	vld [tilespmem:s29+$0x400];
	v16, _, _ =	vpop (xrf0)  }
0xfd: {  	v19 =	vpop (erf);
	v13 =	vadd.s32 v17, v13;
	v17 =	vld [tilespmem:s29+$0x600];
	s31 =	spop (v2sf);
	(v2sf) =	vpush v16, $0xF  }
0xfe: {  	v15 =	vadd.f32 v15, v11;
	v62, _, _ =	vpop (xrf0);
	v13 =	vadd.s32 v20, v13;
	v20 =	vld [tilespmem:s29+$0x800]  }
0xff: {  	v11 =	vadd.f32 v19, v12;
	v12 =	vpop (erf);
	v21 =	vadd.s32 v60, v13;
	v13 =	vld [tilespmem:s29+$0xA00]  }
0x100: {  	v63 =	vperm.xlane v62, v5;
	v12 =	vadd.f32 v12, v15;
	v15 =	vld [tilespmem:s29+$0xE00];
	v19 =	vadd.s32 v14, v21  }
0x101: {  	s25 =	simm.s32 $0x198C0;
	v14 =	vld [tilespmem:s29+$0xC00];
	v16, _, _ =	vpop (xrf0);
	v18 =	vadd.s32 v18, v19;
	s23 =	sadd.s32 $0x0, s31  }
0x102: {  	s24 =	simm.s32 $0x1D0;
	s28 =	simm.s32 $0x1E0;
	(v2sf) =	vpush v16, $0xF;
	v16 =	vld [tilespmem:s25+$0xFFFFF000];
	v18 =	vadd.s32 v17, v18;
	v21 =	vadd.s32 s23, v63  }
0x103: {  	s22 =	simm.s32 $0x1C0;
	s26 =	simm.s32 $0x1B0;
	s21 =	simm.s32 $0xFFFFFFFF;
	v17 =	vld [tilespmem:s25+$0xFFFFF200];
	v19 =	vadd.s32 v20, v18;
	v18 =	vor.u32 s28, v6;
	vm3 =	vgt.s32 v21, $0x31  }
.LBB2_11:
0x104: {  	s28 =	smov.u32 s21  }
0x105: {  	p0 =	sne.s32 s26, $0x0;
	v13 =	vadd.s32 v13, v19;
	v18 =	vnsel vm3, $0x7FFFFFFF, v18;
	v20 =	vld [tilespmem:s25+$0xFFFFF400]  }
0x106: {  	v13 =	vadd.s32 v14, v13;
	v19 =	vld [tilespmem:s25+$0xFFFFF600];
	(xrf0) =	vmax.scan.msk.u32 $0xffff, v18  }
0x107: {  	v13 =	vadd.s32 v15, v13;
	v14 =	vld [tilespmem:s25+$0xFFFFF800]  }
0x108: {  	v18 =	vperm.xlane v13, v5;
	v15 =	vld [tilespmem:s25+$0xFFFFFA00]  }
0x109: {  	v16 =	vadd.s32 v16, v17;
	v17 =	vld [tilespmem:s25+$0xFFFFFC00]  }
0x10a: {  	v21 =	vadd.s32 v20, v16;
	v20 =	vld [tilespmem:s25+$0xFFFFFE00];
	(xrf0) =	vadd.scan.msk.s32 $0xffff, v18  }
0x10b: {  	v19 =	vadd.s32 v19, v21;
	v18 =	vld [tilespmem:s25+$0x0];
	(xrf0) =	vadd.scan.msk.s32 $0xffff, v13  }
0x10c: {  	v13 =	vadd.s32 v14, v19;
	v14 =	vld [tilespmem:s25+$0x200];
	v16, _, _ =	vpop (xrf0);
	s21 =	spop (v2sf)  }
0x10d: {  	v13 =	vadd.s32 v15, v13;
	v15 =	vld [tilespmem:s25+$0x400];
	(v2sf) =	vpush v16, $0xF;
	s21 =	sxor.u32 $0x80000000, s21  }
0x10e: {  	v13 =	vadd.s32 v17, v13;
	v17 =	vld [tilespmem:s25+$0x600];
	p1 =	sgt.s32 s28, s21  }
0x10f: {  	v13 =	vadd.s32 v20, v13;
	v19 =	vld [tilespmem:s25+$0x800];
	s21 =	smov.u32 @p1 s28  }
.Ltmp7:
0x110: {  	v16 =	vadd.s32 v18, v13;
	v13 =	vld [tilespmem:s25+$0xA00];
	v18, _, _ =	vpop (xrf0);
	(pc) =	sbr.rel @p0 .LBB2_11-.Ltmp7, $4  }
0x111: {  	v16 =	vadd.s32 v14, v16;
	v14 =	vld [tilespmem:s25+$0xC00];
	v18 =	vperm.xlane v18, v5;
	v20, _, _ =	vpop (xrf0);
	s28 =	spop (v2sf)  }
0x112: {  	v21 =	vadd.s32 v15, v16;
	v15 =	vld [tilespmem:s25+$0xE00];
	s25 =	sadd.s32 $0xFFFFFFF0, s25;
	(v2sf) =	vpush v20, $0xF;
	s23 =	sadd.s32 s23, s28  }
0x113: {  	v16 =	vld [tilespmem:s25+$0xFFFFF000];
	v20 =	vadd.s32 v17, v21;
	v18 =	vadd.s32 s23, v18  }
0x114: {  	v17 =	vld [tilespmem:s25+$0xFFFFF200];
	v19 =	vadd.s32 v19, v20;
	vm3 =	vgt.s32 v18, $0x31;
	v18 =	vor.u32 s24, v6;
	s24 =	smov.u32 s22;
	s22 =	smov.u32 s26;
	s26 =	sadd.s32 $0xFFFFFFF0, s26  }
0x115: {  	v20 =	vld [tilespmem:s25+$0xFFFFF400];
	v13 =	vadd.s32 v13, v19  }
0x116: {  	v52 =	vld [tilespmem:s25+$0xFFFFF600];
	v13 =	vadd.s32 v14, v13  }
0x117: {  	v14 =	vld [tilespmem:s25+$0xFFFFF800];
	v13 =	vadd.s32 v15, v13  }
0x118: {  	v53 =	vld [tilespmem:s25+$0xFFFFFA00];
	v15 =	vnsel vm3, $0x7FFFFFFF, v18;
	v21 =	vperm.xlane v13, v5  }
0x119: {  	v54 =	vld [tilespmem:s25+$0xFFFFFC00];
	(xrf0) =	vmax.scan.msk.u32 $0xffff, v15;
	v15 =	vadd.s32 v16, v17  }
0x11a: {  	v55 =	vld [tilespmem:s25+$0xFFFFFE00];
	v15 =	vadd.s32 v20, v15;
	(xrf0) =	vadd.scan.msk.s32 $0xffff, v21  }
0x11b: {  	v56 =	vld [tilespmem:s25+$0x0];
	v15 =	vadd.s32 v52, v15;
	(xrf0) =	vadd.scan.msk.s32 $0xffff, v13  }
0x11c: {  	v13 =	vadd.s32 v14, v15;
	v14 =	vld [tilespmem:s25+$0x200]  }
0x11d: {  	v15 =	vld [tilespmem:s25+$0x400];
	v13 =	vadd.s32 v53, v13  }
0x11e: {  	v57 =	vld [tilespmem:s25+$0x600];
	v13 =	vadd.s32 v54, v13  }
0x11f: {  	v59 =	vld [tilespmem:s25+$0x800];
	v58, _, _ =	vpop (xrf0);
	v13 =	vadd.s32 v55, v13  }
0x120: {  	v60 =	vld [tilespmem:s25+$0xA00];
	v13 =	vadd.s32 v56, v13;
	v61, _, _ =	vpop (xrf0)  }
0x121: {  	(v2sf) =	vpush v58, $0xF;
	v13 =	vadd.s32 v14, v13;
	v14 =	vld [tilespmem:s25+$0xC00];
	v62, _, _ =	vpop (xrf0)  }
0x122: {  	v13 =	vadd.s32 v15, v13;
	v15 =	vld [tilespmem:s25+$0xE00];
	(v2sf) =	vpush v62, $0xF  }
0x123: {  	s31 =	spop (v2sf);
	v13 =	vadd.s32 v57, v13  }
0x124: {  	v63 =	vperm.xlane v61, v5;
	s26 =	spop (v2sf);
	v13 =	vadd.s32 v59, v13  }
0x125: {  	s23 =	sadd.s32 s23, s26;
	v13 =	vadd.s32 v60, v13  }
0x126: {  	v16 =	vadd.s32 s23, v63;
	v13 =	vadd.s32 v14, v13  }
0x127: {  	vm3 =	vgt.s32 v16, $0x31;
	v14 =	vor.u32 s24, v6;
	v13 =	vadd.s32 v15, v13  }
0x128: {  	v14 =	vnsel vm3, $0x7FFFFFFF, v14;
	v15 =	vperm.xlane v13, v5  }
0x129: {  	(xrf0) =	vmax.scan.msk.u32 $0xffff, v14  }
0x12a: {  	(xrf0) =	vadd.scan.msk.s32 $0xffff, v15;
	_ =	sdelay $0x4  }
0x12b: {  	v14, _, _ =	vpop (xrf0)  }
0x12c: {  	s28 =	spop (v2sf);
	v15, _, _ =	vpop (xrf0)  }
0x12d: {  	v15 =	vperm.xlane v15, v5;
	s29 =	spop (v2sf)  }
0x12e: {  	s23 =	sadd.s32 s23, s29  }
0x12f: {  	[tilespmem:$0x1CE80] =	vst v7;
	v15 =	vadd.s32 s23, v15  }
0x130: {  	[tilespmem:$0x1CF80] =	vst v2;
	vm3 =	vgt.s32 v15, $0x31;
	v15 =	vor.u32 s22, v6  }
0x131: {  	[tilespmem:$0x1CE90] =	vst v7;
	(xrf0) =	vadd.scan.msk.s32 $0xffff, v13;
	v13 =	vnsel vm3, $0x7FFFFFFF, v15  }
0x132: {  	[tilespmem:$0x1CF90] =	vst v2;
	(xrf0) =	vmax.scan.msk.u32 $0xffff, v13  }
0x133: {  	[tilespmem:$0x1CEA0] =	vst v7  }
0x134: {  	[tilespmem:$0x1CFA0] =	vst v2  }
0x135: {  	[tilespmem:$0x1CEB0] =	vst v7  }
0x136: {  	[tilespmem:$0x1CFB0] =	vst v2  }
0x137: {  	[tilespmem:$0x1CEC0] =	vst v7;
	(v2sf) =	vpush v14, $0xF;
	v13, _, _ =	vpop (xrf0)  }
0x138: {  	[tilespmem:$0x1CFC0] =	vst v2;
	(v2sf) =	vpush v13, $0xF;
	v13, _, _ =	vpop (xrf0)  }
0x139: {  	[tilespmem:$0x1CED0] =	vst v7;
	(v2sf) =	vpush v13, $0xF  }
0x13a: {  	[tilespmem:$0x1CFD0] =	vst v2  }
0x13b: {  	[tilespmem:$0x1CEE0] =	vst v7  }
0x13c: {  	[tilespmem:$0x1CFE0] =	vst v2  }
0x13d: {  	[tilespmem:$0x1CEF0] =	vst v7  }
0x13e: {  	[tilespmem:$0x1CFF0] =	vst v2  }
0x13f: {  	[tilespmem:$0x1CF00] =	vst v7  }
0x140: {  	[tilespmem:$0x1D000] =	vst v2  }
0x141: {  	[tilespmem:$0x1CF10] =	vst v7  }
0x142: {  	[tilespmem:$0x1D010] =	vst v2  }
0x143: {  	[tilespmem:$0x1CF20] =	vst v7;
	s22 =	sxor.u32 $0x80000000, s31  }
0x144: {  	[tilespmem:$0x1D020] =	vst v2;
	p0 =	sgt.s32 s21, s22  }
0x145: {  	[tilespmem:$0x1CF30] =	vst v7;
	s22 =	smov.u32 @p0 s21;
	s21 =	sxor.u32 $0x80000000, s28  }
0x146: {  	[tilespmem:$0x1D030] =	vst v2;
	p0 =	sgt.s32 s22, s21;
	s30 =	spop (v2sf)  }
0x147: {  	[tilespmem:$0x1CF40] =	vst v7;
	s21 =	smov.u32 @p0 s22;
	s22 =	sxor.u32 $0x80000000, s30;
	s31 =	spop (v2sf)  }
0x148: {  	[tilespmem:$0x1D040] =	vst v2;
	p0 =	sgt.s32 s21, s22;
	s23 =	spop (v2sf)  }
0x149: {  	[tilespmem:$0x1CF50] =	vst v7;
	s22 =	smov.u32 @p0 s21;
	s21 =	sxor.u32 $0x80000000, s23  }
.Ltmp8:
0x14a: {  	[tilespmem:$0x1D050] =	vst v2;
	p0 =	sgt.s32 s22, s21;
	(pc) =	sbr.rel .LBB2_13-.Ltmp8, $4  }
0x14b: {  	[tilespmem:$0x1CF60] =	vst v7;
	s21 =	smov.u32 @p0 s22  }
0x14c: {  	[tilespmem:$0x1D060] =	vst v2;
	p0 =	sgt.s32 s21, $0x0  }
0x14d: {  	[tilespmem:$0x1CF70] =	vst v7;
	s25 =	simm.s32 $0x0;
	s21 =	simm.s32 @!p0 $0x0  }
0x14e: {  	[tilespmem:$0x1D070] =	vst v2;
	s23 =	simm.s32 $0x0;
	s22 =	simm.s32 $0x50;
	v13 =	vadd.s32 s21, v1;
	s21 =	simm.s32 $0x1A700  }
.LBB2_15:
0x14f: {  	s23 =	sadd.s32 $0xA0, s23  }
0x150: {  	p0 =	sne.s32 s23, $0x186A0  }
.Ltmp9:
0x151: {  	_ = 	snop;
	(pc) =	sbr.rel @!p0 .LBB2_16-.Ltmp9, $2  }
0x152: {  	_ =	sdelay $0x2  }
0x153: {  	s21 =	sadd.s32 $0x10, s21;
	s22 =	sadd.s32 $0xA0, s22  }
.LBB2_13:
0x154: {  	v14 =	vld [tilespmem:s21+$0x0];
	_ =	sdelay $0x4  }
0x155: {  	v14 =	vsub.f32 v14, v10;
	_ =	sdelay $0x1  }
0x156: {  	v14 =	vmul.f32 v14, v9;
	_ =	sdelay $0x1  }
0x157: {  	v14 =	vadd.f32 $8.388608000e+06, v14;
	_ =	sdelay $0x1  }
0x158: {  	v14 =	vadd.s32 v3, v14  }
0x159: {  	vm3 =	vge.s32 v14, v13  }
0x15a: {  	v14 =	vmpcnt.ones.xlane vm3;
	_ =	sdelay $0x1  }
0x15b: {  	(v2sf) =	vpush v14, $0x0;
	_ =	sdelay $0xe  }
0x15c: {  	s24 =	spop (v2sf)  }
0x15d: {  	p0 =	slt.s32 s24, $0x1  }
.Ltmp10:
0x15e: {  	_ = 	snop;
	(pc) =	sbr.rel @p0 .LBB2_15-.Ltmp10, $1  }
0x15f: {  	_ =	sdelay $0x3  }
0x160: {  	v21 =	vld [tilespmem:s22+$0xFFFFFFB0]  }
0x161: {  	v22 =	vld [tilespmem:s22+$0xFFFFFFC0]  }
0x162: {  	v23 =	vld [tilespmem:s22+$0xFFFFFFD0]  }
0x163: {  	v20 =	vld [tilespmem:s22+$0xFFFFFFE0]  }
0x164: {  	v18 =	vld [tilespmem:s22+$0xFFFFFFF0]  }
0x165: {  	v17 =	vld [tilespmem:s22+$0x0];
	v14 =	vsub.f32 v21, v10;
	_ =	sdelay $0x1  }
0x166: {  	v15 =	vsub.f32 v22, v10;
	v14 =	vmul.f32 v14, v9  }
0x167: {  	v16 =	vsub.f32 v23, v10  }
0x168: {  	v24 =	vsub.f32 v20, v10;
	v15 =	vmul.f32 v15, v9;
	v14 =	vadd.f32 $8.388608000e+06, v14  }
0x169: {  	v25 =	vsub.f32 v18, v10;
	v26 =	vsub.f32 v17, v10  }
0x16a: {  	v16 =	vmul.f32 v16, v9;
	v19 =	vadd.f32 $8.388608000e+06, v15;
	v14 =	vadd.s32 v3, v14  }
0x16b: {  	s24 =	sadd.s32 $0x80, s23;
	v24 =	vmul.f32 v24, v9;
	v25 =	vmul.f32 v25, v9;
	v15 =	vld [tilespmem:s22+$0x10];
	vm10 =	vge.s32 v14, v13  }
0x16c: {  	s28 =	sand.u32 $0x60, s23;
	s26 =	sand.u32 $0x7FF80, s24;
	v16 =	vadd.f32 $8.388608000e+06, v16;
	v19 =	vadd.s32 v3, v19;
	v32 =	vsel vm10, $0x1, v2  }
0x16d: {  	s26 =	sor.u32 s28, s26;
	v26 =	vmul.f32 v26, v9;
	v24 =	vadd.f32 $8.388608000e+06, v24;
	v14 =	vld [tilespmem:s22+$0x20];
	vm11 =	vge.s32 v19, v13;
	(xrf0) =	vadd.scan.msk.s32 $0xffff, v32  }
0x16e: {  	v33 =	vld [tilespmem:s26+$0x0];
	v25 =	vadd.f32 $8.388608000e+06, v25;
	v31 =	vadd.s32 v3, v16;
	v34 =	vsel vm11, $0x1, v2  }
0x16f: {  	v26 =	vadd.f32 $8.388608000e+06, v26;
	v24 =	vadd.s32 v3, v24;
	vm9 =	vge.s32 v31, v13;
	(xrf0) =	vadd.scan.msk.s32 $0xffff, v34  }
0x170: {  	v25 =	vadd.s32 v3, v25;
	v36 =	vsel vm9, $0x1, v2;
	v35 =	vsub.f32 v15, v10  }
0x171: {  	v26 =	vadd.s32 v3, v26;
	vm5 =	vge.s32 v24, v13;
	vm3 =	vge.s32 v25, v13;
	(xrf0) =	vadd.scan.msk.s32 $0xffff, v36  }
0x172: {  	v39 =	vld [tilespmem:s22+$0x40];
	v38 =	vsel vm5, $0x1, v2;
	v37 =	vmul.f32 v35, v9;
	v27 =	vsub.f32 v14, v10  }
0x173: {  	v40 =	vsub.f32 v33, v10;
	vm8 =	vge.s32 v26, v13;
	v41 =	vsel vm3, $0x1, v2;
	v28, _, _ =	vpop (xrf0);
	(xrf0) =	vadd.scan.msk.s32 $0xffff, v38  }
0x174: {  	v24 =	vadd.f32 $8.388608000e+06, v37;
	v27 =	vmul.f32 v27, v9;
	(v2sf) =	vpush v28, $0xF  }
0x175: {  	v25 =	vmul.f32 v40, v9;
	v43 =	vsel vm8, $0x1, v2;
	v42, _, _ =	vpop (xrf0);
	(xrf0) =	vadd.scan.msk.s32 $0xffff, v41  }
0x176: {  	v24 =	vadd.s32 v3, v24;
	v27 =	vadd.f32 $8.388608000e+06, v27;
	(v2sf) =	vpush v42, $0xF  }
0x177: {  	v46 =	vsub.f32 v39, v10;
	v25 =	vadd.f32 $8.388608000e+06, v25;
	vm6 =	vge.s32 v24, v13;
	v45, _, _ =	vpop (xrf0);
	(xrf0) =	vadd.scan.msk.s32 $0xffff, v43  }
0x178: {  	v47 =	vsel vm6, $0x1, v2;
	v44 =	vadd.s32 v3, v27;
	(v2sf) =	vpush v45, $0xF  }
0x179: {  	v26 =	vmul.f32 v46, v9;
	vm7 =	vge.s32 v44, v13;
	v48, _, _ =	vpop (xrf0);
	(xrf0) =	vadd.scan.msk.s32 $0xffff, v47  }
0x17a: {  	v25 =	vadd.s32 v3, v25;
	v49 =	vsel vm7, $0x1, v2;
	(v2sf) =	vpush v48, $0xF  }
0x17b: {  	vm4 =	vge.s32 v25, v13;
	v50, _, _ =	vpop (xrf0);
	(xrf0) =	vadd.scan.msk.s32 $0xffff, v49  }
0x17c: {  	v51 =	vadd.f32 $8.388608000e+06, v26;
	v52 =	vsel vm4, $0x1, v2;
	(v2sf) =	vpush v50, $0xF  }
0x17d: {  	v53, _, _ =	vpop (xrf0);
	(xrf0) =	vadd.scan.msk.s32 $0xffff, v52  }
0x17e: {  	v24 =	vadd.s32 v3, v51;
	(v2sf) =	vpush v53, $0xF  }
0x17f: {  	vm12 =	vge.s32 v24, v13;
	v54, _, _ =	vpop (xrf0)  }
0x180: {  	v24 =	vsel vm12, $0x1, v2;
	(v2sf) =	vpush v54, $0xF  }
0x181: {  	(xrf0) =	vadd.scan.msk.s32 $0xffff, v24;
	v55, _, _ =	vpop (xrf0)  }
0x182: {  	(v2sf) =	vpush v55, $0xF  }
0x183: {  	p0 =	slt.s32 s25, $0xF0;
	s26 =	smov.u32 s25;
	v56, _, _ =	vpop (xrf0);
	s30 =	spop (v2sf)  }
0x184: {  	s26 =	simm.s32 @!p0 $0xF0;
	(v2sf) =	vpush v56, $0xF;
	s25 =	sadd.s32 s25, s30  }
0x185: {  	v57 =	vor.u32 s23, v0;
	[tilespmem:s26+$0x1CE80] =	vst.msk vm10, v21;
	s31 =	spop (v2sf);
	p0 =	slt.s32 s25, $0xF0;
	s29 =	smov.u32 s25  }
0x186: {  	[tilespmem:s26+$0x1CF80] =	vst.msk vm10, v57;
	s30 =	sadd.s32 $0x10, s23;
	s25 =	sadd.s32 s31, s25;
	s29 =	simm.s32 @!p0 $0xF0  }
0x187: {  	v58 =	vor.u32 s30, v0;
	s31 =	spop (v2sf);
	v59, _, _ =	vpop (xrf0);
	p0 =	slt.s32 s25, $0xF0;
	s26 =	smov.u32 s25;
	[tilespmem:s29+$0x1CE80] =	vst.msk vm11, v22  }
0x188: {  	s30 =	sadd.s32 $0x20, s23;
	s25 =	sadd.s32 s31, s25;
	(v2sf) =	vpush v59, $0xF;
	s26 =	simm.s32 @!p0 $0xF0;
	[tilespmem:s29+$0x1CF80] =	vst.msk vm11, v58  }
0x189: {  	v60 =	vor.u32 s30, v0;
	p0 =	slt.s32 s25, $0xF0;
	s29 =	smov.u32 s25;
	s31 =	spop (v2sf);
	[tilespmem:s26+$0x1CE80] =	vst.msk vm9, v23  }
0x18a: {  	s30 =	sadd.s32 $0x30, s23;
	s29 =	simm.s32 @!p0 $0xF0;
	[tilespmem:s26+$0x1CF80] =	vst.msk vm9, v60;
	s25 =	sadd.s32 s31, s25  }
0x18b: {  	v61 =	vor.u32 s30, v0;
	s31 =	spop (v2sf);
	[tilespmem:s29+$0x1CE80] =	vst.msk vm5, v20;
	p0 =	slt.s32 s25, $0xF0;
	s28 =	smov.u32 s25  }
0x18c: {  	s30 =	sadd.s32 $0x40, s23;
	s25 =	sadd.s32 s31, s25;
	[tilespmem:s29+$0x1CF80] =	vst.msk vm5, v61;
	s28 =	simm.s32 @!p0 $0xF0  }
0x18d: {  	v62 =	vor.u32 s30, v0;
	s31 =	spop (v2sf);
	p0 =	slt.s32 s25, $0xF0;
	s29 =	smov.u32 s25;
	[tilespmem:s28+$0x1CE80] =	vst.msk vm3, v18  }
0x18e: {  	s30 =	sadd.s32 $0x50, s23;
	s25 =	sadd.s32 s31, s25;
	s29 =	simm.s32 @!p0 $0xF0;
	[tilespmem:s28+$0x1CF80] =	vst.msk vm3, v62  }
0x18f: {  	v63 =	vor.u32 s30, v0;
	p0 =	slt.s32 s25, $0xF0;
	s28 =	smov.u32 s25;
	s31 =	spop (v2sf);
	[tilespmem:s29+$0x1CE80] =	vst.msk vm8, v17  }
0x190: {  	s30 =	sadd.s32 $0x60, s23;
	s28 =	simm.s32 @!p0 $0xF0;
	[tilespmem:s29+$0x1CF80] =	vst.msk vm8, v63;
	s25 =	sadd.s32 s31, s25  }
0x191: {  	s31 =	spop (v2sf);
	[tilespmem:s28+$0x1CE80] =	vst.msk vm6, v15;
	v15 =	vor.u32 s30, v0;
	p0 =	slt.s32 s25, $0xF0;
	s29 =	smov.u32 s25  }
0x192: {  	s30 =	sadd.s32 $0x70, s23;
	s25 =	sadd.s32 s31, s25;
	[tilespmem:s28+$0x1CF80] =	vst.msk vm6, v15;
	s29 =	simm.s32 @!p0 $0xF0  }
0x193: {  	s31 =	spop (v2sf);
	p0 =	slt.s32 s25, $0xF0;
	s28 =	smov.u32 s25;
	[tilespmem:s29+$0x1CE80] =	vst.msk vm7, v14;
	v14 =	vor.u32 s30, v0  }
.Ltmp11:
0x194: {  	s28 =	simm.s32 @!p0 $0xF0;
	s25 =	sadd.s32 s31, s25;
	[tilespmem:s29+$0x1CF80] =	vst.msk vm7, v14;
	(pc) =	sbr.rel .LBB2_15-.Ltmp11, $4  }
0x195: {  	v14 =	vor.u32 s24, v0;
	p0 =	slt.s32 s25, $0xF0;
	s24 =	smov.u32 s25;
	[tilespmem:s28+$0x1CE80] =	vst.msk vm4, v33  }
0x196: {  	s30 =	sadd.s32 $0x90, s23;
	s24 =	simm.s32 @!p0 $0xF0;
	[tilespmem:s28+$0x1CF80] =	vst.msk vm4, v14  }
0x197: {  	s31 =	spop (v2sf);
	v14 =	vor.u32 s30, v0;
	[tilespmem:s24+$0x1CE80] =	vst.msk vm12, v39  }
0x198: {  	s25 =	sadd.s32 s31, s25;
	[tilespmem:s24+$0x1CF80] =	vst.msk vm12, v14  }
.LBB2_16:
0x199: {  	v9 =	vadd.f32 v12, v11;
	_ =	sdelay $0x1  }
0x19a: {  	(xrf2) =	vadd.scan.msk.f32 $0xffff, v9;
	_ =	sdelay $0x6  }
0x19b: {  	p0 =	slt.s32 s25, $0x100  }
0x19c: {  	s25 =	simm.s32 @!p0 $0x100  }
0x19d: {  	s21 =	scvt.s32.f32 s25  }
0x19e: {  	v9, _, _ =	vpop (xrf2)  }
0x19f: {  	v10 =	vmov s21;
	v9 =	vbroadcast v9, $0xF  }
0x1a0: {  	v10 =	vnsel vm0, $0x0, v10  }
0x1a1: {  	v9 =	vsel vm1, v9, v10  }
0x1a2: {  	v8 =	vsel vm2, v9, v8  }
0x1a3: {  	[tilespmem:$0x1D080] =	vst v8  }
0x1a4: {  	[hbm4b:s4+s12] =	stream.strided.scatter [tilespmem:s16], [sflag:$0x2], $0x100, s13, s12, $0x38;
	[tilespmem:$0x1D100] =	vst v63  }
0x1a5: {  	_ =	swait.ge [sflag:s17], $0x100  }
0x1a6: {  	[sflag:s17] =	ssyncset.done $0x0  }
0x1a7: {  	[sflag:s17] =	ssyncadd.s32 $0xFFFFFF00  }
0x1a8: {  	[hbm4b:s5+s12] =	stream.strided.scatter [tilespmem:s18], [sflag:$0x2], $0x100, s13, s12, $0x38;
	[tilespmem:$0x1D100] =	vst v63  }
0x1a9: {  	_ =	swait.ge [sflag:s17], $0x100  }
0x1aa: {  	[sflag:s17] =	ssyncset.done $0x0  }
0x1ab: {  	s31 =	simm.s32 $0x0;
	[sflag:s17] =	ssyncadd.s32 $0xFFFFFF00  }
0x1ac: {  	[hbm4b:s6+s31] =	stream.linear.scatter [tilespmem:s19], [sflag:$0x2], $0x80, $0x38;
	[tilespmem:$0x1D100] =	vst v63  }
0x1ad: {  	_ =	swait.ge [sflag:s17], $0x80  }
0x1ae: {  	[sflag:s17] =	ssyncset.done $0x0  }
0x1af: {  	[sflag:s17] =	ssyncadd.s32 $0xFFFFFF80  }
0x1b0: {  	[tilespmem:s31], [sflag:$0x1] =	stream.strided.gather [hbm4b:s7+s12], $0x18700, s13, s12, $0x38;
	[tilespmem:$0x1D100] =	vst v63  }
0x1b1: {  	_ =	swait.ge [sflag:s14], $0x18700  }
0x1b2: {  	[sflag:s14] =	ssyncset.done $0x0  }
0x1b3: {  	s22 =	simm.s32 $0x50;
	[sflag:s14] =	ssyncadd.s32 $0xFFFE7900  }
0x1b4: {  	v8 =	vld [tilespmem:s22+$0xFFFFFFC0]  }
0x1b5: {  	v12 =	vld [tilespmem:s22+$0xFFFFFFB0]  }
0x1b6: {  	v13 =	vld [tilespmem:s22+$0xFFFFFFD0]  }
0x1b7: {  	v14 =	vld [tilespmem:s22+$0xFFFFFFE0]  }
0x1b8: {  	v15 =	vld [tilespmem:s22+$0xFFFFFFF0]  }
0x1b9: {  	v16 =	vld [tilespmem:s22+$0x0]  }
0x1ba: {  	v17 =	vld [tilespmem:s22+$0x10]  }
0x1bb: {  	s21 =	sand.u32 $0x3FFE0, s31;
	v18 =	vld [tilespmem:s22+$0x20]  }
0x1bc: {  	v19 =	vld [tilespmem:s21+$0x80]  }
0x1bd: {  	v20 =	vld [tilespmem:s22+$0x40];
	_ =	sdelay $0x1  }
0x1be: {  	v9 =	vmax.f32 v12, v8  }
0x1bf: {  	v10 =	vmax.f32 v13, v14;
	v11 =	vmax.f32 v15, v16;
	v21 =	vmax.f32 v17, v18  }
0x1c0: {  	v9 =	vmax.f32 v9, v10;
	v10 =	vmax.f32 v11, v21  }
0x1c1: {  	v11 =	vmax.f32 v19, v20;
	v9 =	vmax.f32 v9, v10  }
0x1c2: {  	s21 =	simm.s32 $0x1A700;
	v21 =	vmax.f32 v9, v11  }
0x1c3: {  	s22 =	simm.s32 $0xF0;
	[tilespmem:s21+$0x0] =	vst v21  }
0x1c4: {  	v9 =	vld [tilespmem:s22+$0xFFFFFFC0]  }
0x1c5: {  	v10 =	vld [tilespmem:s22+$0xFFFFFFB0]  }
0x1c6: {  	v22 =	vimm.f32 $+Inf;
	v11 =	vld [tilespmem:s22+$0xFFFFFFD0]  }
0x1c7: {  	v8 =	vmin.f32 v22, v8;
	v12 =	vmin.f32 v22, v12;
	v23 =	vmin.f32 v22, v13;
	v13 =	vld [tilespmem:s22+$0xFFFFFFE0]  }
0x1c8: {  	v22 =	vmin.f32 v22, v14;
	v12 =	vmin.f32 v12, v15;
	v8 =	vmin.f32 v8, v16;
	v14 =	vld [tilespmem:s22+$0xFFFFFFF0]  }
0x1c9: {  	v16 =	vimm.f32 $-Inf;
	v23 =	vmin.f32 v23, v17;
	v17 =	vmin.f32 v22, v18;
	v15 =	vld [tilespmem:s22+$0x0]  }
0x1ca: {  	s23 =	simm.s32 $0xA0;
	v12 =	vmin.f32 v12, v19;
	v19 =	vmin.f32 v8, v20;
	v8 =	vmax.f32 v16, v21;
	v16 =	vld [tilespmem:s22+$0x10]  }
0x1cb: {  	s24 =	sand.u32 $0x3FFE0, s23;
	s23 =	simm.s32 $0x140;
	v18 =	vmin.f32 v19, v9;
	v20 =	vmin.f32 v12, v10;
	v12 =	vld [tilespmem:s22+$0x20];
	v19 =	vmin.f32 v23, v11  }
.LBB2_17:
0x1cc: {  	p0 =	seq.s32 s23, $0x18600;
	v21 =	vld [tilespmem:s24+$0x80];
	v17 =	vmin.f32 v17, v13  }
0x1cd: {  	v22 =	vld [tilespmem:s22+$0x40];
	v20 =	vmin.f32 v20, v14  }
0x1ce: {  	v18 =	vmin.f32 v18, v15  }
0x1cf: {  	v9 =	vmax.f32 v10, v9;
	v19 =	vmin.f32 v19, v16  }
0x1d0: {  	v10 =	vmax.f32 v11, v13;
	v11 =	vmax.f32 v14, v15;
	v13 =	vmax.f32 v16, v12  }
0x1d1: {  	v9 =	vmax.f32 v9, v10;
	v10 =	vmax.f32 v11, v13;
	v20 =	vmin.f32 v20, v21  }
0x1d2: {  	v11 =	vmax.f32 v21, v22;
	v9 =	vmax.f32 v9, v10;
	v16 =	vmin.f32 v18, v22  }
0x1d3: {  	s21 =	sadd.s32 $0x10, s21;
	v17 =	vmin.f32 v17, v12;
	v9 =	vmax.f32 v9, v11  }
0x1d4: {  	s22 =	sadd.s32 $0xA0, s22;
	[tilespmem:s21+$0x0] =	vst v9;
	v8 =	vmax.f32 v8, v9  }
0x1d5: {  	v9 =	vld [tilespmem:s22+$0xFFFFFFC0]  }
0x1d6: {  	v10 =	vld [tilespmem:s22+$0xFFFFFFB0]  }
0x1d7: {  	v11 =	vld [tilespmem:s22+$0xFFFFFFD0]  }
.Ltmp12:
0x1d8: {  	v13 =	vld [tilespmem:s22+$0xFFFFFFE0];
	(pc) =	sbr.rel @!p0 .LBB2_17-.Ltmp12, $4  }
0x1d9: {  	v14 =	vld [tilespmem:s22+$0xFFFFFFF0]  }
0x1da: {  	v15 =	vld [tilespmem:s22+$0x0];
	v18 =	vmin.f32 v16, v9  }
0x1db: {  	v16 =	vld [tilespmem:s22+$0x10];
	v20 =	vmin.f32 v20, v10  }
0x1dc: {  	s24 =	sand.u32 $0x3FFE0, s23;
	s23 =	sadd.s32 $0xA0, s23;
	v12 =	vld [tilespmem:s22+$0x20];
	v19 =	vmin.f32 v19, v11  }
0x1dd: {  	v21 =	vld [tilespmem:s24+$0x80]  }
0x1de: {  	v22 =	vld [tilespmem:s22+$0x40];
	_ =	sdelay $0x1  }
0x1df: {  	v17 =	vmin.f32 v17, v13;
	v9 =	vmax.f32 v10, v9  }
0x1e0: {  	v10 =	vmax.f32 v11, v13;
	v11 =	vmax.f32 v14, v15;
	v13 =	vmax.f32 v16, v12  }
0x1e1: {  	v9 =	vmax.f32 v9, v10;
	v14 =	vmin.f32 v20, v14;
	v10 =	vmax.f32 v11, v13  }
0x1e2: {  	v11 =	vmin.f32 v18, v15;
	v13 =	vmax.f32 v21, v22;
	v15 =	vmax.f32 v9, v10  }
0x1e3: {  	s21 =	sadd.s32 $0x10, s21;
	v12 =	vmin.f32 v17, v12;
	v9 =	vmin.f32 v19, v16;
	v13 =	vmax.f32 v15, v13  }
0x1e4: {  	s22 =	simm.s32 $0x400;
	v10 =	vmin.f32 v14, v21;
	v11 =	vmin.f32 v11, v22;
	[tilespmem:s21+$0x0] =	vst v13;
	v8 =	vmax.f32 v8, v13;
	s21 =	simm.s32 $0x0  }
.LBB2_19:
0x1e5: {  	p0 =	seq.s32 s22, $0x7C00;
	[tilespmem:s21+$0x187F0] =	vst v2  }
0x1e6: {  	[tilespmem:s21+$0x18700] =	vst v2  }
0x1e7: {  	[tilespmem:s21+$0x18710] =	vst v2  }
0x1e8: {  	[tilespmem:s21+$0x18720] =	vst v2  }
0x1e9: {  	[tilespmem:s21+$0x18730] =	vst v2  }
0x1ea: {  	[tilespmem:s21+$0x18740] =	vst v2  }
0x1eb: {  	[tilespmem:s21+$0x18750] =	vst v2  }
0x1ec: {  	[tilespmem:s21+$0x18760] =	vst v2  }
0x1ed: {  	[tilespmem:s21+$0x18770] =	vst v2  }
0x1ee: {  	[tilespmem:s21+$0x18780] =	vst v2  }
0x1ef: {  	[tilespmem:s21+$0x18790] =	vst v2  }
.Ltmp13:
0x1f0: {  	[tilespmem:s21+$0x187A0] =	vst v2;
	(pc) =	sbr.rel @!p0 .LBB2_19-.Ltmp13, $4  }
0x1f1: {  	[tilespmem:s21+$0x187B0] =	vst v2  }
0x1f2: {  	[tilespmem:s21+$0x187C0] =	vst v2  }
0x1f3: {  	[tilespmem:s21+$0x187D0] =	vst v2  }
0x1f4: {  	[tilespmem:s21+$0x187E0] =	vst v2;
	s21 =	sshra.s32 s22, $0x2;
	s22 =	sadd.s32 $0x400, s22  }
0x1f5: {  	v10 =	vmin.f32 v10, v11;
	v9 =	vmin.f32 v9, v12  }
0x1f6: {  	(xrf0) =	vmax.scan.msk.f32 $0xffff, v8;
	v8 =	vmin.f32 v10, v9  }
0x1f7: {  	(xrf0) =	vmin.scan.msk.f32 $0xffff, v8;
	_ =	sdelay $0x4  }
0x1f8: {  	v8, _, _ =	vpop (xrf0)  }
0x1f9: {  	(v2sf) =	vpush v8, $0xF;
	v10, _, _ =	vpop (xrf0)  }
0x1fa: {  	(v2sf) =	vpush v10, $0xF  }
0x1fb: {  	[tilespmem:s21+$0x187F0] =	vst v2  }
0x1fc: {  	[tilespmem:s21+$0x18700] =	vst v2  }
0x1fd: {  	[tilespmem:s21+$0x18710] =	vst v2  }
0x1fe: {  	[tilespmem:s21+$0x18720] =	vst v2  }
0x1ff: {  	[tilespmem:s21+$0x18730] =	vst v2  }
0x200: {  	[tilespmem:s21+$0x18740] =	vst v2  }
0x201: {  	[tilespmem:s21+$0x18750] =	vst v2  }
0x202: {  	[tilespmem:s21+$0x18760] =	vst v2  }
0x203: {  	[tilespmem:s21+$0x18770] =	vst v2  }
0x204: {  	[tilespmem:s21+$0x18780] =	vst v2  }
0x205: {  	[tilespmem:s21+$0x18790] =	vst v2  }
0x206: {  	[tilespmem:s21+$0x187A0] =	vst v2  }
0x207: {  	[tilespmem:s21+$0x187B0] =	vst v2  }
0x208: {  	[tilespmem:s21+$0x187C0] =	vst v2;
	s31 =	spop (v2sf)  }
0x209: {  	[tilespmem:s21+$0x187D0] =	vst v2;
	s22 =	spop (v2sf)  }
0x20a: {  	[tilespmem:s21+$0x187E0] =	vst v2;
	s21 =	ssub.f32 s31, s22;
	_ =	sdelay $0x1  }
0x20b: {  	v9 =	vmov s21  }
0x20c: {  	v9 =	vmax.f32 v9, $1.000000000e-30  }
0x20d: {  	v9 =	vbroadcast v9, $0x0;
	_ =	sdelay $0x1  }
0x20e: {  	(erf) = vrcp.f32 v9;
	_ =	sdelay $0x2  }
0x20f: {  	s22 =	simm.s32 $0x50  }
0x210: {  	v11 =	vld [tilespmem:s22+$0xFFFFFFE0]  }
0x211: {  	v13 =	vld [tilespmem:s22+$0xFFFFFFB0]  }
0x212: {  	v19 =	vld [tilespmem:s22+$0xFFFFFFD0]  }
0x213: {  	v10 =	vbroadcast v10, $0xF  }
0x214: {  	v8 =	vbroadcast v8, $0xF  }
0x215: {  	v16 =	vld [tilespmem:s22+$0xFFFFFFF0];
	v22 =	vsub.f32 v11, v10;
	v9 =	vpop (erf)  }
0x216: {  	v15 =	vld [tilespmem:s22+$0x0];
	v18 =	vsub.f32 v11, v8;
	v17 =	vsub.f32 v13, v10;
	v9 =	vmul.f32 $5.100000000e+02, v9  }
0x217: {  	v12 =	vimm.f32 $0.0e+00;
	s24 =	simm.s32 $0xA0;
	v14 =	vld [tilespmem:s22+$0xFFFFFFC0];
	v20 =	vsub.f32 v13, v8;
	v21 =	vsub.f32 v19, v10  }
0x218: {  	s23 =	simm.s32 $0x50;
	s25 =	simm.s32 $0x0;
	s21 =	simm.s32 $0x0;
	v13 =	vld [tilespmem:s22+$0x10];
	v19 =	vsub.f32 v19, v8;
	v11 =	vimm.f32 $0.0e+00;
	v22 =	vmul.f32 v22, v9  }
.LBB2_21:
0x219: {  	p0 =	sne.s32 s24, $0x18600  }
0x21a: {  	v20 =	vmul.f32 $1.442695020e+00, v20;
	v18 =	vmul.f32 $1.442695020e+00, v18;
	v23 =	vsub.f32 v16, v8;
	s22 =	sadd.s32 $0xA0, s22;
	s26 =	smov.u32 s24;
	s24 =	sadd.s32 $0xA0, s24  }
0x21b: {  	v21 =	vmul.f32 v21, v9;
	v22 =	vadd.f32 $8.388608000e+06, v22;
	v19 =	vmul.f32 $1.442695020e+00, v19  }
0x21c: {  	v25 =	vsub.f32 v15, v8;
	v24 =	vsub.f32 v14, v8;
	v23 =	vmul.f32 $1.442695020e+00, v23  }
0x21d: {  	v15 =	vsub.f32 v15, v10;
	v26 =	vld [tilespmem:s23+$0x20];
	v21 =	vadd.f32 $8.388608000e+06, v21;
	(erf) = vpow2.f32 v20  }
0x21e: {  	s28 =	sand.u32 $0x3FFE0, s25;
	v16 =	vsub.f32 v16, v10;
	s25 =	smov.u32 s26;
	v20 =	vmul.f32 $1.442695020e+00, v24;
	(erf) = vpow2.f32 v23  }
0x21f: {  	v14 =	vsub.f32 v14, v10;
	v24 =	vmul.f32 $1.442695020e+00, v25;
	v25 =	vsub.f32 v13, v8;
	v23 =	vld [tilespmem:s28+$0x80]  }
0x220: {  	v15 =	vmul.f32 v15, v9;
	v13 =	vsub.f32 v13, v10;
	(erf) = vpow2.f32 v18  }
0x221: {  	v16 =	vmul.f32 v16, v9;
	v18 =	vadd.s32 v3, v21;
	(erf) = vpow2.f32 v19  }
0x222: {  	v17 =	vmul.f32 v17, v9;
	v15 =	vadd.f32 $8.388608000e+06, v15;
	v13 =	vmul.f32 v13, v9  }
0x223: {  	v14 =	vmul.f32 v14, v9;
	v16 =	vadd.f32 $8.388608000e+06, v16;
	v19 =	vsub.f32 v26, v8  }
0x224: {  	v25 =	vmul.f32 $1.442695020e+00, v25;
	v13 =	vadd.f32 $8.388608000e+06, v13;
	v21 =	vld [tilespmem:s23+$0x40];
	v27 =	vsub.f32 v23, v8;
	s23 =	smov.u32 s22  }
0x225: {  	v17 =	vadd.f32 $8.388608000e+06, v17;
	v29 =	vsub.f32 v26, v10;
	v19 =	vmul.f32 $1.442695020e+00, v19  }
0x226: {  	v14 =	vadd.f32 $8.388608000e+06, v14;
	v23 =	vsub.f32 v23, v10;
	v28 =	vpop (erf);
	(erf) = vpow2.f32 v20  }
0x227: {  	v17 =	vadd.s32 v3, v17;
	v20 =	vmul.f32 v29, v9;
	v26 =	vpop (erf);
	(erf) = vpow2.f32 v19  }
0x228: {  	v14 =	vadd.s32 v3, v14;
	v19 =	vmul.f32 v23, v9;
	(erf) = vpow2.f32 v24  }
0x229: {  	v22 =	vadd.s32 v3, v22;
	v20 =	vadd.f32 $8.388608000e+06, v20;
	v23 =	vsub.f32 v21, v10;
	v24 =	vpop (erf)  }
0x22a: {  	v27 =	vmul.f32 $1.442695020e+00, v27;
	v12 =	vadd.f32 v28, v12;
	v28 =	vpop (erf);
	(erf) = vpow2.f32 v25  }
0x22b: {  	v16 =	vadd.s32 v3, v16;
	v21 =	vsub.f32 v21, v8;
	v23 =	vmul.f32 v23, v9  }
0x22c: {  	v15 =	vadd.s32 v3, v15;
	v12 =	vadd.f32 v28, v12;
	[tilespmem:v17+s15+$0x0] =	vst.idx.add.s32.msk $0xffff, v4;
	(erf) = vpow2.f32 v27  }
0x22d: {  	v13 =	vadd.s32 v3, v13;
	v17 =	vadd.f32 $8.388608000e+06, v19;
	v19 =	vmul.f32 $1.442695020e+00, v21;
	[tilespmem:v14+s15+$0x0] =	vst.idx.add.s32.msk $0xffff, v4  }
0x22e: {  	v14 =	vadd.s32 v3, v20;
	v20 =	vadd.f32 $8.388608000e+06, v23;
	v12 =	vadd.f32 v26, v12;
	[tilespmem:v18+s15+$0x0] =	vst.idx.add.s32.msk $0xffff, v4  }
0x22f: {  	v17 =	vadd.s32 v3, v17;
	[tilespmem:v22+s15+$0x0] =	vst.idx.add.s32.msk $0xffff, v4;
	v18 =	vpop (erf);
	(erf) = vpow2.f32 v19  }
0x230: {  	v19 =	vadd.s32 v3, v20;
	v11 =	vadd.f32 v18, v11;
	[tilespmem:v16+s15+$0x0] =	vst.idx.add.s32.msk $0xffff, v4;
	v16 =	vpop (erf)  }
0x231: {  	[tilespmem:v15+s15+$0x0] =	vst.idx.add.s32.msk $0xffff, v4;
	v15 =	vpop (erf)  }
0x232: {  	v11 =	vadd.f32 v24, v11;
	[tilespmem:v13+s15+$0x0] =	vst.idx.add.s32.msk $0xffff, v4  }
0x233: {  	[tilespmem:v14+s15+$0x0] =	vst.idx.add.s32.msk $0xffff, v4;
	v13 =	vpop (erf)  }
0x234: {  	v11 =	vadd.f32 v15, v11;
	v12 =	vadd.f32 v13, v12;
	[tilespmem:v17+s15+$0x0] =	vst.idx.add.s32.msk $0xffff, v4  }
0x235: {  	[tilespmem:v19+s15+$0x0] =	vst.idx.add.s32.msk $0xffff, v4;
	v13 =	vpop (erf)  }
0x236: {  	v17 =	vld [tilespmem:s22+$0xFFFFFFE0];
	v11 =	vadd.f32 v16, v11;
	v12 =	vadd.f32 v13, v12  }
0x237: {  	v19 =	vld [tilespmem:s22+$0xFFFFFFB0]  }
0x238: {  	v23 =	vld [tilespmem:s22+$0xFFFFFFD0];
	v13 =	vpop (erf)  }
.Ltmp14:
0x239: {  	v16 =	vld [tilespmem:s22+$0xFFFFFFF0];
	v11 =	vadd.f32 v13, v11;
	(pc) =	sbr.rel @p0 .LBB2_21-.Ltmp14, $4  }
0x23a: {  	v15 =	vld [tilespmem:s22+$0x0]  }
0x23b: {  	v14 =	vld [tilespmem:s22+$0xFFFFFFC0];
	v22 =	vsub.f32 v17, v10;
	v18 =	vsub.f32 v17, v8  }
0x23c: {  	v13 =	vld [tilespmem:s22+$0x10];
	v17 =	vsub.f32 v19, v10;
	v20 =	vsub.f32 v19, v8  }
0x23d: {  	v21 =	vsub.f32 v23, v10;
	v22 =	vmul.f32 v22, v9;
	v19 =	vsub.f32 v23, v8  }
0x23e: {  	_ =	sdelay $0x1  }
0x23f: {  	v23 =	vsub.f32 v14, v10  }
0x240: {  	v24 =	vld [tilespmem:s23+$0x20];
	s22 =	sand.u32 $0x3FFE0, s25;
	v25 =	vmul.f32 v17, v9;
	v28 =	vsub.f32 v16, v10  }
0x241: {  	v21 =	vmul.f32 v21, v9;
	v26 =	vsub.f32 v15, v10;
	v27 =	vld [tilespmem:s22+$0x80];
	v23 =	vmul.f32 v23, v9  }
0x242: {  	v17 =	vld [tilespmem:s23+$0x40];
	v22 =	vadd.f32 $8.388608000e+06, v22;
	v25 =	vadd.f32 $8.388608000e+06, v25;
	v28 =	vmul.f32 v28, v9  }
0x243: {  	v21 =	vadd.f32 $8.388608000e+06, v21;
	v26 =	vmul.f32 v26, v9;
	v23 =	vadd.f32 $8.388608000e+06, v23  }
0x244: {  	v29 =	vsub.f32 v13, v10;
	v22 =	vadd.s32 v3, v22;
	v25 =	vadd.s32 v3, v25  }
0x245: {  	v28 =	vadd.f32 $8.388608000e+06, v28;
	v30 =	vsub.f32 v24, v10;
	v23 =	vadd.s32 v3, v23  }
0x246: {  	v21 =	vadd.s32 v3, v21;
	v29 =	vmul.f32 v29, v9;
	v31 =	vsub.f32 v27, v10  }
0x247: {  	v26 =	vadd.f32 $8.388608000e+06, v26;
	v32 =	vsub.f32 v17, v10;
	v30 =	vmul.f32 v30, v9  }
0x248: {  	v28 =	vadd.s32 v3, v28;
	v29 =	vadd.f32 $8.388608000e+06, v29;
	v31 =	vmul.f32 v31, v9  }
0x249: {  	v55 =	vmul.f32 v32, v9;
	v26 =	vadd.s32 v3, v26;
	[tilespmem:v25+s15+$0x0] =	vst.idx.add.s32.msk $0xffff, v4;
	v54 =	vadd.f32 $8.388608000e+06, v30  }
0x24a: {  	v56 =	vadd.s32 v3, v29;
	v57 =	vadd.f32 $8.388608000e+06, v31;
	[tilespmem:v23+s15+$0x0] =	vst.idx.add.s32.msk $0xffff, v4  }
0x24b: {  	v59 =	vadd.f32 $8.388608000e+06, v55;
	v58 =	vadd.s32 v3, v54;
	[tilespmem:v21+s15+$0x0] =	vst.idx.add.s32.msk $0xffff, v4  }
0x24c: {  	v29 =	vadd.s32 v3, v57;
	[tilespmem:v22+s15+$0x0] =	vst.idx.add.s32.msk $0xffff, v4  }
0x24d: {  	v60 =	vadd.s32 v3, v59;
	[tilespmem:v28+s15+$0x0] =	vst.idx.add.s32.msk $0xffff, v4  }
0x24e: {  	[tilespmem:v26+s15+$0x0] =	vst.idx.add.s32.msk $0xffff, v4  }
0x24f: {  	[tilespmem:v56+s15+$0x0] =	vst.idx.add.s32.msk $0xffff, v4  }
0x250: {  	[tilespmem:v58+s15+$0x0] =	vst.idx.add.s32.msk $0xffff, v4  }
0x251: {  	[tilespmem:v29+s15+$0x0] =	vst.idx.add.s32.msk $0xffff, v4  }
0x252: {  	s26 =	simm.s32 $0x198F0;
	[tilespmem:v60+s15+$0x0] =	vst.idx.add.s32.msk $0xffff, v4  }
0x253: {  	v21 =	vld [tilespmem:s26+$0xFFFFF000]  }
0x254: {  	v22 =	vld [tilespmem:s26+$0xFFFFF200]  }
0x255: {  	v23 =	vld [tilespmem:s26+$0xFFFFF400]  }
0x256: {  	v61 =	vld [tilespmem:s26+$0xFFFFF600]  }
0x257: {  	v26 =	vld [tilespmem:s26+$0xFFFFF800]  }
0x258: {  	v28 =	vld [tilespmem:s26+$0xFFFFFA00]  }
0x259: {  	v29 =	vld [tilespmem:s26+$0xFFFFFC00];
	v21 =	vadd.s32 v21, v22  }
0x25a: {  	v62 =	vld [tilespmem:s26+$0xFFFFFE00];
	v21 =	vadd.s32 v23, v21  }
0x25b: {  	v63 =	vld [tilespmem:s26+$0x0];
	v21 =	vadd.s32 v61, v21  }
0x25c: {  	v32 =	vld [tilespmem:s26+$0x200];
	v21 =	vadd.s32 v26, v21  }
0x25d: {  	v33 =	vld [tilespmem:s26+$0x400];
	v21 =	vadd.s32 v28, v21  }
0x25e: {  	v34 =	vld [tilespmem:s26+$0x600];
	v21 =	vadd.s32 v29, v21  }
0x25f: {  	v35 =	vld [tilespmem:s26+$0x800];
	v21 =	vadd.s32 v62, v21  }
0x260: {  	v36 =	vld [tilespmem:s26+$0xA00];
	v21 =	vadd.s32 v63, v21  }
0x261: {  	v37 =	vld [tilespmem:s26+$0xC00];
	v21 =	vadd.s32 v32, v21  }
0x262: {  	s28 =	simm.s32 $0x198E0;
	v38 =	vld [tilespmem:s26+$0xE00];
	v21 =	vadd.s32 v33, v21  }
0x263: {  	v39 =	vld [tilespmem:s28+$0xFFFFF000];
	v21 =	vadd.s32 v34, v21  }
0x264: {  	v40 =	vld [tilespmem:s28+$0xFFFFF200];
	v21 =	vadd.s32 v35, v21  }
0x265: {  	v41 =	vld [tilespmem:s28+$0xFFFFF400];
	v21 =	vadd.s32 v36, v21  }
0x266: {  	v42 =	vld [tilespmem:s28+$0xFFFFF600];
	v21 =	vadd.s32 v37, v21  }
0x267: {  	v43 =	vld [tilespmem:s28+$0xFFFFF800];
	v21 =	vadd.s32 v38, v21  }
0x268: {  	v20 =	vmul.f32 $1.442695020e+00, v20;
	v16 =	vsub.f32 v16, v8;
	v44 =	vld [tilespmem:s28+$0xFFFFFA00];
	v45 =	vperm.xlane v21, v5  }
0x269: {  	v46 =	vld [tilespmem:s28+$0xFFFFFC00];
	v26 =	vadd.s32 v39, v40  }
0x26a: {  	(erf) = vpow2.f32 v20;
	v16 =	vmul.f32 $1.442695020e+00, v16;
	v47 =	vld [tilespmem:s28+$0xFFFFFE00];
	v20 =	vadd.s32 v41, v26;
	(xrf0) =	vadd.scan.msk.s32 $0xffff, v45  }
0x26b: {  	v14 =	vsub.f32 v14, v8;
	v48 =	vld [tilespmem:s28+$0x0];
	v20 =	vadd.s32 v42, v20;
	(xrf0) =	vadd.scan.msk.s32 $0xffff, v21  }
0x26c: {  	v18 =	vmul.f32 $1.442695020e+00, v18;
	(erf) = vpow2.f32 v16;
	v16 =	vadd.s32 v43, v20;
	v20 =	vld [tilespmem:s28+$0x200]  }
0x26d: {  	v19 =	vmul.f32 $1.442695020e+00, v19;
	v14 =	vmul.f32 $1.442695020e+00, v14;
	v16 =	vadd.s32 v44, v16  }
0x26e: {  	v49 =	vsub.f32 v24, v8;
	(erf) = vpow2.f32 v18;
	v50 =	vld [tilespmem:s28+$0x400];
	v16 =	vadd.s32 v46, v16  }
0x26f: {  	v15 =	vsub.f32 v15, v8;
	(erf) = vpow2.f32 v19;
	v18 =	vld [tilespmem:s28+$0x600];
	v16 =	vadd.s32 v47, v16  }
0x270: {  	v19 =	vmul.f32 $1.442695020e+00, v49;
	(erf) = vpow2.f32 v14;
	v51 =	vld [tilespmem:s28+$0x800];
	v14 =	vadd.s32 v48, v16;
	v52, _, _ =	vpop (xrf0)  }
0x271: {  	v13 =	vsub.f32 v13, v8;
	v16 =	vld [tilespmem:s28+$0xA00];
	v14 =	vadd.s32 v20, v14;
	v20, _, _ =	vpop (xrf0)  }
0x272: {  	v15 =	vmul.f32 $1.442695020e+00, v15;
	(erf) = vpow2.f32 v19;
	v19 =	vld [tilespmem:s28+$0xC00];
	(v2sf) =	vpush v20, $0xF  }
0x273: {  	v13 =	vmul.f32 $1.442695020e+00, v13;
	v17 =	vsub.f32 v17, v8;
	v14 =	vadd.s32 v50, v14  }
0x274: {  	v53 =	vsub.f32 v27, v8;
	(erf) = vpow2.f32 v15;
	v15 =	vld [tilespmem:s28+$0xE00];
	v14 =	vadd.s32 v18, v14  }
0x275: {  	s29 =	simm.s32 $0x198D0;
	(erf) = vpow2.f32 v13;
	v14 =	vadd.s32 v51, v14;
	v18 =	vperm.xlane v52, v5  }
0x276: {  	v17 =	vmul.f32 $1.442695020e+00, v17;
	v55 =	vpop (erf);
	v13 =	vld [tilespmem:s29+$0xFFFFF000];
	v14 =	vadd.s32 v16, v14;
	v20 =	vmul.f32 $1.442695020e+00, v53  }
0x277: {  	s30 =	simm.s32 $0x1F0;
	v12 =	vadd.f32 v55, v12;
	v54 =	vld [tilespmem:s29+$0xFFFFF200];
	v14 =	vadd.s32 v19, v14;
	v18 =	vadd.s32 s21, v18  }
0x278: {  	v16 =	vpop (erf);
	(erf) = vpow2.f32 v20;
	v20 =	vld [tilespmem:s29+$0xFFFFF400];
	vm3 =	vgt.s32 v18, $0x31;
	v18 =	vor.u32 s30, v6  }
0x279: {  	v56 =	vld [tilespmem:s29+$0xFFFFF600];
	v19 =	vpop (erf);
	v14 =	vadd.s32 v15, v14;
	(erf) = vpow2.f32 v17;
	v17 =	vnsel vm3, $0x7FFFFFFF, v18  }
0x27a: {  	v57 =	vld [tilespmem:s29+$0xFFFFF800];
	v15 =	vpop (erf);
	v58 =	vperm.xlane v14, v5;
	(xrf0) =	vmax.scan.msk.u32 $0xffff, v17  }
0x27b: {  	v59 =	vpop (erf);
	v12 =	vadd.f32 v15, v12;
	v18 =	vld [tilespmem:s29+$0xFFFFFA00]  }
0x27c: {  	v13 =	vadd.s32 v13, v54;
	v11 =	vadd.f32 v59, v11;
	v15 =	vpop (erf);
	v17 =	vld [tilespmem:s29+$0xFFFFFC00];
	(xrf0) =	vadd.scan.msk.s32 $0xffff, v58  }
0x27d: {  	v61 =	vpop (erf);
	v12 =	vadd.f32 v16, v12;
	v13 =	vadd.s32 v20, v13;
	v20 =	vld [tilespmem:s29+$0xFFFFFE00]  }
0x27e: {  	v60 =	vld [tilespmem:s29+$0x0];
	v11 =	vadd.f32 v19, v11;
	v16 =	vpop (erf);
	v13 =	vadd.s32 v56, v13  }
0x27f: {  	v12 =	vadd.f32 v16, v12;
	(xrf0) =	vadd.scan.msk.s32 $0xffff, v14;
	v14 =	vld [tilespmem:s29+$0x200];
	v13 =	vadd.s32 v57, v13  }
0x280: {  	v11 =	vadd.f32 v61, v11;
	v13 =	vadd.s32 v18, v13;
	v18 =	vld [tilespmem:s29+$0x400];
	v16, _, _ =	vpop (xrf0)  }
0x281: {  	v19 =	vpop (erf);
	v13 =	vadd.s32 v17, v13;
	v17 =	vld [tilespmem:s29+$0x600];
	s31 =	spop (v2sf);
	(v2sf) =	vpush v16, $0xF  }
0x282: {  	v15 =	vadd.f32 v15, v11;
	v62, _, _ =	vpop (xrf0);
	v13 =	vadd.s32 v20, v13;
	v20 =	vld [tilespmem:s29+$0x800]  }
0x283: {  	v11 =	vadd.f32 v19, v12;
	v12 =	vpop (erf);
	v21 =	vadd.s32 v60, v13;
	v13 =	vld [tilespmem:s29+$0xA00]  }
0x284: {  	v63 =	vperm.xlane v62, v5;
	v12 =	vadd.f32 v12, v15;
	v15 =	vld [tilespmem:s29+$0xE00];
	v19 =	vadd.s32 v14, v21  }
0x285: {  	s25 =	simm.s32 $0x198C0;
	v14 =	vld [tilespmem:s29+$0xC00];
	v16, _, _ =	vpop (xrf0);
	v18 =	vadd.s32 v18, v19;
	s23 =	sadd.s32 $0x0, s31  }
0x286: {  	s24 =	simm.s32 $0x1D0;
	s28 =	simm.s32 $0x1E0;
	(v2sf) =	vpush v16, $0xF;
	v16 =	vld [tilespmem:s25+$0xFFFFF000];
	v18 =	vadd.s32 v17, v18;
	v21 =	vadd.s32 s23, v63  }
0x287: {  	s22 =	simm.s32 $0x1C0;
	s26 =	simm.s32 $0x1B0;
	s21 =	simm.s32 $0xFFFFFFFF;
	v17 =	vld [tilespmem:s25+$0xFFFFF200];
	v19 =	vadd.s32 v20, v18;
	v18 =	vor.u32 s28, v6;
	vm3 =	vgt.s32 v21, $0x31  }
.LBB2_23:
0x288: {  	s28 =	smov.u32 s21  }
0x289: {  	p0 =	sne.s32 s26, $0x0;
	v13 =	vadd.s32 v13, v19;
	v18 =	vnsel vm3, $0x7FFFFFFF, v18;
	v20 =	vld [tilespmem:s25+$0xFFFFF400]  }
0x28a: {  	v13 =	vadd.s32 v14, v13;
	v19 =	vld [tilespmem:s25+$0xFFFFF600];
	(xrf0) =	vmax.scan.msk.u32 $0xffff, v18  }
0x28b: {  	v13 =	vadd.s32 v15, v13;
	v14 =	vld [tilespmem:s25+$0xFFFFF800]  }
0x28c: {  	v18 =	vperm.xlane v13, v5;
	v15 =	vld [tilespmem:s25+$0xFFFFFA00]  }
0x28d: {  	v16 =	vadd.s32 v16, v17;
	v17 =	vld [tilespmem:s25+$0xFFFFFC00]  }
0x28e: {  	v21 =	vadd.s32 v20, v16;
	v20 =	vld [tilespmem:s25+$0xFFFFFE00];
	(xrf0) =	vadd.scan.msk.s32 $0xffff, v18  }
0x28f: {  	v19 =	vadd.s32 v19, v21;
	v18 =	vld [tilespmem:s25+$0x0];
	(xrf0) =	vadd.scan.msk.s32 $0xffff, v13  }
0x290: {  	v13 =	vadd.s32 v14, v19;
	v14 =	vld [tilespmem:s25+$0x200];
	v16, _, _ =	vpop (xrf0);
	s21 =	spop (v2sf)  }
0x291: {  	v13 =	vadd.s32 v15, v13;
	v15 =	vld [tilespmem:s25+$0x400];
	(v2sf) =	vpush v16, $0xF;
	s21 =	sxor.u32 $0x80000000, s21  }
0x292: {  	v13 =	vadd.s32 v17, v13;
	v17 =	vld [tilespmem:s25+$0x600];
	p1 =	sgt.s32 s28, s21  }
0x293: {  	v13 =	vadd.s32 v20, v13;
	v19 =	vld [tilespmem:s25+$0x800];
	s21 =	smov.u32 @p1 s28  }
.Ltmp15:
0x294: {  	v16 =	vadd.s32 v18, v13;
	v13 =	vld [tilespmem:s25+$0xA00];
	v18, _, _ =	vpop (xrf0);
	(pc) =	sbr.rel @p0 .LBB2_23-.Ltmp15, $4  }
0x295: {  	v16 =	vadd.s32 v14, v16;
	v14 =	vld [tilespmem:s25+$0xC00];
	v18 =	vperm.xlane v18, v5;
	v20, _, _ =	vpop (xrf0);
	s28 =	spop (v2sf)  }
0x296: {  	v21 =	vadd.s32 v15, v16;
	v15 =	vld [tilespmem:s25+$0xE00];
	s25 =	sadd.s32 $0xFFFFFFF0, s25;
	(v2sf) =	vpush v20, $0xF;
	s23 =	sadd.s32 s23, s28  }
0x297: {  	v16 =	vld [tilespmem:s25+$0xFFFFF000];
	v20 =	vadd.s32 v17, v21;
	v18 =	vadd.s32 s23, v18  }
0x298: {  	v17 =	vld [tilespmem:s25+$0xFFFFF200];
	v19 =	vadd.s32 v19, v20;
	vm3 =	vgt.s32 v18, $0x31;
	v18 =	vor.u32 s24, v6;
	s24 =	smov.u32 s22;
	s22 =	smov.u32 s26;
	s26 =	sadd.s32 $0xFFFFFFF0, s26  }
0x299: {  	v20 =	vld [tilespmem:s25+$0xFFFFF400];
	v13 =	vadd.s32 v13, v19  }
0x29a: {  	v52 =	vld [tilespmem:s25+$0xFFFFF600];
	v13 =	vadd.s32 v14, v13  }
0x29b: {  	v14 =	vld [tilespmem:s25+$0xFFFFF800];
	v13 =	vadd.s32 v15, v13  }
0x29c: {  	v53 =	vld [tilespmem:s25+$0xFFFFFA00];
	v15 =	vnsel vm3, $0x7FFFFFFF, v18;
	v21 =	vperm.xlane v13, v5  }
0x29d: {  	v54 =	vld [tilespmem:s25+$0xFFFFFC00];
	(xrf0) =	vmax.scan.msk.u32 $0xffff, v15;
	v15 =	vadd.s32 v16, v17  }
0x29e: {  	v55 =	vld [tilespmem:s25+$0xFFFFFE00];
	v15 =	vadd.s32 v20, v15;
	(xrf0) =	vadd.scan.msk.s32 $0xffff, v21  }
0x29f: {  	v56 =	vld [tilespmem:s25+$0x0];
	v15 =	vadd.s32 v52, v15;
	(xrf0) =	vadd.scan.msk.s32 $0xffff, v13  }
0x2a0: {  	v13 =	vadd.s32 v14, v15;
	v14 =	vld [tilespmem:s25+$0x200]  }
0x2a1: {  	v15 =	vld [tilespmem:s25+$0x400];
	v13 =	vadd.s32 v53, v13  }
0x2a2: {  	v57 =	vld [tilespmem:s25+$0x600];
	v13 =	vadd.s32 v54, v13  }
0x2a3: {  	v59 =	vld [tilespmem:s25+$0x800];
	v58, _, _ =	vpop (xrf0);
	v13 =	vadd.s32 v55, v13  }
0x2a4: {  	v60 =	vld [tilespmem:s25+$0xA00];
	v13 =	vadd.s32 v56, v13;
	v61, _, _ =	vpop (xrf0)  }
0x2a5: {  	(v2sf) =	vpush v58, $0xF;
	v13 =	vadd.s32 v14, v13;
	v14 =	vld [tilespmem:s25+$0xC00];
	v62, _, _ =	vpop (xrf0)  }
0x2a6: {  	v13 =	vadd.s32 v15, v13;
	v15 =	vld [tilespmem:s25+$0xE00];
	(v2sf) =	vpush v62, $0xF  }
0x2a7: {  	s31 =	spop (v2sf);
	v13 =	vadd.s32 v57, v13  }
0x2a8: {  	v63 =	vperm.xlane v61, v5;
	s26 =	spop (v2sf);
	v13 =	vadd.s32 v59, v13  }
0x2a9: {  	s23 =	sadd.s32 s23, s26;
	v13 =	vadd.s32 v60, v13  }
0x2aa: {  	v16 =	vadd.s32 s23, v63;
	v13 =	vadd.s32 v14, v13  }
0x2ab: {  	vm3 =	vgt.s32 v16, $0x31;
	v14 =	vor.u32 s24, v6;
	v13 =	vadd.s32 v15, v13  }
0x2ac: {  	v14 =	vnsel vm3, $0x7FFFFFFF, v14;
	v15 =	vperm.xlane v13, v5  }
0x2ad: {  	(xrf0) =	vmax.scan.msk.u32 $0xffff, v14  }
0x2ae: {  	(xrf0) =	vadd.scan.msk.s32 $0xffff, v15;
	_ =	sdelay $0x4  }
0x2af: {  	v14, _, _ =	vpop (xrf0)  }
0x2b0: {  	s28 =	spop (v2sf);
	v15, _, _ =	vpop (xrf0)  }
0x2b1: {  	v15 =	vperm.xlane v15, v5;
	s29 =	spop (v2sf)  }
0x2b2: {  	s23 =	sadd.s32 s23, s29  }
0x2b3: {  	[tilespmem:$0x1CE80] =	vst v7;
	v15 =	vadd.s32 s23, v15  }
0x2b4: {  	[tilespmem:$0x1CF80] =	vst v2;
	vm3 =	vgt.s32 v15, $0x31;
	v15 =	vor.u32 s22, v6  }
0x2b5: {  	[tilespmem:$0x1CE90] =	vst v7;
	(xrf0) =	vadd.scan.msk.s32 $0xffff, v13;
	v13 =	vnsel vm3, $0x7FFFFFFF, v15  }
0x2b6: {  	[tilespmem:$0x1CF90] =	vst v2;
	(xrf0) =	vmax.scan.msk.u32 $0xffff, v13  }
0x2b7: {  	[tilespmem:$0x1CEA0] =	vst v7  }
0x2b8: {  	[tilespmem:$0x1CFA0] =	vst v2  }
0x2b9: {  	[tilespmem:$0x1CEB0] =	vst v7  }
0x2ba: {  	[tilespmem:$0x1CFB0] =	vst v2  }
0x2bb: {  	[tilespmem:$0x1CEC0] =	vst v7;
	(v2sf) =	vpush v14, $0xF;
	v13, _, _ =	vpop (xrf0)  }
0x2bc: {  	[tilespmem:$0x1CFC0] =	vst v2;
	(v2sf) =	vpush v13, $0xF;
	v13, _, _ =	vpop (xrf0)  }
0x2bd: {  	[tilespmem:$0x1CED0] =	vst v7;
	(v2sf) =	vpush v13, $0xF  }
0x2be: {  	[tilespmem:$0x1CFD0] =	vst v2  }
0x2bf: {  	[tilespmem:$0x1CEE0] =	vst v7  }
0x2c0: {  	[tilespmem:$0x1CFE0] =	vst v2  }
0x2c1: {  	[tilespmem:$0x1CEF0] =	vst v7  }
0x2c2: {  	[tilespmem:$0x1CFF0] =	vst v2  }
0x2c3: {  	[tilespmem:$0x1CF00] =	vst v7  }
0x2c4: {  	[tilespmem:$0x1D000] =	vst v2  }
0x2c5: {  	[tilespmem:$0x1CF10] =	vst v7  }
0x2c6: {  	[tilespmem:$0x1D010] =	vst v2  }
0x2c7: {  	[tilespmem:$0x1CF20] =	vst v7;
	s22 =	sxor.u32 $0x80000000, s31  }
0x2c8: {  	[tilespmem:$0x1D020] =	vst v2;
	p0 =	sgt.s32 s21, s22  }
0x2c9: {  	[tilespmem:$0x1CF30] =	vst v7;
	s22 =	smov.u32 @p0 s21;
	s21 =	sxor.u32 $0x80000000, s28  }
0x2ca: {  	[tilespmem:$0x1D030] =	vst v2;
	p0 =	sgt.s32 s22, s21;
	s30 =	spop (v2sf)  }
0x2cb: {  	[tilespmem:$0x1CF40] =	vst v7;
	s21 =	smov.u32 @p0 s22;
	s22 =	sxor.u32 $0x80000000, s30;
	s31 =	spop (v2sf)  }
0x2cc: {  	[tilespmem:$0x1D040] =	vst v2;
	p0 =	sgt.s32 s21, s22;
	s23 =	spop (v2sf)  }
0x2cd: {  	[tilespmem:$0x1CF50] =	vst v7;
	s22 =	smov.u32 @p0 s21;
	s21 =	sxor.u32 $0x80000000, s23  }
.Ltmp16:
0x2ce: {  	[tilespmem:$0x1D050] =	vst v2;
	p0 =	sgt.s32 s22, s21;
	(pc) =	sbr.rel .LBB2_25-.Ltmp16, $4  }
0x2cf: {  	[tilespmem:$0x1CF60] =	vst v7;
	s21 =	smov.u32 @p0 s22  }
0x2d0: {  	[tilespmem:$0x1D060] =	vst v2;
	p0 =	sgt.s32 s21, $0x0  }
0x2d1: {  	[tilespmem:$0x1CF70] =	vst v7;
	s25 =	simm.s32 $0x0;
	s21 =	simm.s32 @!p0 $0x0  }
0x2d2: {  	[tilespmem:$0x1D070] =	vst v2;
	s23 =	simm.s32 $0x0;
	s22 =	simm.s32 $0x50;
	v13 =	vadd.s32 s21, v1;
	s21 =	simm.s32 $0x1A700  }
.LBB2_27:
0x2d3: {  	s23 =	sadd.s32 $0xA0, s23  }
0x2d4: {  	p0 =	sne.s32 s23, $0x186A0  }
.Ltmp17:
0x2d5: {  	_ = 	snop;
	(pc) =	sbr.rel @!p0 .LBB2_28-.Ltmp17, $2  }
0x2d6: {  	_ =	sdelay $0x2  }
0x2d7: {  	s21 =	sadd.s32 $0x10, s21;
	s22 =	sadd.s32 $0xA0, s22  }
.LBB2_25:
0x2d8: {  	v14 =	vld [tilespmem:s21+$0x0];
	_ =	sdelay $0x4  }
0x2d9: {  	v14 =	vsub.f32 v14, v10;
	_ =	sdelay $0x1  }
0x2da: {  	v14 =	vmul.f32 v14, v9;
	_ =	sdelay $0x1  }
0x2db: {  	v14 =	vadd.f32 $8.388608000e+06, v14;
	_ =	sdelay $0x1  }
0x2dc: {  	v14 =	vadd.s32 v3, v14  }
0x2dd: {  	vm3 =	vge.s32 v14, v13  }
0x2de: {  	v14 =	vmpcnt.ones.xlane vm3;
	_ =	sdelay $0x1  }
0x2df: {  	(v2sf) =	vpush v14, $0x0;
	_ =	sdelay $0xe  }
0x2e0: {  	s24 =	spop (v2sf)  }
0x2e1: {  	p0 =	slt.s32 s24, $0x1  }
.Ltmp18:
0x2e2: {  	_ = 	snop;
	(pc) =	sbr.rel @p0 .LBB2_27-.Ltmp18, $1  }
0x2e3: {  	_ =	sdelay $0x3  }
0x2e4: {  	v21 =	vld [tilespmem:s22+$0xFFFFFFB0]  }
0x2e5: {  	v22 =	vld [tilespmem:s22+$0xFFFFFFC0]  }
0x2e6: {  	v23 =	vld [tilespmem:s22+$0xFFFFFFD0]  }
0x2e7: {  	v20 =	vld [tilespmem:s22+$0xFFFFFFE0]  }
0x2e8: {  	v18 =	vld [tilespmem:s22+$0xFFFFFFF0]  }
0x2e9: {  	v17 =	vld [tilespmem:s22+$0x0];
	v14 =	vsub.f32 v21, v10;
	_ =	sdelay $0x1  }
0x2ea: {  	v15 =	vsub.f32 v22, v10;
	v14 =	vmul.f32 v14, v9  }
0x2eb: {  	v16 =	vsub.f32 v23, v10  }
0x2ec: {  	v24 =	vsub.f32 v20, v10;
	v15 =	vmul.f32 v15, v9;
	v14 =	vadd.f32 $8.388608000e+06, v14  }
0x2ed: {  	v25 =	vsub.f32 v18, v10;
	v26 =	vsub.f32 v17, v10  }
0x2ee: {  	v16 =	vmul.f32 v16, v9;
	v19 =	vadd.f32 $8.388608000e+06, v15;
	v14 =	vadd.s32 v3, v14  }
0x2ef: {  	s24 =	sadd.s32 $0x80, s23;
	v24 =	vmul.f32 v24, v9;
	v25 =	vmul.f32 v25, v9;
	v15 =	vld [tilespmem:s22+$0x10];
	vm10 =	vge.s32 v14, v13  }
0x2f0: {  	s28 =	sand.u32 $0x60, s23;
	s26 =	sand.u32 $0x7FF80, s24;
	v16 =	vadd.f32 $8.388608000e+06, v16;
	v19 =	vadd.s32 v3, v19;
	v32 =	vsel vm10, $0x1, v2  }
0x2f1: {  	s26 =	sor.u32 s28, s26;
	v26 =	vmul.f32 v26, v9;
	v24 =	vadd.f32 $8.388608000e+06, v24;
	v14 =	vld [tilespmem:s22+$0x20];
	vm11 =	vge.s32 v19, v13;
	(xrf0) =	vadd.scan.msk.s32 $0xffff, v32  }
0x2f2: {  	v33 =	vld [tilespmem:s26+$0x0];
	v25 =	vadd.f32 $8.388608000e+06, v25;
	v31 =	vadd.s32 v3, v16;
	v34 =	vsel vm11, $0x1, v2  }
0x2f3: {  	v26 =	vadd.f32 $8.388608000e+06, v26;
	v24 =	vadd.s32 v3, v24;
	vm9 =	vge.s32 v31, v13;
	(xrf0) =	vadd.scan.msk.s32 $0xffff, v34  }
0x2f4: {  	v25 =	vadd.s32 v3, v25;
	v36 =	vsel vm9, $0x1, v2;
	v35 =	vsub.f32 v15, v10  }
0x2f5: {  	v26 =	vadd.s32 v3, v26;
	vm5 =	vge.s32 v24, v13;
	vm3 =	vge.s32 v25, v13;
	(xrf0) =	vadd.scan.msk.s32 $0xffff, v36  }
0x2f6: {  	v39 =	vld [tilespmem:s22+$0x40];
	v38 =	vsel vm5, $0x1, v2;
	v37 =	vmul.f32 v35, v9;
	v27 =	vsub.f32 v14, v10  }
0x2f7: {  	v40 =	vsub.f32 v33, v10;
	vm8 =	vge.s32 v26, v13;
	v41 =	vsel vm3, $0x1, v2;
	v28, _, _ =	vpop (xrf0);
	(xrf0) =	vadd.scan.msk.s32 $0xffff, v38  }
0x2f8: {  	v24 =	vadd.f32 $8.388608000e+06, v37;
	v27 =	vmul.f32 v27, v9;
	(v2sf) =	vpush v28, $0xF  }
0x2f9: {  	v25 =	vmul.f32 v40, v9;
	v43 =	vsel vm8, $0x1, v2;
	v42, _, _ =	vpop (xrf0);
	(xrf0) =	vadd.scan.msk.s32 $0xffff, v41  }
0x2fa: {  	v24 =	vadd.s32 v3, v24;
	v27 =	vadd.f32 $8.388608000e+06, v27;
	(v2sf) =	vpush v42, $0xF  }
0x2fb: {  	v46 =	vsub.f32 v39, v10;
	v25 =	vadd.f32 $8.388608000e+06, v25;
	vm6 =	vge.s32 v24, v13;
	v45, _, _ =	vpop (xrf0);
	(xrf0) =	vadd.scan.msk.s32 $0xffff, v43  }
0x2fc: {  	v47 =	vsel vm6, $0x1, v2;
	v44 =	vadd.s32 v3, v27;
	(v2sf) =	vpush v45, $0xF  }
0x2fd: {  	v26 =	vmul.f32 v46, v9;
	vm7 =	vge.s32 v44, v13;
	v48, _, _ =	vpop (xrf0);
	(xrf0) =	vadd.scan.msk.s32 $0xffff, v47  }
0x2fe: {  	v25 =	vadd.s32 v3, v25;
	v49 =	vsel vm7, $0x1, v2;
	(v2sf) =	vpush v48, $0xF  }
0x2ff: {  	vm4 =	vge.s32 v25, v13;
	v50, _, _ =	vpop (xrf0);
	(xrf0) =	vadd.scan.msk.s32 $0xffff, v49  }
0x300: {  	v51 =	vadd.f32 $8.388608000e+06, v26;
	v52 =	vsel vm4, $0x1, v2;
	(v2sf) =	vpush v50, $0xF  }
0x301: {  	v53, _, _ =	vpop (xrf0);
	(xrf0) =	vadd.scan.msk.s32 $0xffff, v52  }
0x302: {  	v24 =	vadd.s32 v3, v51;
	(v2sf) =	vpush v53, $0xF  }
0x303: {  	vm12 =	vge.s32 v24, v13;
	v54, _, _ =	vpop (xrf0)  }
0x304: {  	v24 =	vsel vm12, $0x1, v2;
	(v2sf) =	vpush v54, $0xF  }
0x305: {  	(xrf0) =	vadd.scan.msk.s32 $0xffff, v24;
	v55, _, _ =	vpop (xrf0)  }
0x306: {  	(v2sf) =	vpush v55, $0xF  }
0x307: {  	p0 =	slt.s32 s25, $0xF0;
	s26 =	smov.u32 s25;
	v56, _, _ =	vpop (xrf0);
	s30 =	spop (v2sf)  }
0x308: {  	s26 =	simm.s32 @!p0 $0xF0;
	(v2sf) =	vpush v56, $0xF;
	s25 =	sadd.s32 s25, s30  }
0x309: {  	v57 =	vor.u32 s23, v0;
	[tilespmem:s26+$0x1CE80] =	vst.msk vm10, v21;
	s31 =	spop (v2sf);
	p0 =	slt.s32 s25, $0xF0;
	s29 =	smov.u32 s25  }
0x30a: {  	[tilespmem:s26+$0x1CF80] =	vst.msk vm10, v57;
	s30 =	sadd.s32 $0x10, s23;
	s25 =	sadd.s32 s31, s25;
	s29 =	simm.s32 @!p0 $0xF0  }
0x30b: {  	v58 =	vor.u32 s30, v0;
	s31 =	spop (v2sf);
	v59, _, _ =	vpop (xrf0);
	p0 =	slt.s32 s25, $0xF0;
	s26 =	smov.u32 s25;
	[tilespmem:s29+$0x1CE80] =	vst.msk vm11, v22  }
0x30c: {  	s30 =	sadd.s32 $0x20, s23;
	s25 =	sadd.s32 s31, s25;
	(v2sf) =	vpush v59, $0xF;
	s26 =	simm.s32 @!p0 $0xF0;
	[tilespmem:s29+$0x1CF80] =	vst.msk vm11, v58  }
0x30d: {  	v60 =	vor.u32 s30, v0;
	p0 =	slt.s32 s25, $0xF0;
	s29 =	smov.u32 s25;
	s31 =	spop (v2sf);
	[tilespmem:s26+$0x1CE80] =	vst.msk vm9, v23  }
0x30e: {  	s30 =	sadd.s32 $0x30, s23;
	s29 =	simm.s32 @!p0 $0xF0;
	[tilespmem:s26+$0x1CF80] =	vst.msk vm9, v60;
	s25 =	sadd.s32 s31, s25  }
0x30f: {  	v61 =	vor.u32 s30, v0;
	s31 =	spop (v2sf);
	[tilespmem:s29+$0x1CE80] =	vst.msk vm5, v20;
	p0 =	slt.s32 s25, $0xF0;
	s28 =	smov.u32 s25  }
0x310: {  	s30 =	sadd.s32 $0x40, s23;
	s25 =	sadd.s32 s31, s25;
	[tilespmem:s29+$0x1CF80] =	vst.msk vm5, v61;
	s28 =	simm.s32 @!p0 $0xF0  }
0x311: {  	v62 =	vor.u32 s30, v0;
	s31 =	spop (v2sf);
	p0 =	slt.s32 s25, $0xF0;
	s29 =	smov.u32 s25;
	[tilespmem:s28+$0x1CE80] =	vst.msk vm3, v18  }
0x312: {  	s30 =	sadd.s32 $0x50, s23;
	s25 =	sadd.s32 s31, s25;
	s29 =	simm.s32 @!p0 $0xF0;
	[tilespmem:s28+$0x1CF80] =	vst.msk vm3, v62  }
0x313: {  	v63 =	vor.u32 s30, v0;
	p0 =	slt.s32 s25, $0xF0;
	s28 =	smov.u32 s25;
	s31 =	spop (v2sf);
	[tilespmem:s29+$0x1CE80] =	vst.msk vm8, v17  }
0x314: {  	s30 =	sadd.s32 $0x60, s23;
	s28 =	simm.s32 @!p0 $0xF0;
	[tilespmem:s29+$0x1CF80] =	vst.msk vm8, v63;
	s25 =	sadd.s32 s31, s25  }
0x315: {  	s31 =	spop (v2sf);
	[tilespmem:s28+$0x1CE80] =	vst.msk vm6, v15;
	v15 =	vor.u32 s30, v0;
	p0 =	slt.s32 s25, $0xF0;
	s29 =	smov.u32 s25  }
0x316: {  	s30 =	sadd.s32 $0x70, s23;
	s25 =	sadd.s32 s31, s25;
	[tilespmem:s28+$0x1CF80] =	vst.msk vm6, v15;
	s29 =	simm.s32 @!p0 $0xF0  }
0x317: {  	s31 =	spop (v2sf);
	p0 =	slt.s32 s25, $0xF0;
	s28 =	smov.u32 s25;
	[tilespmem:s29+$0x1CE80] =	vst.msk vm7, v14;
	v14 =	vor.u32 s30, v0  }
.Ltmp19:
0x318: {  	s28 =	simm.s32 @!p0 $0xF0;
	s25 =	sadd.s32 s31, s25;
	[tilespmem:s29+$0x1CF80] =	vst.msk vm7, v14;
	(pc) =	sbr.rel .LBB2_27-.Ltmp19, $4  }
0x319: {  	v14 =	vor.u32 s24, v0;
	p0 =	slt.s32 s25, $0xF0;
	s24 =	smov.u32 s25;
	[tilespmem:s28+$0x1CE80] =	vst.msk vm4, v33  }
0x31a: {  	s30 =	sadd.s32 $0x90, s23;
	s24 =	simm.s32 @!p0 $0xF0;
	[tilespmem:s28+$0x1CF80] =	vst.msk vm4, v14  }
0x31b: {  	s31 =	spop (v2sf);
	v14 =	vor.u32 s30, v0;
	[tilespmem:s24+$0x1CE80] =	vst.msk vm12, v39  }
0x31c: {  	s25 =	sadd.s32 s31, s25;
	[tilespmem:s24+$0x1CF80] =	vst.msk vm12, v14  }
.LBB2_2:
.Ltmp20:
0x31d: {  	(pc) =	sbr.rel .LBB2_6-.Ltmp20, $2  }
0x31e: {  	_ =	sdelay $0x2  }
0x31f: {  	s23 =	simm.s32 $0x1A700  }
.LBB2_4:
.Ltmp21:
0x320: {  	(pc) =	sbr.rel .LBB2_6-.Ltmp21, $2  }
0x321: {  	_ =	sdelay $0x2  }
0x322: {  	s23 =	simm.s32 $0x1A700  }
.LBB2_29:
0x323: {  	_ =	sfence.sel $0x180000  }
0x324: {  	[bflag:$0x0] =	sbarrier.arrive $0xFFFF  }
0x325: {  	p0 =	sne.s32 s2, $0x0;
	_ =	strace $0x90000047  }
0x326: {  	s0 =	sadd.s32 @!p0 $0x100000, s0;
	[bflag:$0x2] =	sbarrier.arrive $0xFFFF  }
0x327: {  	[sflag:s0] =	ssyncadd.tile.s32 @!p0 $0x1;
	_ =	shalt  }
.Lfunc_end2:
_tile_overlayer_lowered:
.L_overlay_start_2:
0x328: {  	(tag) =	ssettag $0x2  }
0x329: {  	s0 =	rddreg [dreg:$0x0];
	s2 =	stileid.u32  }
0x32a: {  	s1 =	rddreg [dreg:$0x1];
	p0 =	sne.s32 s2, $0x0  }
0x32b: {  	s3 =	rddreg [dreg:$0x2];
	[bflag:$0x3] =	sbarrier.arrive $0xFFFF;
	s2 =	simm.s32 @!p0 $0x1C02  }
0x32c: {  	[timem:s3], [sflag:s2] =	dma.local @!p0 [hbm:s0], s1  }
0x32d: {  	s0 =	simm.s32 @!p0 $0x2  }
0x32e: {  	_ =	swait.ge @!p0 [sflag:s0], s1  }
0x32f: {  	s1 =	ssub.s32 @!p0 $0x0, s1;
	[sflag:s0] =	ssyncset.done @!p0 $0x0  }
0x330: {  	[sflag:s0] =	ssyncadd.s32 @!p0 s1  }
0x331: {  	[bflag:$0x3] =	sbarrier.arrive $0xFFFF  }
0x332: {  	_ =	shalt  }

</sc_bundles>
